<compile_context>
chip_gen: v7x
topology: tpu7x:2x2x1
jax: 0.10.2.dev20260603
libtpu: 0.0.44.dev20260713+nightly
codegen_flags: <defaults>
</compile_context>

<pallas_src>
import functools

import jax
import jax.numpy as jnp
from jax import lax
from jax.experimental import pallas as pl
from jax.experimental.pallas import tpu as pltpu
from jax.experimental.pallas import tpu_sc as plsc

N_NODES = 10000
EMB = 128
K_SENT = N_NODES * N_NODES
KPAD = 100_728_832
RROWS = KPAD // 128
HALF = KPAD // 2
TRASH_E = K_SENT + 128
TRASH_L = TRASH_E + 327_680
TRASH_M = TRASH_L + 16_384

NE_ROWS = 2560
NL_ROWS = 128
NM_ROWS = 2560
TOTAL_PAD = 650240

_SC = plsc.VectorSubcoreMesh(core_axis_name="c", subcore_axis_name="s")


def _mm_body(x_ref, w_ref, o_ref):
    o_ref[...] = jax.lax.dot_general(
        x_ref[...], w_ref[...],
        dimension_numbers=(((1,), (1,)), ((), ())),
        preferred_element_type=jnp.float32,
    )


def _linear(mmsbm_val, W):
    M = mmsbm_val.shape[0]
    BM = 640
    return pl.pallas_call(
        _mm_body,
        grid=(M // BM,),
        in_specs=[
            pl.BlockSpec((BM, EMB), lambda i: (i, 0)),
            pl.BlockSpec((128, EMB), lambda i: (0, 0)),
        ],
        out_specs=pl.BlockSpec((BM, EMB), lambda i: (i, 0)),
        out_shape=jax.ShapeDtypeStruct((M, EMB), jnp.float32),
    )(mmsbm_val, W)


_ZB = 16384
_SHW = 262144
_HZ_T = HALF // 16


def _iota16():
    return lax.broadcasted_iota(jnp.int32, (16,), 0)


def _fill_words(buf, nwords, value):
    def body(i, _):
        buf[pl.ds(i * 16, 16)] = jnp.full((16,), value, jnp.int32)
        return 0
    lax.fori_loop(0, nwords // 16, body, 0)


def _scatter_ones(ke, kl, km, present, kbuf, ibuf, obuf, zbuf, zsh, sem):
    cid = lax.axis_index("c")
    sid = lax.axis_index("s")
    wid = cid * 16 + sid
    with jax.named_scope("zs_fill"):
        _fill_words(zbuf, _ZB, 0)
        pltpu.sync_copy(zbuf, zsh.at[pl.ds(sid * _ZB, _ZB)])
        _fill_words(obuf, 128, 1)
        plsc.subcore_barrier()

    stripe0 = cid * HALF + sid * _HZ_T
    n_full = _HZ_T // _SHW
    rem = _HZ_T - n_full * _SHW

    with jax.named_scope("zs_pump"):
        def zfire(i, _):
            pltpu.make_async_copy(
                zsh, present.at[pl.ds(stripe0 + i * _SHW, _SHW)], sem).start()
            return 0
        lax.fori_loop(0, n_full, zfire, 0)
        if rem:
            pltpu.make_async_copy(
                zsh.at[pl.ds(0, rem)],
                present.at[pl.ds(stripe0 + n_full * _SHW, rem)], sem).start()

        def zdrain(i, _):
            pltpu.make_async_copy(
                zsh, present.at[pl.ds(stripe0 + i * _SHW, _SHW)], sem).wait()
            return 0
        lax.fori_loop(0, n_full, zdrain, 0)
        if rem:
            pltpu.make_async_copy(
                zsh.at[pl.ds(0, rem)],
                present.at[pl.ds(stripe0 + n_full * _SHW, rem)], sem).wait()
        plsc.subcore_barrier()

    lo = cid * HALF
    hi = lo + HALF

    def do_array(keys_hbm, nrows, trash_off):
        rpt = nrows // 16
        base = sid * rpt
        pltpu.sync_copy(keys_hbm.at[pl.ds(base, rpt)], kbuf.at[pl.ds(0, rpt)])

        def chunk(j, _):
            for l in range(8):
                k = kbuf[j, pl.ds(l * 16, 16)]
                in_half = jnp.logical_and(k >= lo, k < hi)
                tr = trash_off + (base + j) * 128 + l * 16 + _iota16()
                ibuf[j, pl.ds(l * 16, 16)] = jnp.where(in_half, k, tr)
            pltpu.make_async_copy(obuf, present.at[ibuf.at[j]], sem).start()
            return 0
        lax.fori_loop(0, rpt, chunk, 0)

        def drain(j, _):
            pltpu.make_async_copy(obuf, present.at[ibuf.at[j]], sem).wait()
            return 0
        lax.fori_loop(0, rpt, drain, 0)

    with jax.named_scope("scat_e"):
        do_array(ke, NE_ROWS, TRASH_E)
    with jax.named_scope("scat_l"):
        do_array(kl, NL_ROWS, TRASH_L)
    with jax.named_scope("scat_m"):
        do_array(km, NM_ROWS, TRASH_M)


def _present_kernel(ke2, kl2, km2):
    f = pl.kernel(
        _scatter_ones,
        out_type=jax.ShapeDtypeStruct((KPAD,), jnp.int32),
        mesh=_SC,
        scratch_types=[
            pltpu.VMEM((NE_ROWS // 16, 128), jnp.int32),
            pltpu.VMEM((NE_ROWS // 16, 128), jnp.int32),
            pltpu.VMEM((128,), jnp.int32),
            pltpu.VMEM((_ZB,), jnp.int32),
            pltpu.VMEM_SHARED((_SHW,), jnp.int32),
            pltpu.SemaphoreType.DMA,
        ],
    )
    return f(ke2, kl2, km2)


_PB = 512


def _prefix_body(x_ref, o_ref, carry_ref):
    i = pl.program_id(0)

    @pl.when(i == 0)
    def _():
        carry_ref[0] = 0.0

    x = x_ref[...].astype(jnp.float32)
    r128 = lax.broadcasted_iota(jnp.int32, (128, 128), 0)
    c128 = lax.broadcasted_iota(jnp.int32, (128, 128), 1)
    upper = (r128 < c128).astype(jnp.float32)
    lane_pref = jax.lax.dot_general(
        x, upper, dimension_numbers=(((1,), (0,)), ((), ())),
        preferred_element_type=jnp.float32)
    ones_col = jnp.ones((128, 1), jnp.float32)
    rs = jax.lax.dot_general(
        x, ones_col, dimension_numbers=(((1,), (0,)), ((), ())),
        preferred_element_type=jnp.float32)
    rb = lax.broadcasted_iota(jnp.int32, (_PB, _PB), 0)
    cb = lax.broadcasted_iota(jnp.int32, (_PB, _PB), 1)
    lower = (rb > cb).astype(jnp.float32)
    row_pref = jax.lax.dot_general(
        lower, rs, dimension_numbers=(((1,), (0,)), ((), ())),
        preferred_element_type=jnp.float32)
    carry = carry_ref[0]
    o_ref[...] = (lane_pref + row_pref + carry).astype(jnp.int32)
    carry_ref[0] = carry + jnp.sum(rs)


def _prefix(present2d):
    return pl.pallas_call(
        _prefix_body,
        grid=(RROWS // _PB,),
        in_specs=[pl.BlockSpec((_PB, 128), lambda i: (i, 0))],
        out_specs=pl.BlockSpec((_PB, 128), lambda i: (i, 0)),
        out_shape=jax.ShapeDtypeStruct((RROWS, 128), jnp.int32),
        scratch_shapes=[pltpu.SMEM((1,), jnp.float32)],
    )(present2d)


def _rank_gather_body(P, ke, kl, km, re_, rl, rm, kbuf, rbuf, sem):
    cid = lax.axis_index("c")
    sid = lax.axis_index("s")
    wid = sid * 2 + cid

    def do_array(keys_hbm, ranks_hbm, nrows):
        rpt = nrows // 32
        base = wid * rpt
        pltpu.sync_copy(keys_hbm.at[pl.ds(base, rpt)], kbuf.at[pl.ds(0, rpt)])

        def chunk(j, _):
            pltpu.make_async_copy(P.at[kbuf.at[j]], rbuf.at[j], sem).start()
            return 0
        lax.fori_loop(0, rpt, chunk, 0)

        def drain(j, _):
            pltpu.make_async_copy(P.at[kbuf.at[j]], rbuf.at[j], sem).wait()
            return 0
        lax.fori_loop(0, rpt, drain, 0)
        pltpu.sync_copy(rbuf.at[pl.ds(0, rpt)], ranks_hbm.at[pl.ds(base, rpt)])

    do_array(ke, re_, NE_ROWS)
    do_array(kl, rl, NL_ROWS)
    do_array(km, rm, NM_ROWS)


def _rank_gather(P_flat, ke2, kl2, km2):
    f = pl.kernel(
        _rank_gather_body,
        out_type=(
            jax.ShapeDtypeStruct((NE_ROWS, 128), jnp.int32),
            jax.ShapeDtypeStruct((NL_ROWS, 128), jnp.int32),
            jax.ShapeDtypeStruct((NM_ROWS, 128), jnp.int32),
        ),
        mesh=_SC,
        scratch_types=[
            pltpu.VMEM((NE_ROWS // 32, 128), jnp.int32),
            pltpu.VMEM((NE_ROWS // 32, 128), jnp.int32),
            pltpu.SemaphoreType.DMA,
        ],
    )
    return f(P_flat, ke2, kl2, km2)


def kernel(mmsbm_index, mmsbm_val, edge_index, edge_attr, W, num_nodes):
    N = N_NODES
    mv = _linear(mmsbm_val, W)

    ar = jnp.arange(N, dtype=jnp.int32)
    ke = edge_index[0] * N + edge_index[1]
    kl = ar * (N + 1)
    km = mmsbm_index[0] * N + mmsbm_index[1]
    pad = lambda k, r: jnp.concatenate(
        [k, jnp.full((r * 128 - k.shape[0],), K_SENT, jnp.int32)]).reshape(r, 128)
    ke_p, kl_p, km_p = pad(ke, NE_ROWS), pad(kl, NL_ROWS), pad(km, NM_ROWS)

    present = _present_kernel(ke_p, kl_p, km_p)
    P = _prefix(present.reshape(RROWS, 128))
    re_, rl, rm = _rank_gather(P.reshape(-1), ke_p, kl_p, km_p)

    inv = jnp.concatenate(
        [re_.reshape(-1)[:320000], rl.reshape(-1)[:N], rm.reshape(-1)[:320000]])
    rows = jnp.concatenate([edge_index[0], ar, mmsbm_index[0]])
    cols = jnp.concatenate([edge_index[1], ar, mmsbm_index[1]])
    all_val = jnp.concatenate(
        [edge_attr, jnp.zeros((N, EMB), jnp.float32), mv], axis=0)
    out_val = jax.ops.segment_sum(all_val, inv, num_segments=TOTAL_PAD)
    rowbuf = jnp.full((TOTAL_PAD,), N, jnp.int32).at[inv].set(rows)
    colbuf = jnp.zeros((TOTAL_PAD,), jnp.int32).at[inv].set(cols)
    out_idx = jnp.stack([rowbuf[:650000], colbuf[:650000]])
    return out_idx, out_val[:650000]

# --- scband reference (transcript-rebuilt; emitter-appended) ---
"""Pipeline reference for scband-mmsbmlinear-edge-encoder-36429912605196 (READ-ONLY COPY).

The authoritative reference and input builder live on the scoring server;
editing this copy changes nothing except your own understanding.
"""

import jax, jax.numpy as jnp
import numpy as np

N_NODES = 10000
N_EDGES = 320000
N_MM = 320000
EMB_DIM = 128
OUT_DIM = 128


def setup_inputs(seed: int = 0) -> dict:
    key = jax.random.key(seed)
    k1, k2, k3, k4, k5 = jax.random.split(key, 5)
    mmsbm_index = jax.random.randint(k1, (2, N_MM), 0, N_NODES, dtype=jnp.int64 if jax.config.jax_enable_x64 else jnp.int32)
    mmsbm_val = jax.random.normal(k2, (N_MM, EMB_DIM), dtype=jnp.float32)
    edge_index = jax.random.randint(k3, (2, N_EDGES), 0, N_NODES, dtype=jnp.int64 if jax.config.jax_enable_x64 else jnp.int32)
    edge_attr = jax.random.normal(k4, (N_EDGES, OUT_DIM), dtype=jnp.float32)
    # fc weight, xavier-uniform style init, shape [out_dim, emb_dim] (torch convention)
    limit = float(np.sqrt(6.0 / (EMB_DIM + OUT_DIM)))
    W = jax.random.uniform(k5, (OUT_DIM, EMB_DIM), dtype=jnp.float32, minval=-limit, maxval=limit)
    return {
        "mmsbm_index": mmsbm_index,
        "mmsbm_val": mmsbm_val,
        "edge_index": edge_index,
        "edge_attr": edge_attr,
        "W": W,
        "num_nodes": N_NODES,
    }


def reference(mmsbm_index, mmsbm_val, edge_index, edge_attr, W, num_nodes):
    N = N_NODES
    # FC on mmsbm values (nn.Linear, no bias)
    mv = mmsbm_val @ W.T
    # add_self_loops with fill_value=0.0
    ar = jnp.arange(N, dtype=edge_index.dtype)
    loop_idx = jnp.stack([ar, ar])
    loop_attr = jnp.zeros((N, edge_attr.shape[1]), dtype=edge_attr.dtype)
    ei = jnp.concatenate([edge_index, loop_idx], axis=1)
    ea = jnp.concatenate([edge_attr, loop_attr], axis=0)
    # coalesce(cat([edge_index, mmsbm_idx]), cat([edge_attr, mmsbm_val]), op='add')
    all_idx = jnp.concatenate([ei, mmsbm_index], axis=1)
    all_val = jnp.concatenate([ea, mv], axis=0)
    keys = all_idx[0] * num_nodes + all_idx[1]
    total = keys.shape[0]
    uk, inv = jnp.unique(keys, return_inverse=True, size=total, fill_value=N * N)
    out_val = jax.ops.segment_sum(all_val, inv.reshape(-1), num_segments=total)
    out_idx = jnp.stack([uk // num_nodes, uk % num_nodes])
    return out_idx, out_val

if __name__ == "__main__":
    import jax
    _d = setup_inputs()
    print(jax.jit(kernel)(*tuple(_d.values())))

</pallas_src>

<mosaic_0001>
#map = affine_map<(d0, d1) -> (0, 0)>
#map1 = affine_map<(d0, d1) -> (0)>
module attributes {stable_mosaic.version = 14 : i64} {
  func.func @_scatter_ones(%arg0: i32, %arg1: i32, %arg2: memref<2560x128xi32, #tpu.memory_space<hbm>>, %arg3: memref<128x128xi32, #tpu.memory_space<hbm>>, %arg4: memref<2560x128xi32, #tpu.memory_space<hbm>>, %arg5: memref<100728832xi32, #tpu.memory_space<hbm>>, %arg6: memref<160x128xi32, #tpu.memory_space<vmem>>, %arg7: memref<160x128xi32, #tpu.memory_space<vmem>>, %arg8: memref<128xi32, #tpu.memory_space<vmem>>, %arg9: memref<16384xi32, #tpu.memory_space<vmem>>, %arg10: memref<262144xi32, #tpu.memory_space<vmem_shared>>, %arg11: memref<!tpu.dma_semaphore, #tpu.memory_space<semaphore_mem>>) attributes {dimension_semantics = [#tpu.dimension_semantics<core_parallel>, #tpu.dimension_semantics<subcore_parallel>], iteration_bounds = array<i64: 2, 16>, scalar_prefetch = 0 : i64, scratch_operands = 6 : i64, tpu.core_type = #tpu.core_type<sc_vector_subcore>, window_params = [{transform_indices = #map}, {transform_indices = #map}, {transform_indices = #map}, {transform_indices = #map1}]} {
    %mul3A = arith.constant 16 : i32
    %mul3A_0 = arith.muli %arg0, %mul3A : i32
    %add3A = arith.addi %mul3A_0, %arg1 : i32
    "tpu.trace_start"() <{level = 10 : i32, message = "zs_fill"}> : () -> ()
    %scan3A = arith.constant 0 : i32
    %scan3A_1 = arith.constant 0 : i32
    %scan3A_2 = arith.constant 1024 : i32
    %scan3A_3 = arith.addi %scan3A_1, %scan3A_2 : i32
    %scan3A_4 = arith.constant 1 : i32
    %scan3A_5 = scf.for %scan3A_96 = %scan3A_1 to %scan3A_3 step %scan3A_4 iter_args(%scan3A_97 = %scan3A) -> (i32)  : i32 {
      %broadcast_in_dim3A = arith.constant 0 : i32
      %broadcast_in_dim3A_98 = vector.broadcast %broadcast_in_dim3A : i32 to vector<16xi32>
      %mul3A_99 = arith.constant 16 : i32
      %mul3A_100 = arith.muli %scan3A_96, %mul3A_99 : i32
      %swap3A = arith.index_cast %mul3A_100 : i32 to index
      %swap3A_101 = tpu.vector_load %arg9[%swap3A] {strides = array<i32>} : memref<16384xi32, #tpu.memory_space<vmem>>, vector<16xi32>,
      %swap3A_102 = vector.shape_cast %swap3A_101 : vector<16xi32> to vector<16xi32>
      %swap3A_103 = vector.shape_cast %broadcast_in_dim3A_98 : vector<16xi32> to vector<16xi32>
      tpu.vector_store %arg9[%swap3A], %swap3A_103 {strides = array<i32>} : memref<16384xi32, #tpu.memory_space<vmem>>, vector<16xi32>,
      %scan3A_104 = arith.constant 0 : i32
      scf.yield %scan3A_104 : i32
    }
    %scan3A_6 = arith.constant 1024 : i32
    %mul3A_7 = arith.constant 16384 : i32
    %mul3A_8 = arith.muli %arg1, %mul3A_7 : i32
    "tpu.region"() ({
      %run_scoped3A = tpu.sem_alloc : memref<!tpu.dma_semaphore, #tpu.memory_space<semaphore_mem>>
      %dma_start3A_96 = tpu.memref_slice %arg10[%mul3A_8] : memref<262144xi32, #tpu.memory_space<vmem_shared>> -> memref<16384xi32, #tpu.memory_space<vmem_shared>>
      %dma_start3A_97 = tpu.memref_slice %arg10[%mul3A_8] : memref<262144xi32, #tpu.memory_space<vmem_shared>> -> memref<16384xi32, #tpu.memory_space<vmem_shared>>
      tpu.enqueue_dma source(%arg9 : memref<16384xi32, #tpu.memory_space<vmem>>) target(%dma_start3A_97 : memref<16384xi32, #tpu.memory_space<vmem_shared>>) target_semaphore(%run_scoped3A : memref<!tpu.dma_semaphore, #tpu.memory_space<semaphore_mem>>)
      %dma_wait3A_98 = tpu.memref_slice %arg10[%mul3A_8] : memref<262144xi32, #tpu.memory_space<vmem_shared>> -> memref<16384xi32, #tpu.memory_space<vmem_shared>>
      %dma_wait3A_99 = tpu.memref_slice %arg10[%mul3A_8] : memref<262144xi32, #tpu.memory_space<vmem_shared>> -> memref<16384xi32, #tpu.memory_space<vmem_shared>>
      tpu.wait_dma2 semaphore(%run_scoped3A : memref<!tpu.dma_semaphore, #tpu.memory_space<semaphore_mem>>) src(%arg9 : memref<16384xi32, #tpu.memory_space<vmem>>) dst(%dma_wait3A_99 : memref<16384xi32, #tpu.memory_space<vmem_shared>>)
      tpu.yield
    }) : () -> ()
    %scan3A_9 = arith.constant 0 : i32
    %scan3A_10 = arith.constant 0 : i32
    %scan3A_11 = arith.constant 8 : i32
    %scan3A_12 = arith.addi %scan3A_10, %scan3A_11 : i32
    %scan3A_13 = arith.constant 1 : i32
    %scan3A_14 = scf.for %scan3A_96 = %scan3A_10 to %scan3A_12 step %scan3A_13 iter_args(%scan3A_97 = %scan3A_9) -> (i32)  : i32 {
      %broadcast_in_dim3A = arith.constant 1 : i32
      %broadcast_in_dim3A_98 = vector.broadcast %broadcast_in_dim3A : i32 to vector<16xi32>
      %mul3A_99 = arith.constant 16 : i32
      %mul3A_100 = arith.muli %scan3A_96, %mul3A_99 : i32
      %swap3A = arith.index_cast %mul3A_100 : i32 to index
      %swap3A_101 = tpu.vector_load %arg8[%swap3A] {strides = array<i32>} : memref<128xi32, #tpu.memory_space<vmem>>, vector<16xi32>,
      %swap3A_102 = vector.shape_cast %swap3A_101 : vector<16xi32> to vector<16xi32>
      %swap3A_103 = vector.shape_cast %broadcast_in_dim3A_98 : vector<16xi32> to vector<16xi32>
      tpu.vector_store %arg8[%swap3A], %swap3A_103 {strides = array<i32>} : memref<128xi32, #tpu.memory_space<vmem>>, vector<16xi32>,
      %scan3A_104 = arith.constant 0 : i32
      scf.yield %scan3A_104 : i32
    }
    %scan3A_15 = arith.constant 8 : i32
    %barrier3A = arith.constant 0 : index
    tpu.barrier barrier_id(%barrier3A)
    "tpu.trace_stop"() : () -> ()
    %mul3A_16 = arith.constant 50364416 : i32
    %mul3A_17 = arith.muli %arg0, %mul3A_16 : i32
    %mul3A_18 = arith.constant 3147776 : i32
    %mul3A_19 = arith.muli %arg1, %mul3A_18 : i32
    %add3A_20 = arith.addi %mul3A_17, %mul3A_19 : i32
    "tpu.trace_start"() <{level = 10 : i32, message = "zs_pump"}> : () -> ()
    %scan3A_21 = arith.constant 0 : i32
    %scan3A_22 = arith.constant 0 : i32
    %scan3A_23 = arith.constant 12 : i32
    %scan3A_24 = arith.addi %scan3A_22, %scan3A_23 : i32
    %scan3A_25 = arith.constant 1 : i32
    %scan3A_26 = scf.for %scan3A_96 = %scan3A_22 to %scan3A_24 step %scan3A_25 iter_args(%scan3A_97 = %scan3A_21) -> (i32)  : i32 {
      %mul3A_98 = arith.constant 262144 : i32
      %mul3A_99 = arith.muli %scan3A_96, %mul3A_98 : i32
      %add3A_100 = arith.addi %add3A_20, %mul3A_99 : i32
      %dma_start3A_101 = tpu.memref_slice %arg5[%add3A_100] : memref<100728832xi32, #tpu.memory_space<hbm>> -> memref<262144xi32, #tpu.memory_space<hbm>>
      tpu.enqueue_dma source(%arg10 : memref<262144xi32, #tpu.memory_space<vmem_shared>>) target(%dma_start3A_101 : memref<262144xi32, #tpu.memory_space<hbm>>) target_semaphore(%arg11 : memref<!tpu.dma_semaphore, #tpu.memory_space<semaphore_mem>>)
      %scan3A_102 = arith.constant 0 : i32
      scf.yield %scan3A_102 : i32
    }
    %scan3A_27 = arith.constant 12 : i32
    %add3A_28 = arith.constant 3145728 : i32
    %add3A_29 = arith.addi %add3A_20, %add3A_28 : i32
    %dma_start3A = tpu.memref_slice %arg5[%add3A_29] : memref<100728832xi32, #tpu.memory_space<hbm>> -> memref<2048xi32, #tpu.memory_space<hbm>>
    %dma_start3A_30 = arith.constant 0 : i32
    %dma_start3A_31 = tpu.memref_slice %arg10[%dma_start3A_30] : memref<262144xi32, #tpu.memory_space<vmem_shared>> -> memref<2048xi32, #tpu.memory_space<vmem_shared>>
    tpu.enqueue_dma source(%dma_start3A_31 : memref<2048xi32, #tpu.memory_space<vmem_shared>>) target(%dma_start3A : memref<2048xi32, #tpu.memory_space<hbm>>) target_semaphore(%arg11 : memref<!tpu.dma_semaphore, #tpu.memory_space<semaphore_mem>>)
    %scan3A_32 = arith.constant 0 : i32
    %scan3A_33 = arith.constant 0 : i32
    %scan3A_34 = arith.constant 12 : i32
    %scan3A_35 = arith.addi %scan3A_33, %scan3A_34 : i32
    %scan3A_36 = arith.constant 1 : i32
    %scan3A_37 = scf.for %scan3A_96 = %scan3A_33 to %scan3A_35 step %scan3A_36 iter_args(%scan3A_97 = %scan3A_32) -> (i32)  : i32 {
      %mul3A_98 = arith.constant 262144 : i32
      %mul3A_99 = arith.muli %scan3A_96, %mul3A_98 : i32
      %add3A_100 = arith.addi %add3A_20, %mul3A_99 : i32
      %dma_wait3A_101 = tpu.memref_slice %arg5[%add3A_100] : memref<100728832xi32, #tpu.memory_space<hbm>> -> memref<262144xi32, #tpu.memory_space<hbm>>
      tpu.wait_dma2 semaphore(%arg11 : memref<!tpu.dma_semaphore, #tpu.memory_space<semaphore_mem>>) src(%arg10 : memref<262144xi32, #tpu.memory_space<vmem_shared>>) dst(%dma_wait3A_101 : memref<262144xi32, #tpu.memory_space<hbm>>)
      %scan3A_102 = arith.constant 0 : i32
      scf.yield %scan3A_102 : i32
    }
    %scan3A_38 = arith.constant 12 : i32
    %add3A_39 = arith.constant 3145728 : i32
    %add3A_40 = arith.addi %add3A_20, %add3A_39 : i32
    %dma_wait3A = tpu.memref_slice %arg5[%add3A_40] : memref<100728832xi32, #tpu.memory_space<hbm>> -> memref<2048xi32, #tpu.memory_space<hbm>>
    %dma_wait3A_41 = arith.constant 0 : i32
    %dma_wait3A_42 = tpu.memref_slice %arg10[%dma_wait3A_41] : memref<262144xi32, #tpu.memory_space<vmem_shared>> -> memref<2048xi32, #tpu.memory_space<vmem_shared>>
    tpu.wait_dma2 semaphore(%arg11 : memref<!tpu.dma_semaphore, #tpu.memory_space<semaphore_mem>>) src(%dma_wait3A_42 : memref<2048xi32, #tpu.memory_space<vmem_shared>>) dst(%dma_wait3A : memref<2048xi32, #tpu.memory_space<hbm>>)
    %barrier3A_43 = arith.constant 0 : index
    tpu.barrier barrier_id(%barrier3A_43)
    "tpu.trace_stop"() : () -> ()
    %mul3A_44 = arith.constant 50364416 : i32
    %mul3A_45 = arith.muli %arg0, %mul3A_44 : i32
    %add3A_46 = arith.constant 50364416 : i32
    %add3A_47 = arith.addi %mul3A_45, %add3A_46 : i32
    "tpu.trace_start"() <{level = 10 : i32, message = "scat_e"}> : () -> ()
    %mul3A_48 = arith.constant 160 : i32
    %mul3A_49 = arith.muli %arg1, %mul3A_48 : i32
    "tpu.region"() ({
      %run_scoped3A = tpu.sem_alloc : memref<!tpu.dma_semaphore, #tpu.memory_space<semaphore_mem>>
      %dma_start3A_96 = arith.constant 0 : i32
      %dma_start3A_97 = arith.constant 0 : i32
      %dma_start3A_98 = tpu.memref_slice %arg6[%dma_start3A_96, %dma_start3A_97] : memref<160x128xi32, #tpu.memory_space<vmem>> -> memref<160x128xi32, #tpu.memory_space<vmem>>
      %dma_start3A_99 = arith.constant 0 : i32
      %dma_start3A_100 = tpu.memref_slice %arg2[%mul3A_49, %dma_start3A_99] : memref<2560x128xi32, #tpu.memory_space<hbm>> -> memref<160x128xi32, #tpu.memory_space<hbm>>
      %dma_start3A_101 = arith.constant 0 : i32
      %dma_start3A_102 = arith.constant 0 : i32
      %dma_start3A_103 = tpu.memref_slice %arg6[%dma_start3A_101, %dma_start3A_102] : memref<160x128xi32, #tpu.memory_space<vmem>> -> memref<160x128xi32, #tpu.memory_space<vmem>>
      %dma_start3A_104 = arith.constant 0 : i32
      %dma_start3A_105 = tpu.memref_slice %arg2[%mul3A_49, %dma_start3A_104] : memref<2560x128xi32, #tpu.memory_space<hbm>> -> memref<160x128xi32, #tpu.memory_space<hbm>>
      tpu.enqueue_dma source(%dma_start3A_105 : memref<160x128xi32, #tpu.memory_space<hbm>>) target(%dma_start3A_103 : memref<160x128xi32, #tpu.memory_space<vmem>>) target_semaphore(%run_scoped3A : memref<!tpu.dma_semaphore, #tpu.memory_space<semaphore_mem>>)
      %dma_wait3A_106 = arith.constant 0 : i32
      %dma_wait3A_107 = arith.constant 0 : i32
      %dma_wait3A_108 = tpu.memref_slice %arg6[%dma_wait3A_106, %dma_wait3A_107] : memref<160x128xi32, #tpu.memory_space<vmem>> -> memref<160x128xi32, #tpu.memory_space<vmem>>
      %dma_wait3A_109 = arith.constant 0 : i32
      %dma_wait3A_110 = tpu.memref_slice %arg2[%mul3A_49, %dma_wait3A_109] : memref<2560x128xi32, #tpu.memory_space<hbm>> -> memref<160x128xi32, #tpu.memory_space<hbm>>
      %dma_wait3A_111 = arith.constant 0 : i32
      %dma_wait3A_112 = arith.constant 0 : i32
      %dma_wait3A_113 = tpu.memref_slice %arg6[%dma_wait3A_111, %dma_wait3A_112] : memref<160x128xi32, #tpu.memory_space<vmem>> -> memref<160x128xi32, #tpu.memory_space<vmem>>
      %dma_wait3A_114 = arith.constant 0 : i32
      %dma_wait3A_115 = tpu.memref_slice %arg2[%mul3A_49, %dma_wait3A_114] : memref<2560x128xi32, #tpu.memory_space<hbm>> -> memref<160x128xi32, #tpu.memory_space<hbm>>
      tpu.wait_dma2 semaphore(%run_scoped3A : memref<!tpu.dma_semaphore, #tpu.memory_space<semaphore_mem>>) src(%dma_wait3A_115 : memref<160x128xi32, #tpu.memory_space<hbm>>) dst(%dma_wait3A_113 : memref<160x128xi32, #tpu.memory_space<vmem>>)
      tpu.yield
    }) : () -> ()
    %scan3A_50 = arith.constant 0 : i32
    %scan3A_51 = arith.constant 0 : i32
    %scan3A_52 = arith.constant 160 : i32
    %scan3A_53 = arith.addi %scan3A_51, %scan3A_52 : i32
    %scan3A_54 = arith.constant 1 : i32
    %scan3A_55 = scf.for %scan3A_96 = %scan3A_51 to %scan3A_53 step %scan3A_54 iter_args(%scan3A_97 = %scan3A_50) -> (i32)  : i32 {
      %get3A = arith.index_cast %scan3A_96 : i32 to index
      %get3A_98 = arith.constant 0 : index
      %get3A_99 = tpu.vector_load %arg6[%get3A, %get3A_98] {strides = array<i32>} : memref<160x128xi32, #tpu.memory_space<vmem>>, vector<1x16xi32>,
      %get3A_100 = vector.shape_cast %get3A_99 : vector<1x16xi32> to vector<16xi32>
      %ge3A = vector.broadcast %mul3A_45 : i32 to vector<16xi32>
      %ge3A_101 = arith.cmpi sge, %get3A_100, %ge3A : vector<16xi32>
      %lt3A = vector.broadcast %add3A_47 : i32 to vector<16xi32>
      %lt3A_102 = arith.cmpi slt, %get3A_100, %lt3A : vector<16xi32>
      %and3A = arith.andi %ge3A_101, %lt3A_102 : vector<16xi1>
      %add3A_103 = arith.addi %mul3A_49, %scan3A_96 : i32
      %mul3A_104 = arith.constant 128 : i32
      %mul3A_105 = arith.muli %add3A_103, %mul3A_104 : i32
      %add3A_106 = arith.constant 100000128 : i32
      %add3A_107 = arith.addi %add3A_106, %mul3A_105 : i32
      %add3A_108 = arith.constant 0 : i32
      %add3A_109 = arith.addi %add3A_107, %add3A_108 : i32
      %iota3A = tpu.iota {dimensions = array<i32: 0>} : vector<16xi32>
      %add3A_110 = vector.broadcast %add3A_109 : i32 to vector<16xi32>
      %add3A_111 = arith.addi %add3A_110, %iota3A : vector<16xi32>
      %select_n3A = arith.select %and3A, %get3A_100, %add3A_111 : vector<16xi1>, vector<16xi32>
      %swap3A = arith.index_cast %scan3A_96 : i32 to index
      %swap3A_112 = arith.constant 0 : index
      %swap3A_113 = tpu.vector_load %arg7[%swap3A, %swap3A_112] {strides = array<i32>} : memref<160x128xi32, #tpu.memory_space<vmem>>, vector<1x16xi32>,
      %swap3A_114 = vector.shape_cast %swap3A_113 : vector<1x16xi32> to vector<16xi32>
      %swap3A_115 = vector.shape_cast %select_n3A : vector<16xi32> to vector<1x16xi32>
      tpu.vector_store %arg7[%swap3A, %swap3A_112], %swap3A_115 {strides = array<i32>} : memref<160x128xi32, #tpu.memory_space<vmem>>, vector<1x16xi32>,
      %get3A_116 = arith.index_cast %scan3A_96 : i32 to index
      %get3A_117 = arith.constant 16 : index
      %get3A_118 = tpu.vector_load %arg6[%get3A_116, %get3A_117] {strides = array<i32>} : memref<160x128xi32, #tpu.memory_space<vmem>>, vector<1x16xi32>,
      %get3A_119 = vector.shape_cast %get3A_118 : vector<1x16xi32> to vector<16xi32>
      %ge3A_120 = vector.broadcast %mul3A_45 : i32 to vector<16xi32>
      %ge3A_121 = arith.cmpi sge, %get3A_119, %ge3A_120 : vector<16xi32>
      %lt3A_122 = vector.broadcast %add3A_47 : i32 to vector<16xi32>
      %lt3A_123 = arith.cmpi slt, %get3A_119, %lt3A_122 : vector<16xi32>
      %and3A_124 = arith.andi %ge3A_121, %lt3A_123 : vector<16xi1>
      %add3A_125 = arith.addi %mul3A_49, %scan3A_96 : i32
      %mul3A_126 = arith.constant 128 : i32
      %mul3A_127 = arith.muli %add3A_125, %mul3A_126 : i32
      %add3A_128 = arith.constant 100000128 : i32
      %add3A_129 = arith.addi %add3A_128, %mul3A_127 : i32
      %add3A_130 = arith.constant 16 : i32
      %add3A_131 = arith.addi %add3A_129, %add3A_130 : i32
      %iota3A_132 = tpu.iota {dimensions = array<i32: 0>} : vector<16xi32>
      %add3A_133 = vector.broadcast %add3A_131 : i32 to vector<16xi32>
      %add3A_134 = arith.addi %add3A_133, %iota3A_132 : vector<16xi32>
      %select_n3A_135 = arith.select %and3A_124, %get3A_119, %add3A_134 : vector<16xi1>, vector<16xi32>
      %swap3A_136 = arith.index_cast %scan3A_96 : i32 to index
      %swap3A_137 = arith.constant 16 : index
      %swap3A_138 = tpu.vector_load %arg7[%swap3A_136, %swap3A_137] {strides = array<i32>} : memref<160x128xi32, #tpu.memory_space<vmem>>, vector<1x16xi32>,
      %swap3A_139 = vector.shape_cast %swap3A_138 : vector<1x16xi32> to vector<16xi32>
      %swap3A_140 = vector.shape_cast %select_n3A_135 : vector<16xi32> to vector<1x16xi32>
      tpu.vector_store %arg7[%swap3A_136, %swap3A_137], %swap3A_140 {strides = array<i32>} : memref<160x128xi32, #tpu.memory_space<vmem>>, vector<1x16xi32>,
      %get3A_141 = arith.index_cast %scan3A_96 : i32 to index
      %get3A_142 = arith.constant 32 : index
      %get3A_143 = tpu.vector_load %arg6[%get3A_141, %get3A_142] {strides = array<i32>} : memref<160x128xi32, #tpu.memory_space<vmem>>, vector<1x16xi32>,
      %get3A_144 = vector.shape_cast %get3A_143 : vector<1x16xi32> to vector<16xi32>
      %ge3A_145 = vector.broadcast %mul3A_45 : i32 to vector<16xi32>
      %ge3A_146 = arith.cmpi sge, %get3A_144, %ge3A_145 : vector<16xi32>
      %lt3A_147 = vector.broadcast %add3A_47 : i32 to vector<16xi32>
      %lt3A_148 = arith.cmpi slt, %get3A_144, %lt3A_147 : vector<16xi32>
      %and3A_149 = arith.andi %ge3A_146, %lt3A_148 : vector<16xi1>
      %add3A_150 = arith.addi %mul3A_49, %scan3A_96 : i32
      %mul3A_151 = arith.constant 128 : i32
      %mul3A_152 = arith.muli %add3A_150, %mul3A_151 : i32
      %add3A_153 = arith.constant 100000128 : i32
      %add3A_154 = arith.addi %add3A_153, %mul3A_152 : i32
      %add3A_155 = arith.constant 32 : i32
      %add3A_156 = arith.addi %add3A_154, %add3A_155 : i32
      %iota3A_157 = tpu.iota {dimensions = array<i32: 0>} : vector<16xi32>
      %add3A_158 = vector.broadcast %add3A_156 : i32 to vector<16xi32>
      %add3A_159 = arith.addi %add3A_158, %iota3A_157 : vector<16xi32>
      %select_n3A_160 = arith.select %and3A_149, %get3A_144, %add3A_159 : vector<16xi1>, vector<16xi32>
      %swap3A_161 = arith.index_cast %scan3A_96 : i32 to index
      %swap3A_162 = arith.constant 32 : index
      %swap3A_163 = tpu.vector_load %arg7[%swap3A_161, %swap3A_162] {strides = array<i32>} : memref<160x128xi32, #tpu.memory_space<vmem>>, vector<1x16xi32>,
      %swap3A_164 = vector.shape_cast %swap3A_163 : vector<1x16xi32> to vector<16xi32>
      %swap3A_165 = vector.shape_cast %select_n3A_160 : vector<16xi32> to vector<1x16xi32>
      tpu.vector_store %arg7[%swap3A_161, %swap3A_162], %swap3A_165 {strides = array<i32>} : memref<160x128xi32, #tpu.memory_space<vmem>>, vector<1x16xi32>,
      %get3A_166 = arith.index_cast %scan3A_96 : i32 to index
      %get3A_167 = arith.constant 48 : index
      %get3A_168 = tpu.vector_load %arg6[%get3A_166, %get3A_167] {strides = array<i32>} : memref<160x128xi32, #tpu.memory_space<vmem>>, vector<1x16xi32>,
      %get3A_169 = vector.shape_cast %get3A_168 : vector<1x16xi32> to vector<16xi32>
      %ge3A_170 = vector.broadcast %mul3A_45 : i32 to vector<16xi32>
      %ge3A_171 = arith.cmpi sge, %get3A_169, %ge3A_170 : vector<16xi32>
      %lt3A_172 = vector.broadcast %add3A_47 : i32 to vector<16xi32>
      %lt3A_173 = arith.cmpi slt, %get3A_169, %lt3A_172 : vector<16xi32>
      %and3A_174 = arith.andi %ge3A_171, %lt3A_173 : vector<16xi1>
      %add3A_175 = arith.addi %mul3A_49, %scan3A_96 : i32
      %mul3A_176 = arith.constant 128 : i32
      %mul3A_177 = arith.muli %add3A_175, %mul3A_176 : i32
      %add3A_178 = arith.constant 100000128 : i32
      %add3A_179 = arith.addi %add3A_178, %mul3A_177 : i32
      %add3A_180 = arith.constant 48 : i32
      %add3A_181 = arith.addi %add3A_179, %add3A_180 : i32
      %iota3A_182 = tpu.iota {dimensions = array<i32: 0>} : vector<16xi32>
      %add3A_183 = vector.broadcast %add3A_181 : i32 to vector<16xi32>
      %add3A_184 = arith.addi %add3A_183, %iota3A_182 : vector<16xi32>
      %select_n3A_185 = arith.select %and3A_174, %get3A_169, %add3A_184 : vector<16xi1>, vector<16xi32>
      %swap3A_186 = arith.index_cast %scan3A_96 : i32 to index
      %swap3A_187 = arith.constant 48 : index
      %swap3A_188 = tpu.vector_load %arg7[%swap3A_186, %swap3A_187] {strides = array<i32>} : memref<160x128xi32, #tpu.memory_space<vmem>>, vector<1x16xi32>,
      %swap3A_189 = vector.shape_cast %swap3A_188 : vector<1x16xi32> to vector<16xi32>
      %swap3A_190 = vector.shape_cast %select_n3A_185 : vector<16xi32> to vector<1x16xi32>
      tpu.vector_store %arg7[%swap3A_186, %swap3A_187], %swap3A_190 {strides = array<i32>} : memref<160x128xi32, #tpu.memory_space<vmem>>, vector<1x16xi32>,
      %get3A_191 = arith.index_cast %scan3A_96 : i32 to index
      %get3A_192 = arith.constant 64 : index
      %get3A_193 = tpu.vector_load %arg6[%get3A_191, %get3A_192] {strides = array<i32>} : memref<160x128xi32, #tpu.memory_space<vmem>>, vector<1x16xi32>,
      %get3A_194 = vector.shape_cast %get3A_193 : vector<1x16xi32> to vector<16xi32>
      %ge3A_195 = vector.broadcast %mul3A_45 : i32 to vector<16xi32>
      %ge3A_196 = arith.cmpi sge, %get3A_194, %ge3A_195 : vector<16xi32>
      %lt3A_197 = vector.broadcast %add3A_47 : i32 to vector<16xi32>
      %lt3A_198 = arith.cmpi slt, %get3A_194, %lt3A_197 : vector<16xi32>
      %and3A_199 = arith.andi %ge3A_196, %lt3A_198 : vector<16xi1>
      %add3A_200 = arith.addi %mul3A_49, %scan3A_96 : i32
      %mul3A_201 = arith.constant 128 : i32
      %mul3A_202 = arith.muli %add3A_200, %mul3A_201 : i32
      %add3A_203 = arith.constant 100000128 : i32
      %add3A_204 = arith.addi %add3A_203, %mul3A_202 : i32
      %add3A_205 = arith.constant 64 : i32
      %add3A_206 = arith.addi %add3A_204, %add3A_205 : i32
      %iota3A_207 = tpu.iota {dimensions = array<i32: 0>} : vector<16xi32>
      %add3A_208 = vector.broadcast %add3A_206 : i32 to vector<16xi32>
      %add3A_209 = arith.addi %add3A_208, %iota3A_207 : vector<16xi32>
      %select_n3A_210 = arith.select %and3A_199, %get3A_194, %add3A_209 : vector<16xi1>, vector<16xi32>
      %swap3A_211 = arith.index_cast %scan3A_96 : i32 to index
      %swap3A_212 = arith.constant 64 : index
      %swap3A_213 = tpu.vector_load %arg7[%swap3A_211, %swap3A_212] {strides = array<i32>} : memref<160x128xi32, #tpu.memory_space<vmem>>, vector<1x16xi32>,
      %swap3A_214 = vector.shape_cast %swap3A_213 : vector<1x16xi32> to vector<16xi32>
      %swap3A_215 = vector.shape_cast %select_n3A_210 : vector<16xi32> to vector<1x16xi32>
      tpu.vector_store %arg7[%swap3A_211, %swap3A_212], %swap3A_215 {strides = array<i32>} : memref<160x128xi32, #tpu.memory_space<vmem>>, vector<1x16xi32>,
      %get3A_216 = arith.index_cast %scan3A_96 : i32 to index
      %get3A_217 = arith.constant 80 : index
      %get3A_218 = tpu.vector_load %arg6[%get3A_216, %get3A_217] {strides = array<i32>} : memref<160x128xi32, #tpu.memory_space<vmem>>, vector<1x16xi32>,
      %get3A_219 = vector.shape_cast %get3A_218 : vector<1x16xi32> to vector<16xi32>
      %ge3A_220 = vector.broadcast %mul3A_45 : i32 to vector<16xi32>
      %ge3A_221 = arith.cmpi sge, %get3A_219, %ge3A_220 : vector<16xi32>
      %lt3A_222 = vector.broadcast %add3A_47 : i32 to vector<16xi32>
      %lt3A_223 = arith.cmpi slt, %get3A_219, %lt3A_222 : vector<16xi32>
      %and3A_224 = arith.andi %ge3A_221, %lt3A_223 : vector<16xi1>
      %add3A_225 = arith.addi %mul3A_49, %scan3A_96 : i32
      %mul3A_226 = arith.constant 128 : i32
      %mul3A_227 = arith.muli %add3A_225, %mul3A_226 : i32
      %add3A_228 = arith.constant 100000128 : i32
      %add3A_229 = arith.addi %add3A_228, %mul3A_227 : i32
      %add3A_230 = arith.constant 80 : i32
      %add3A_231 = arith.addi %add3A_229, %add3A_230 : i32
      %iota3A_232 = tpu.iota {dimensions = array<i32: 0>} : vector<16xi32>
      %add3A_233 = vector.broadcast %add3A_231 : i32 to vector<16xi32>
      %add3A_234 = arith.addi %add3A_233, %iota3A_232 : vector<16xi32>
      %select_n3A_235 = arith.select %and3A_224, %get3A_219, %add3A_234 : vector<16xi1>, vector<16xi32>
      %swap3A_236 = arith.index_cast %scan3A_96 : i32 to index
      %swap3A_237 = arith.constant 80 : index
      %swap3A_238 = tpu.vector_load %arg7[%swap3A_236, %swap3A_237] {strides = array<i32>} : memref<160x128xi32, #tpu.memory_space<vmem>>, vector<1x16xi32>,
      %swap3A_239 = vector.shape_cast %swap3A_238 : vector<1x16xi32> to vector<16xi32>
      %swap3A_240 = vector.shape_cast %select_n3A_235 : vector<16xi32> to vector<1x16xi32>
      tpu.vector_store %arg7[%swap3A_236, %swap3A_237], %swap3A_240 {strides = array<i32>} : memref<160x128xi32, #tpu.memory_space<vmem>>, vector<1x16xi32>,
      %get3A_241 = arith.index_cast %scan3A_96 : i32 to index
      %get3A_242 = arith.constant 96 : index
      %get3A_243 = tpu.vector_load %arg6[%get3A_241, %get3A_242] {strides = array<i32>} : memref<160x128xi32, #tpu.memory_space<vmem>>, vector<1x16xi32>,
      %get3A_244 = vector.shape_cast %get3A_243 : vector<1x16xi32> to vector<16xi32>
      %ge3A_245 = vector.broadcast %mul3A_45 : i32 to vector<16xi32>
      %ge3A_246 = arith.cmpi sge, %get3A_244, %ge3A_245 : vector<16xi32>
      %lt3A_247 = vector.broadcast %add3A_47 : i32 to vector<16xi32>
      %lt3A_248 = arith.cmpi slt, %get3A_244, %lt3A_247 : vector<16xi32>
      %and3A_249 = arith.andi %ge3A_246, %lt3A_248 : vector<16xi1>
      %add3A_250 = arith.addi %mul3A_49, %scan3A_96 : i32
      %mul3A_251 = arith.constant 128 : i32
      %mul3A_252 = arith.muli %add3A_250, %mul3A_251 : i32
      %add3A_253 = arith.constant 100000128 : i32
      %add3A_254 = arith.addi %add3A_253, %mul3A_252 : i32
      %add3A_255 = arith.constant 96 : i32
      %add3A_256 = arith.addi %add3A_254, %add3A_255 : i32
      %iota3A_257 = tpu.iota {dimensions = array<i32: 0>} : vector<16xi32>
      %add3A_258 = vector.broadcast %add3A_256 : i32 to vector<16xi32>
      %add3A_259 = arith.addi %add3A_258, %iota3A_257 : vector<16xi32>
      %select_n3A_260 = arith.select %and3A_249, %get3A_244, %add3A_259 : vector<16xi1>, vector<16xi32>
      %swap3A_261 = arith.index_cast %scan3A_96 : i32 to index
      %swap3A_262 = arith.constant 96 : index
      %swap3A_263 = tpu.vector_load %arg7[%swap3A_261, %swap3A_262] {strides = array<i32>} : memref<160x128xi32, #tpu.memory_space<vmem>>, vector<1x16xi32>,
      %swap3A_264 = vector.shape_cast %swap3A_263 : vector<1x16xi32> to vector<16xi32>
      %swap3A_265 = vector.shape_cast %select_n3A_260 : vector<16xi32> to vector<1x16xi32>
      tpu.vector_store %arg7[%swap3A_261, %swap3A_262], %swap3A_265 {strides = array<i32>} : memref<160x128xi32, #tpu.memory_space<vmem>>, vector<1x16xi32>,
      %get3A_266 = arith.index_cast %scan3A_96 : i32 to index
      %get3A_267 = arith.constant 112 : index
      %get3A_268 = tpu.vector_load %arg6[%get3A_266, %get3A_267] {strides = array<i32>} : memref<160x128xi32, #tpu.memory_space<vmem>>, vector<1x16xi32>,
      %get3A_269 = vector.shape_cast %get3A_268 : vector<1x16xi32> to vector<16xi32>
      %ge3A_270 = vector.broadcast %mul3A_45 : i32 to vector<16xi32>
      %ge3A_271 = arith.cmpi sge, %get3A_269, %ge3A_270 : vector<16xi32>
      %lt3A_272 = vector.broadcast %add3A_47 : i32 to vector<16xi32>
      %lt3A_273 = arith.cmpi slt, %get3A_269, %lt3A_272 : vector<16xi32>
      %and3A_274 = arith.andi %ge3A_271, %lt3A_273 : vector<16xi1>
      %add3A_275 = arith.addi %mul3A_49, %scan3A_96 : i32
      %mul3A_276 = arith.constant 128 : i32
      %mul3A_277 = arith.muli %add3A_275, %mul3A_276 : i32
      %add3A_278 = arith.constant 100000128 : i32
      %add3A_279 = arith.addi %add3A_278, %mul3A_277 : i32
      %add3A_280 = arith.constant 112 : i32
      %add3A_281 = arith.addi %add3A_279, %add3A_280 : i32
      %iota3A_282 = tpu.iota {dimensions = array<i32: 0>} : vector<16xi32>
      %add3A_283 = vector.broadcast %add3A_281 : i32 to vector<16xi32>
      %add3A_284 = arith.addi %add3A_283, %iota3A_282 : vector<16xi32>
      %select_n3A_285 = arith.select %and3A_274, %get3A_269, %add3A_284 : vector<16xi1>, vector<16xi32>
      %swap3A_286 = arith.index_cast %scan3A_96 : i32 to index
      %swap3A_287 = arith.constant 112 : index
      %swap3A_288 = tpu.vector_load %arg7[%swap3A_286, %swap3A_287] {strides = array<i32>} : memref<160x128xi32, #tpu.memory_space<vmem>>, vector<1x16xi32>,
      %swap3A_289 = vector.shape_cast %swap3A_288 : vector<1x16xi32> to vector<16xi32>
      %swap3A_290 = vector.shape_cast %select_n3A_285 : vector<16xi32> to vector<1x16xi32>
      tpu.vector_store %arg7[%swap3A_286, %swap3A_287], %swap3A_290 {strides = array<i32>} : memref<160x128xi32, #tpu.memory_space<vmem>>, vector<1x16xi32>,
      %dma_start3A_291 = arith.constant 0 : i32
      %dma_start3A_292 = tpu.memref_slice %arg7[%scan3A_96, %dma_start3A_291] : memref<160x128xi32, #tpu.memory_space<vmem>> -> memref<1x128xi32, #tpu.memory_space<vmem>>
      %dma_start3A_293 = tpu.memref_squeeze %dma_start3A_292 : memref<1x128xi32, #tpu.memory_space<vmem>> -> memref<128xi32, #tpu.memory_space<vmem>>
      %dma_start3A_294 = arith.constant 0 : i32
      %dma_start3A_295 = tpu.memref_slice %arg5[%dma_start3A_294] : memref<100728832xi32, #tpu.memory_space<hbm>> -> memref<100728832xi32, #tpu.memory_space<hbm>>
      tpu.enqueue_indirect_dma source(%arg8 : memref<128xi32, #tpu.memory_space<vmem>>) target(%dma_start3A_295 : memref<100728832xi32, #tpu.memory_space<hbm>>) offsets(%dma_start3A_293 : memref<128xi32, #tpu.memory_space<vmem>>) semaphore(%arg11 : memref<!tpu.dma_semaphore, #tpu.memory_space<semaphore_mem>>)
      %scan3A_296 = arith.constant 0 : i32
      scf.yield %scan3A_296 : i32
    }
    %scan3A_56 = arith.constant 160 : i32
    %scan3A_57 = arith.constant 0 : i32
    %scan3A_58 = arith.constant 0 : i32
    %scan3A_59 = arith.constant 160 : i32
    %scan3A_60 = arith.addi %scan3A_58, %scan3A_59 : i32
    %scan3A_61 = arith.constant 1 : i32
    %scan3A_62 = scf.for %scan3A_96 = %scan3A_58 to %scan3A_60 step %scan3A_61 iter_args(%scan3A_97 = %scan3A_57) -> (i32)  : i32 {
      %dma_wait3A_98 = arith.constant 0 : i32
      %dma_wait3A_99 = tpu.memref_slice %arg7[%scan3A_96, %dma_wait3A_98] : memref<160x128xi32, #tpu.memory_space<vmem>> -> memref<1x128xi32, #tpu.memory_space<vmem>>
      %dma_wait3A_100 = tpu.memref_squeeze %dma_wait3A_99 : memref<1x128xi32, #tpu.memory_space<vmem>> -> memref<128xi32, #tpu.memory_space<vmem>>
      %dma_wait3A_101 = arith.constant 0 : i32
      %dma_wait3A_102 = tpu.memref_slice %arg5[%dma_wait3A_101] : memref<100728832xi32, #tpu.memory_space<hbm>> -> memref<100728832xi32, #tpu.memory_space<hbm>>
      tpu.wait_indirect_dma semaphore(%arg11 : memref<!tpu.dma_semaphore, #tpu.memory_space<semaphore_mem>>) src(%arg8 : memref<128xi32, #tpu.memory_space<vmem>>) dst(%dma_wait3A_102 : memref<100728832xi32, #tpu.memory_space<hbm>>)
      %scan3A_103 = arith.constant 0 : i32
      scf.yield %scan3A_103 : i32
    }
    %scan3A_63 = arith.constant 160 : i32
    "tpu.trace_stop"() : () -> ()
    "tpu.trace_start"() <{level = 10 : i32, message = "scat_l"}> : () -> ()
    %mul3A_64 = arith.constant 8 : i32
    %mul3A_65 = arith.muli %arg1, %mul3A_64 : i32
    "tpu.region"() ({
      %run_scoped3A = tpu.sem_alloc : memref<!tpu.dma_semaphore, #tpu.memory_space<semaphore_mem>>
      %dma_start3A_96 = arith.constant 0 : i32
      %dma_start3A_97 = arith.constant 0 : i32
      %dma_start3A_98 = tpu.memref_slice %arg6[%dma_start3A_96, %dma_start3A_97] : memref<160x128xi32, #tpu.memory_space<vmem>> -> memref<8x128xi32, #tpu.memory_space<vmem>>
      %dma_start3A_99 = arith.constant 0 : i32
      %dma_start3A_100 = tpu.memref_slice %arg3[%mul3A_65, %dma_start3A_99] : memref<128x128xi32, #tpu.memory_space<hbm>> -> memref<8x128xi32, #tpu.memory_space<hbm>>
      %dma_start3A_101 = arith.constant 0 : i32
      %dma_start3A_102 = arith.constant 0 : i32
      %dma_start3A_103 = tpu.memref_slice %arg6[%dma_start3A_101, %dma_start3A_102] : memref<160x128xi32, #tpu.memory_space<vmem>> -> memref<8x128xi32, #tpu.memory_space<vmem>>
      %dma_start3A_104 = arith.constant 0 : i32
      %dma_start3A_105 = tpu.memref_slice %arg3[%mul3A_65, %dma_start3A_104] : memref<128x128xi32, #tpu.memory_space<hbm>> -> memref<8x128xi32, #tpu.memory_space<hbm>>
      tpu.enqueue_dma source(%dma_start3A_105 : memref<8x128xi32, #tpu.memory_space<hbm>>) target(%dma_start3A_103 : memref<8x128xi32, #tpu.memory_space<vmem>>) target_semaphore(%run_scoped3A : memref<!tpu.dma_semaphore, #tpu.memory_space<semaphore_mem>>)
      %dma_wait3A_106 = arith.constant 0 : i32
      %dma_wait3A_107 = arith.constant 0 : i32
      %dma_wait3A_108 = tpu.memref_slice %arg6[%dma_wait3A_106, %dma_wait3A_107] : memref<160x128xi32, #tpu.memory_space<vmem>> -> memref<8x128xi32, #tpu.memory_space<vmem>>
      %dma_wait3A_109 = arith.constant 0 : i32
      %dma_wait3A_110 = tpu.memref_slice %arg3[%mul3A_65, %dma_wait3A_109] : memref<128x128xi32, #tpu.memory_space<hbm>> -> memref<8x128xi32, #tpu.memory_space<hbm>>
      %dma_wait3A_111 = arith.constant 0 : i32
      %dma_wait3A_112 = arith.constant 0 : i32
      %dma_wait3A_113 = tpu.memref_slice %arg6[%dma_wait3A_111, %dma_wait3A_112] : memref<160x128xi32, #tpu.memory_space<vmem>> -> memref<8x128xi32, #tpu.memory_space<vmem>>
      %dma_wait3A_114 = arith.constant 0 : i32
      %dma_wait3A_115 = tpu.memref_slice %arg3[%mul3A_65, %dma_wait3A_114] : memref<128x128xi32, #tpu.memory_space<hbm>> -> memref<8x128xi32, #tpu.memory_space<hbm>>
      tpu.wait_dma2 semaphore(%run_scoped3A : memref<!tpu.dma_semaphore, #tpu.memory_space<semaphore_mem>>) src(%dma_wait3A_115 : memref<8x128xi32, #tpu.memory_space<hbm>>) dst(%dma_wait3A_113 : memref<8x128xi32, #tpu.memory_space<vmem>>)
      tpu.yield
    }) : () -> ()
    %scan3A_66 = arith.constant 0 : i32
    %scan3A_67 = arith.constant 0 : i32
    %scan3A_68 = arith.constant 8 : i32
    %scan3A_69 = arith.addi %scan3A_67, %scan3A_68 : i32
    %scan3A_70 = arith.constant 1 : i32
    %scan3A_71 = scf.for %scan3A_96 = %scan3A_67 to %scan3A_69 step %scan3A_70 iter_args(%scan3A_97 = %scan3A_66) -> (i32)  : i32 {
      %get3A = arith.index_cast %scan3A_96 : i32 to index
      %get3A_98 = arith.constant 0 : index
      %get3A_99 = tpu.vector_load %arg6[%get3A, %get3A_98] {strides = array<i32>} : memref<160x128xi32, #tpu.memory_space<vmem>>, vector<1x16xi32>,
      %get3A_100 = vector.shape_cast %get3A_99 : vector<1x16xi32> to vector<16xi32>
      %ge3A = vector.broadcast %mul3A_45 : i32 to vector<16xi32>
      %ge3A_101 = arith.cmpi sge, %get3A_100, %ge3A : vector<16xi32>
      %lt3A = vector.broadcast %add3A_47 : i32 to vector<16xi32>
      %lt3A_102 = arith.cmpi slt, %get3A_100, %lt3A : vector<16xi32>
      %and3A = arith.andi %ge3A_101, %lt3A_102 : vector<16xi1>
      %add3A_103 = arith.addi %mul3A_65, %scan3A_96 : i32
      %mul3A_104 = arith.constant 128 : i32
      %mul3A_105 = arith.muli %add3A_103, %mul3A_104 : i32
      %add3A_106 = arith.constant 100327808 : i32
      %add3A_107 = arith.addi %add3A_106, %mul3A_105 : i32
      %add3A_108 = arith.constant 0 : i32
      %add3A_109 = arith.addi %add3A_107, %add3A_108 : i32
      %iota3A = tpu.iota {dimensions = array<i32: 0>} : vector<16xi32>
      %add3A_110 = vector.broadcast %add3A_109 : i32 to vector<16xi32>
      %add3A_111 = arith.addi %add3A_110, %iota3A : vector<16xi32>
      %select_n3A = arith.select %and3A, %get3A_100, %add3A_111 : vector<16xi1>, vector<16xi32>
      %swap3A = arith.index_cast %scan3A_96 : i32 to index
      %swap3A_112 = arith.constant 0 : index
      %swap3A_113 = tpu.vector_load %arg7[%swap3A, %swap3A_112] {strides = array<i32>} : memref<160x128xi32, #tpu.memory_space<vmem>>, vector<1x16xi32>,
      %swap3A_114 = vector.shape_cast %swap3A_113 : vector<1x16xi32> to vector<16xi32>
      %swap3A_115 = vector.shape_cast %select_n3A : vector<16xi32> to vector<1x16xi32>
      tpu.vector_store %arg7[%swap3A, %swap3A_112], %swap3A_115 {strides = array<i32>} : memref<160x128xi32, #tpu.memory_space<vmem>>, vector<1x16xi32>,
      %get3A_116 = arith.index_cast %scan3A_96 : i32 to index
      %get3A_117 = arith.constant 16 : index
      %get3A_118 = tpu.vector_load %arg6[%get3A_116, %get3A_117] {strides = array<i32>} : memref<160x128xi32, #tpu.memory_space<vmem>>, vector<1x16xi32>,
      %get3A_119 = vector.shape_cast %get3A_118 : vector<1x16xi32> to vector<16xi32>
      %ge3A_120 = vector.broadcast %mul3A_45 : i32 to vector<16xi32>
      %ge3A_121 = arith.cmpi sge, %get3A_119, %ge3A_120 : vector<16xi32>
      %lt3A_122 = vector.broadcast %add3A_47 : i32 to vector<16xi32>
      %lt3A_123 = arith.cmpi slt, %get3A_119, %lt3A_122 : vector<16xi32>
      %and3A_124 = arith.andi %ge3A_121, %lt3A_123 : vector<16xi1>
      %add3A_125 = arith.addi %mul3A_65, %scan3A_96 : i32
      %mul3A_126 = arith.constant 128 : i32
      %mul3A_127 = arith.muli %add3A_125, %mul3A_126 : i32
      %add3A_128 = arith.constant 100327808 : i32
      %add3A_129 = arith.addi %add3A_128, %mul3A_127 : i32
      %add3A_130 = arith.constant 16 : i32
      %add3A_131 = arith.addi %add3A_129, %add3A_130 : i32
      %iota3A_132 = tpu.iota {dimensions = array<i32: 0>} : vector<16xi32>
      %add3A_133 = vector.broadcast %add3A_131 : i32 to vector<16xi32>
      %add3A_134 = arith.addi %add3A_133, %iota3A_132 : vector<16xi32>
      %select_n3A_135 = arith.select %and3A_124, %get3A_119, %add3A_134 : vector<16xi1>, vector<16xi32>
      %swap3A_136 = arith.index_cast %scan3A_96 : i32 to index
      %swap3A_137 = arith.constant 16 : index
      %swap3A_138 = tpu.vector_load %arg7[%swap3A_136, %swap3A_137] {strides = array<i32>} : memref<160x128xi32, #tpu.memory_space<vmem>>, vector<1x16xi32>,
      %swap3A_139 = vector.shape_cast %swap3A_138 : vector<1x16xi32> to vector<16xi32>
      %swap3A_140 = vector.shape_cast %select_n3A_135 : vector<16xi32> to vector<1x16xi32>
      tpu.vector_store %arg7[%swap3A_136, %swap3A_137], %swap3A_140 {strides = array<i32>} : memref<160x128xi32, #tpu.memory_space<vmem>>, vector<1x16xi32>,
      %get3A_141 = arith.index_cast %scan3A_96 : i32 to index
      %get3A_142 = arith.constant 32 : index
      %get3A_143 = tpu.vector_load %arg6[%get3A_141, %get3A_142] {strides = array<i32>} : memref<160x128xi32, #tpu.memory_space<vmem>>, vector<1x16xi32>,
      %get3A_144 = vector.shape_cast %get3A_143 : vector<1x16xi32> to vector<16xi32>
      %ge3A_145 = vector.broadcast %mul3A_45 : i32 to vector<16xi32>
      %ge3A_146 = arith.cmpi sge, %get3A_144, %ge3A_145 : vector<16xi32>
      %lt3A_147 = vector.broadcast %add3A_47 : i32 to vector<16xi32>
      %lt3A_148 = arith.cmpi slt, %get3A_144, %lt3A_147 : vector<16xi32>
      %and3A_149 = arith.andi %ge3A_146, %lt3A_148 : vector<16xi1>
      %add3A_150 = arith.addi %mul3A_65, %scan3A_96 : i32
      %mul3A_151 = arith.constant 128 : i32
      %mul3A_152 = arith.muli %add3A_150, %mul3A_151 : i32
      %add3A_153 = arith.constant 100327808 : i32
      %add3A_154 = arith.addi %add3A_153, %mul3A_152 : i32
      %add3A_155 = arith.constant 32 : i32
      %add3A_156 = arith.addi %add3A_154, %add3A_155 : i32
      %iota3A_157 = tpu.iota {dimensions = array<i32: 0>} : vector<16xi32>
      %add3A_158 = vector.broadcast %add3A_156 : i32 to vector<16xi32>
      %add3A_159 = arith.addi %add3A_158, %iota3A_157 : vector<16xi32>
      %select_n3A_160 = arith.select %and3A_149, %get3A_144, %add3A_159 : vector<16xi1>, vector<16xi32>
      %swap3A_161 = arith.index_cast %scan3A_96 : i32 to index
      %swap3A_162 = arith.constant 32 : index
      %swap3A_163 = tpu.vector_load %arg7[%swap3A_161, %swap3A_162] {strides = array<i32>} : memref<160x128xi32, #tpu.memory_space<vmem>>, vector<1x16xi32>,
      %swap3A_164 = vector.shape_cast %swap3A_163 : vector<1x16xi32> to vector<16xi32>
      %swap3A_165 = vector.shape_cast %select_n3A_160 : vector<16xi32> to vector<1x16xi32>
      tpu.vector_store %arg7[%swap3A_161, %swap3A_162], %swap3A_165 {strides = array<i32>} : memref<160x128xi32, #tpu.memory_space<vmem>>, vector<1x16xi32>,
      %get3A_166 = arith.index_cast %scan3A_96 : i32 to index
      %get3A_167 = arith.constant 48 : index
      %get3A_168 = tpu.vector_load %arg6[%get3A_166, %get3A_167] {strides = array<i32>} : memref<160x128xi32, #tpu.memory_space<vmem>>, vector<1x16xi32>,
      %get3A_169 = vector.shape_cast %get3A_168 : vector<1x16xi32> to vector<16xi32>
      %ge3A_170 = vector.broadcast %mul3A_45 : i32 to vector<16xi32>
      %ge3A_171 = arith.cmpi sge, %get3A_169, %ge3A_170 : vector<16xi32>
      %lt3A_172 = vector.broadcast %add3A_47 : i32 to vector<16xi32>
      %lt3A_173 = arith.cmpi slt, %get3A_169, %lt3A_172 : vector<16xi32>
      %and3A_174 = arith.andi %ge3A_171, %lt3A_173 : vector<16xi1>
      %add3A_175 = arith.addi %mul3A_65, %scan3A_96 : i32
      %mul3A_176 = arith.constant 128 : i32
      %mul3A_177 = arith.muli %add3A_175, %mul3A_176 : i32
      %add3A_178 = arith.constant 100327808 : i32
      %add3A_179 = arith.addi %add3A_178, %mul3A_177 : i32
      %add3A_180 = arith.constant 48 : i32
      %add3A_181 = arith.addi %add3A_179, %add3A_180 : i32
      %iota3A_182 = tpu.iota {dimensions = array<i32: 0>} : vector<16xi32>
      %add3A_183 = vector.broadcast %add3A_181 : i32 to vector<16xi32>
      %add3A_184 = arith.addi %add3A_183, %iota3A_182 : vector<16xi32>
      %select_n3A_185 = arith.select %and3A_174, %get3A_169, %add3A_184 : vector<16xi1>, vector<16xi32>
      %swap3A_186 = arith.index_cast %scan3A_96 : i32 to index
      %swap3A_187 = arith.constant 48 : index
      %swap3A_188 = tpu.vector_load %arg7[%swap3A_186, %swap3A_187] {strides = array<i32>} : memref<160x128xi32, #tpu.memory_space<vmem>>, vector<1x16xi32>,
      %swap3A_189 = vector.shape_cast %swap3A_188 : vector<1x16xi32> to vector<16xi32>
      %swap3A_190 = vector.shape_cast %select_n3A_185 : vector<16xi32> to vector<1x16xi32>
      tpu.vector_store %arg7[%swap3A_186, %swap3A_187], %swap3A_190 {strides = array<i32>} : memref<160x128xi32, #tpu.memory_space<vmem>>, vector<1x16xi32>,
      %get3A_191 = arith.index_cast %scan3A_96 : i32 to index
      %get3A_192 = arith.constant 64 : index
      %get3A_193 = tpu.vector_load %arg6[%get3A_191, %get3A_192] {strides = array<i32>} : memref<160x128xi32, #tpu.memory_space<vmem>>, vector<1x16xi32>,
      %get3A_194 = vector.shape_cast %get3A_193 : vector<1x16xi32> to vector<16xi32>
      %ge3A_195 = vector.broadcast %mul3A_45 : i32 to vector<16xi32>
      %ge3A_196 = arith.cmpi sge, %get3A_194, %ge3A_195 : vector<16xi32>
      %lt3A_197 = vector.broadcast %add3A_47 : i32 to vector<16xi32>
      %lt3A_198 = arith.cmpi slt, %get3A_194, %lt3A_197 : vector<16xi32>
      %and3A_199 = arith.andi %ge3A_196, %lt3A_198 : vector<16xi1>
      %add3A_200 = arith.addi %mul3A_65, %scan3A_96 : i32
      %mul3A_201 = arith.constant 128 : i32
      %mul3A_202 = arith.muli %add3A_200, %mul3A_201 : i32
      %add3A_203 = arith.constant 100327808 : i32
      %add3A_204 = arith.addi %add3A_203, %mul3A_202 : i32
      %add3A_205 = arith.constant 64 : i32
      %add3A_206 = arith.addi %add3A_204, %add3A_205 : i32
      %iota3A_207 = tpu.iota {dimensions = array<i32: 0>} : vector<16xi32>
      %add3A_208 = vector.broadcast %add3A_206 : i32 to vector<16xi32>
      %add3A_209 = arith.addi %add3A_208, %iota3A_207 : vector<16xi32>
      %select_n3A_210 = arith.select %and3A_199, %get3A_194, %add3A_209 : vector<16xi1>, vector<16xi32>
      %swap3A_211 = arith.index_cast %scan3A_96 : i32 to index
      %swap3A_212 = arith.constant 64 : index
      %swap3A_213 = tpu.vector_load %arg7[%swap3A_211, %swap3A_212] {strides = array<i32>} : memref<160x128xi32, #tpu.memory_space<vmem>>, vector<1x16xi32>,
      %swap3A_214 = vector.shape_cast %swap3A_213 : vector<1x16xi32> to vector<16xi32>
      %swap3A_215 = vector.shape_cast %select_n3A_210 : vector<16xi32> to vector<1x16xi32>
      tpu.vector_store %arg7[%swap3A_211, %swap3A_212], %swap3A_215 {strides = array<i32>} : memref<160x128xi32, #tpu.memory_space<vmem>>, vector<1x16xi32>,
      %get3A_216 = arith.index_cast %scan3A_96 : i32 to index
      %get3A_217 = arith.constant 80 : index
      %get3A_218 = tpu.vector_load %arg6[%get3A_216, %get3A_217] {strides = array<i32>} : memref<160x128xi32, #tpu.memory_space<vmem>>, vector<1x16xi32>,
      %get3A_219 = vector.shape_cast %get3A_218 : vector<1x16xi32> to vector<16xi32>
      %ge3A_220 = vector.broadcast %mul3A_45 : i32 to vector<16xi32>
      %ge3A_221 = arith.cmpi sge, %get3A_219, %ge3A_220 : vector<16xi32>
      %lt3A_222 = vector.broadcast %add3A_47 : i32 to vector<16xi32>
      %lt3A_223 = arith.cmpi slt, %get3A_219, %lt3A_222 : vector<16xi32>
      %and3A_224 = arith.andi %ge3A_221, %lt3A_223 : vector<16xi1>
      %add3A_225 = arith.addi %mul3A_65, %scan3A_96 : i32
      %mul3A_226 = arith.constant 128 : i32
      %mul3A_227 = arith.muli %add3A_225, %mul3A_226 : i32
      %add3A_228 = arith.constant 100327808 : i32
      %add3A_229 = arith.addi %add3A_228, %mul3A_227 : i32
      %add3A_230 = arith.constant 80 : i32
      %add3A_231 = arith.addi %add3A_229, %add3A_230 : i32
      %iota3A_232 = tpu.iota {dimensions = array<i32: 0>} : vector<16xi32>
      %add3A_233 = vector.broadcast %add3A_231 : i32 to vector<16xi32>
      %add3A_234 = arith.addi %add3A_233, %iota3A_232 : vector<16xi32>
      %select_n3A_235 = arith.select %and3A_224, %get3A_219, %add3A_234 : vector<16xi1>, vector<16xi32>
      %swap3A_236 = arith.index_cast %scan3A_96 : i32 to index
      %swap3A_237 = arith.constant 80 : index
      %swap3A_238 = tpu.vector_load %arg7[%swap3A_236, %swap3A_237] {strides = array<i32>} : memref<160x128xi32, #tpu.memory_space<vmem>>, vector<1x16xi32>,
      %swap3A_239 = vector.shape_cast %swap3A_238 : vector<1x16xi32> to vector<16xi32>
      %swap3A_240 = vector.shape_cast %select_n3A_235 : vector<16xi32> to vector<1x16xi32>
      tpu.vector_store %arg7[%swap3A_236, %swap3A_237], %swap3A_240 {strides = array<i32>} : memref<160x128xi32, #tpu.memory_space<vmem>>, vector<1x16xi32>,
      %get3A_241 = arith.index_cast %scan3A_96 : i32 to index
      %get3A_242 = arith.constant 96 : index
      %get3A_243 = tpu.vector_load %arg6[%get3A_241, %get3A_242] {strides = array<i32>} : memref<160x128xi32, #tpu.memory_space<vmem>>, vector<1x16xi32>,
      %get3A_244 = vector.shape_cast %get3A_243 : vector<1x16xi32> to vector<16xi32>
      %ge3A_245 = vector.broadcast %mul3A_45 : i32 to vector<16xi32>
      %ge3A_246 = arith.cmpi sge, %get3A_244, %ge3A_245 : vector<16xi32>
      %lt3A_247 = vector.broadcast %add3A_47 : i32 to vector<16xi32>
      %lt3A_248 = arith.cmpi slt, %get3A_244, %lt3A_247 : vector<16xi32>
      %and3A_249 = arith.andi %ge3A_246, %lt3A_248 : vector<16xi1>
      %add3A_250 = arith.addi %mul3A_65, %scan3A_96 : i32
      %mul3A_251 = arith.constant 128 : i32
      %mul3A_252 = arith.muli %add3A_250, %mul3A_251 : i32
      %add3A_253 = arith.constant 100327808 : i32
      %add3A_254 = arith.addi %add3A_253, %mul3A_252 : i32
      %add3A_255 = arith.constant 96 : i32
      %add3A_256 = arith.addi %add3A_254, %add3A_255 : i32
      %iota3A_257 = tpu.iota {dimensions = array<i32: 0>} : vector<16xi32>
      %add3A_258 = vector.broadcast %add3A_256 : i32 to vector<16xi32>
      %add3A_259 = arith.addi %add3A_258, %iota3A_257 : vector<16xi32>
      %select_n3A_260 = arith.select %and3A_249, %get3A_244, %add3A_259 : vector<16xi1>, vector<16xi32>
      %swap3A_261 = arith.index_cast %scan3A_96 : i32 to index
      %swap3A_262 = arith.constant 96 : index
      %swap3A_263 = tpu.vector_load %arg7[%swap3A_261, %swap3A_262] {strides = array<i32>} : memref<160x128xi32, #tpu.memory_space<vmem>>, vector<1x16xi32>,
      %swap3A_264 = vector.shape_cast %swap3A_263 : vector<1x16xi32> to vector<16xi32>
      %swap3A_265 = vector.shape_cast %select_n3A_260 : vector<16xi32> to vector<1x16xi32>
      tpu.vector_store %arg7[%swap3A_261, %swap3A_262], %swap3A_265 {strides = array<i32>} : memref<160x128xi32, #tpu.memory_space<vmem>>, vector<1x16xi32>,
      %get3A_266 = arith.index_cast %scan3A_96 : i32 to index
      %get3A_267 = arith.constant 112 : index
      %get3A_268 = tpu.vector_load %arg6[%get3A_266, %get3A_267] {strides = array<i32>} : memref<160x128xi32, #tpu.memory_space<vmem>>, vector<1x16xi32>,
      %get3A_269 = vector.shape_cast %get3A_268 : vector<1x16xi32> to vector<16xi32>
      %ge3A_270 = vector.broadcast %mul3A_45 : i32 to vector<16xi32>
      %ge3A_271 = arith.cmpi sge, %get3A_269, %ge3A_270 : vector<16xi32>
      %lt3A_272 = vector.broadcast %add3A_47 : i32 to vector<16xi32>
      %lt3A_273 = arith.cmpi slt, %get3A_269, %lt3A_272 : vector<16xi32>
      %and3A_274 = arith.andi %ge3A_271, %lt3A_273 : vector<16xi1>
      %add3A_275 = arith.addi %mul3A_65, %scan3A_96 : i32
      %mul3A_276 = arith.constant 128 : i32
      %mul3A_277 = arith.muli %add3A_275, %mul3A_276 : i32
      %add3A_278 = arith.constant 100327808 : i32
      %add3A_279 = arith.addi %add3A_278, %mul3A_277 : i32
      %add3A_280 = arith.constant 112 : i32
      %add3A_281 = arith.addi %add3A_279, %add3A_280 : i32
      %iota3A_282 = tpu.iota {dimensions = array<i32: 0>} : vector<16xi32>
      %add3A_283 = vector.broadcast %add3A_281 : i32 to vector<16xi32>
      %add3A_284 = arith.addi %add3A_283, %iota3A_282 : vector<16xi32>
      %select_n3A_285 = arith.select %and3A_274, %get3A_269, %add3A_284 : vector<16xi1>, vector<16xi32>
      %swap3A_286 = arith.index_cast %scan3A_96 : i32 to index
      %swap3A_287 = arith.constant 112 : index
      %swap3A_288 = tpu.vector_load %arg7[%swap3A_286, %swap3A_287] {strides = array<i32>} : memref<160x128xi32, #tpu.memory_space<vmem>>, vector<1x16xi32>,
      %swap3A_289 = vector.shape_cast %swap3A_288 : vector<1x16xi32> to vector<16xi32>
      %swap3A_290 = vector.shape_cast %select_n3A_285 : vector<16xi32> to vector<1x16xi32>
      tpu.vector_store %arg7[%swap3A_286, %swap3A_287], %swap3A_290 {strides = array<i32>} : memref<160x128xi32, #tpu.memory_space<vmem>>, vector<1x16xi32>,
      %dma_start3A_291 = arith.constant 0 : i32
      %dma_start3A_292 = tpu.memref_slice %arg7[%scan3A_96, %dma_start3A_291] : memref<160x128xi32, #tpu.memory_space<vmem>> -> memref<1x128xi32, #tpu.memory_space<vmem>>
      %dma_start3A_293 = tpu.memref_squeeze %dma_start3A_292 : memref<1x128xi32, #tpu.memory_space<vmem>> -> memref<128xi32, #tpu.memory_space<vmem>>
      %dma_start3A_294 = arith.constant 0 : i32
      %dma_start3A_295 = tpu.memref_slice %arg5[%dma_start3A_294] : memref<100728832xi32, #tpu.memory_space<hbm>> -> memref<100728832xi32, #tpu.memory_space<hbm>>
      tpu.enqueue_indirect_dma source(%arg8 : memref<128xi32, #tpu.memory_space<vmem>>) target(%dma_start3A_295 : memref<100728832xi32, #tpu.memory_space<hbm>>) offsets(%dma_start3A_293 : memref<128xi32, #tpu.memory_space<vmem>>) semaphore(%arg11 : memref<!tpu.dma_semaphore, #tpu.memory_space<semaphore_mem>>)
      %scan3A_296 = arith.constant 0 : i32
      scf.yield %scan3A_296 : i32
    }
    %scan3A_72 = arith.constant 8 : i32
    %scan3A_73 = arith.constant 0 : i32
    %scan3A_74 = arith.constant 0 : i32
    %scan3A_75 = arith.constant 8 : i32
    %scan3A_76 = arith.addi %scan3A_74, %scan3A_75 : i32
    %scan3A_77 = arith.constant 1 : i32
    %scan3A_78 = scf.for %scan3A_96 = %scan3A_74 to %scan3A_76 step %scan3A_77 iter_args(%scan3A_97 = %scan3A_73) -> (i32)  : i32 {
      %dma_wait3A_98 = arith.constant 0 : i32
      %dma_wait3A_99 = tpu.memref_slice %arg7[%scan3A_96, %dma_wait3A_98] : memref<160x128xi32, #tpu.memory_space<vmem>> -> memref<1x128xi32, #tpu.memory_space<vmem>>
      %dma_wait3A_100 = tpu.memref_squeeze %dma_wait3A_99 : memref<1x128xi32, #tpu.memory_space<vmem>> -> memref<128xi32, #tpu.memory_space<vmem>>
      %dma_wait3A_101 = arith.constant 0 : i32
      %dma_wait3A_102 = tpu.memref_slice %arg5[%dma_wait3A_101] : memref<100728832xi32, #tpu.memory_space<hbm>> -> memref<100728832xi32, #tpu.memory_space<hbm>>
      tpu.wait_indirect_dma semaphore(%arg11 : memref<!tpu.dma_semaphore, #tpu.memory_space<semaphore_mem>>) src(%arg8 : memref<128xi32, #tpu.memory_space<vmem>>) dst(%dma_wait3A_102 : memref<100728832xi32, #tpu.memory_space<hbm>>)
      %scan3A_103 = arith.constant 0 : i32
      scf.yield %scan3A_103 : i32
    }
    %scan3A_79 = arith.constant 8 : i32
    "tpu.trace_stop"() : () -> ()
    "tpu.trace_start"() <{level = 10 : i32, message = "scat_m"}> : () -> ()
    %mul3A_80 = arith.constant 160 : i32
    %mul3A_81 = arith.muli %arg1, %mul3A_80 : i32
    "tpu.region"() ({
      %run_scoped3A = tpu.sem_alloc : memref<!tpu.dma_semaphore, #tpu.memory_space<semaphore_mem>>
      %dma_start3A_96 = arith.constant 0 : i32
      %dma_start3A_97 = arith.constant 0 : i32
      %dma_start3A_98 = tpu.memref_slice %arg6[%dma_start3A_96, %dma_start3A_97] : memref<160x128xi32, #tpu.memory_space<vmem>> -> memref<160x128xi32, #tpu.memory_space<vmem>>
      %dma_start3A_99 = arith.constant 0 : i32
      %dma_start3A_100 = tpu.memref_slice %arg4[%mul3A_81, %dma_start3A_99] : memref<2560x128xi32, #tpu.memory_space<hbm>> -> memref<160x128xi32, #tpu.memory_space<hbm>>
      %dma_start3A_101 = arith.constant 0 : i32
      %dma_start3A_102 = arith.constant 0 : i32
      %dma_start3A_103 = tpu.memref_slice %arg6[%dma_start3A_101, %dma_start3A_102] : memref<160x128xi32, #tpu.memory_space<vmem>> -> memref<160x128xi32, #tpu.memory_space<vmem>>
      %dma_start3A_104 = arith.constant 0 : i32
      %dma_start3A_105 = tpu.memref_slice %arg4[%mul3A_81, %dma_start3A_104] : memref<2560x128xi32, #tpu.memory_space<hbm>> -> memref<160x128xi32, #tpu.memory_space<hbm>>
      tpu.enqueue_dma source(%dma_start3A_105 : memref<160x128xi32, #tpu.memory_space<hbm>>) target(%dma_start3A_103 : memref<160x128xi32, #tpu.memory_space<vmem>>) target_semaphore(%run_scoped3A : memref<!tpu.dma_semaphore, #tpu.memory_space<semaphore_mem>>)
      %dma_wait3A_106 = arith.constant 0 : i32
      %dma_wait3A_107 = arith.constant 0 : i32
      %dma_wait3A_108 = tpu.memref_slice %arg6[%dma_wait3A_106, %dma_wait3A_107] : memref<160x128xi32, #tpu.memory_space<vmem>> -> memref<160x128xi32, #tpu.memory_space<vmem>>
      %dma_wait3A_109 = arith.constant 0 : i32
      %dma_wait3A_110 = tpu.memref_slice %arg4[%mul3A_81, %dma_wait3A_109] : memref<2560x128xi32, #tpu.memory_space<hbm>> -> memref<160x128xi32, #tpu.memory_space<hbm>>
      %dma_wait3A_111 = arith.constant 0 : i32
      %dma_wait3A_112 = arith.constant 0 : i32
      %dma_wait3A_113 = tpu.memref_slice %arg6[%dma_wait3A_111, %dma_wait3A_112] : memref<160x128xi32, #tpu.memory_space<vmem>> -> memref<160x128xi32, #tpu.memory_space<vmem>>
      %dma_wait3A_114 = arith.constant 0 : i32
      %dma_wait3A_115 = tpu.memref_slice %arg4[%mul3A_81, %dma_wait3A_114] : memref<2560x128xi32, #tpu.memory_space<hbm>> -> memref<160x128xi32, #tpu.memory_space<hbm>>
      tpu.wait_dma2 semaphore(%run_scoped3A : memref<!tpu.dma_semaphore, #tpu.memory_space<semaphore_mem>>) src(%dma_wait3A_115 : memref<160x128xi32, #tpu.memory_space<hbm>>) dst(%dma_wait3A_113 : memref<160x128xi32, #tpu.memory_space<vmem>>)
      tpu.yield
    }) : () -> ()
    %scan3A_82 = arith.constant 0 : i32
    %scan3A_83 = arith.constant 0 : i32
    %scan3A_84 = arith.constant 160 : i32
    %scan3A_85 = arith.addi %scan3A_83, %scan3A_84 : i32
    %scan3A_86 = arith.constant 1 : i32
    %scan3A_87 = scf.for %scan3A_96 = %scan3A_83 to %scan3A_85 step %scan3A_86 iter_args(%scan3A_97 = %scan3A_82) -> (i32)  : i32 {
      %get3A = arith.index_cast %scan3A_96 : i32 to index
      %get3A_98 = arith.constant 0 : index
      %get3A_99 = tpu.vector_load %arg6[%get3A, %get3A_98] {strides = array<i32>} : memref<160x128xi32, #tpu.memory_space<vmem>>, vector<1x16xi32>,
      %get3A_100 = vector.shape_cast %get3A_99 : vector<1x16xi32> to vector<16xi32>
      %ge3A = vector.broadcast %mul3A_45 : i32 to vector<16xi32>
      %ge3A_101 = arith.cmpi sge, %get3A_100, %ge3A : vector<16xi32>
      %lt3A = vector.broadcast %add3A_47 : i32 to vector<16xi32>
      %lt3A_102 = arith.cmpi slt, %get3A_100, %lt3A : vector<16xi32>
      %and3A = arith.andi %ge3A_101, %lt3A_102 : vector<16xi1>
      %add3A_103 = arith.addi %mul3A_81, %scan3A_96 : i32
      %mul3A_104 = arith.constant 128 : i32
      %mul3A_105 = arith.muli %add3A_103, %mul3A_104 : i32
      %add3A_106 = arith.constant 100344192 : i32
      %add3A_107 = arith.addi %add3A_106, %mul3A_105 : i32
      %add3A_108 = arith.constant 0 : i32
      %add3A_109 = arith.addi %add3A_107, %add3A_108 : i32
      %iota3A = tpu.iota {dimensions = array<i32: 0>} : vector<16xi32>
      %add3A_110 = vector.broadcast %add3A_109 : i32 to vector<16xi32>
      %add3A_111 = arith.addi %add3A_110, %iota3A : vector<16xi32>
      %select_n3A = arith.select %and3A, %get3A_100, %add3A_111 : vector<16xi1>, vector<16xi32>
      %swap3A = arith.index_cast %scan3A_96 : i32 to index
      %swap3A_112 = arith.constant 0 : index
      %swap3A_113 = tpu.vector_load %arg7[%swap3A, %swap3A_112] {strides = array<i32>} : memref<160x128xi32, #tpu.memory_space<vmem>>, vector<1x16xi32>,
      %swap3A_114 = vector.shape_cast %swap3A_113 : vector<1x16xi32> to vector<16xi32>
      %swap3A_115 = vector.shape_cast %select_n3A : vector<16xi32> to vector<1x16xi32>
      tpu.vector_store %arg7[%swap3A, %swap3A_112], %swap3A_115 {strides = array<i32>} : memref<160x128xi32, #tpu.memory_space<vmem>>, vector<1x16xi32>,
      %get3A_116 = arith.index_cast %scan3A_96 : i32 to index
      %get3A_117 = arith.constant 16 : index
      %get3A_118 = tpu.vector_load %arg6[%get3A_116, %get3A_117] {strides = array<i32>} : memref<160x128xi32, #tpu.memory_space<vmem>>, vector<1x16xi32>,
      %get3A_119 = vector.shape_cast %get3A_118 : vector<1x16xi32> to vector<16xi32>
      %ge3A_120 = vector.broadcast %mul3A_45 : i32 to vector<16xi32>
      %ge3A_121 = arith.cmpi sge, %get3A_119, %ge3A_120 : vector<16xi32>
      %lt3A_122 = vector.broadcast %add3A_47 : i32 to vector<16xi32>
      %lt3A_123 = arith.cmpi slt, %get3A_119, %lt3A_122 : vector<16xi32>
      %and3A_124 = arith.andi %ge3A_121, %lt3A_123 : vector<16xi1>
      %add3A_125 = arith.addi %mul3A_81, %scan3A_96 : i32
      %mul3A_126 = arith.constant 128 : i32
      %mul3A_127 = arith.muli %add3A_125, %mul3A_126 : i32
      %add3A_128 = arith.constant 100344192 : i32
      %add3A_129 = arith.addi %add3A_128, %mul3A_127 : i32
      %add3A_130 = arith.constant 16 : i32
      %add3A_131 = arith.addi %add3A_129, %add3A_130 : i32
      %iota3A_132 = tpu.iota {dimensions = array<i32: 0>} : vector<16xi32>
      %add3A_133 = vector.broadcast %add3A_131 : i32 to vector<16xi32>
      %add3A_134 = arith.addi %add3A_133, %iota3A_132 : vector<16xi32>
      %select_n3A_135 = arith.select %and3A_124, %get3A_119, %add3A_134 : vector<16xi1>, vector<16xi32>
      %swap3A_136 = arith.index_cast %scan3A_96 : i32 to index
      %swap3A_137 = arith.constant 16 : index
      %swap3A_138 = tpu.vector_load %arg7[%swap3A_136, %swap3A_137] {strides = array<i32>} : memref<160x128xi32, #tpu.memory_space<vmem>>, vector<1x16xi32>,
      %swap3A_139 = vector.shape_cast %swap3A_138 : vector<1x16xi32> to vector<16xi32>
      %swap3A_140 = vector.shape_cast %select_n3A_135 : vector<16xi32> to vector<1x16xi32>
      tpu.vector_store %arg7[%swap3A_136, %swap3A_137], %swap3A_140 {strides = array<i32>} : memref<160x128xi32, #tpu.memory_space<vmem>>, vector<1x16xi32>,
      %get3A_141 = arith.index_cast %scan3A_96 : i32 to index
      %get3A_142 = arith.constant 32 : index
      %get3A_143 = tpu.vector_load %arg6[%get3A_141, %get3A_142] {strides = array<i32>} : memref<160x128xi32, #tpu.memory_space<vmem>>, vector<1x16xi32>,
      %get3A_144 = vector.shape_cast %get3A_143 : vector<1x16xi32> to vector<16xi32>
      %ge3A_145 = vector.broadcast %mul3A_45 : i32 to vector<16xi32>
      %ge3A_146 = arith.cmpi sge, %get3A_144, %ge3A_145 : vector<16xi32>
      %lt3A_147 = vector.broadcast %add3A_47 : i32 to vector<16xi32>
      %lt3A_148 = arith.cmpi slt, %get3A_144, %lt3A_147 : vector<16xi32>
      %and3A_149 = arith.andi %ge3A_146, %lt3A_148 : vector<16xi1>
      %add3A_150 = arith.addi %mul3A_81, %scan3A_96 : i32
      %mul3A_151 = arith.constant 128 : i32
      %mul3A_152 = arith.muli %add3A_150, %mul3A_151 : i32
      %add3A_153 = arith.constant 100344192 : i32
      %add3A_154 = arith.addi %add3A_153, %mul3A_152 : i32
      %add3A_155 = arith.constant 32 : i32
      %add3A_156 = arith.addi %add3A_154, %add3A_155 : i32
      %iota3A_157 = tpu.iota {dimensions = array<i32: 0>} : vector<16xi32>
      %add3A_158 = vector.broadcast %add3A_156 : i32 to vector<16xi32>
      %add3A_159 = arith.addi %add3A_158, %iota3A_157 : vector<16xi32>
      %select_n3A_160 = arith.select %and3A_149, %get3A_144, %add3A_159 : vector<16xi1>, vector<16xi32>
      %swap3A_161 = arith.index_cast %scan3A_96 : i32 to index
      %swap3A_162 = arith.constant 32 : index
      %swap3A_163 = tpu.vector_load %arg7[%swap3A_161, %swap3A_162] {strides = array<i32>} : memref<160x128xi32, #tpu.memory_space<vmem>>, vector<1x16xi32>,
      %swap3A_164 = vector.shape_cast %swap3A_163 : vector<1x16xi32> to vector<16xi32>
      %swap3A_165 = vector.shape_cast %select_n3A_160 : vector<16xi32> to vector<1x16xi32>
      tpu.vector_store %arg7[%swap3A_161, %swap3A_162], %swap3A_165 {strides = array<i32>} : memref<160x128xi32, #tpu.memory_space<vmem>>, vector<1x16xi32>,
      %get3A_166 = arith.index_cast %scan3A_96 : i32 to index
      %get3A_167 = arith.constant 48 : index
      %get3A_168 = tpu.vector_load %arg6[%get3A_166, %get3A_167] {strides = array<i32>} : memref<160x128xi32, #tpu.memory_space<vmem>>, vector<1x16xi32>,
      %get3A_169 = vector.shape_cast %get3A_168 : vector<1x16xi32> to vector<16xi32>
      %ge3A_170 = vector.broadcast %mul3A_45 : i32 to vector<16xi32>
      %ge3A_171 = arith.cmpi sge, %get3A_169, %ge3A_170 : vector<16xi32>
      %lt3A_172 = vector.broadcast %add3A_47 : i32 to vector<16xi32>
      %lt3A_173 = arith.cmpi slt, %get3A_169, %lt3A_172 : vector<16xi32>
      %and3A_174 = arith.andi %ge3A_171, %lt3A_173 : vector<16xi1>
      %add3A_175 = arith.addi %mul3A_81, %scan3A_96 : i32
      %mul3A_176 = arith.constant 128 : i32
      %mul3A_177 = arith.muli %add3A_175, %mul3A_176 : i32
      %add3A_178 = arith.constant 100344192 : i32
      %add3A_179 = arith.addi %add3A_178, %mul3A_177 : i32
      %add3A_180 = arith.constant 48 : i32
      %add3A_181 = arith.addi %add3A_179, %add3A_180 : i32
      %iota3A_182 = tpu.iota {dimensions = array<i32: 0>} : vector<16xi32>
      %add3A_183 = vector.broadcast %add3A_181 : i32 to vector<16xi32>
      %add3A_184 = arith.addi %add3A_183, %iota3A_182 : vector<16xi32>
      %select_n3A_185 = arith.select %and3A_174, %get3A_169, %add3A_184 : vector<16xi1>, vector<16xi32>
      %swap3A_186 = arith.index_cast %scan3A_96 : i32 to index
      %swap3A_187 = arith.constant 48 : index
      %swap3A_188 = tpu.vector_load %arg7[%swap3A_186, %swap3A_187] {strides = array<i32>} : memref<160x128xi32, #tpu.memory_space<vmem>>, vector<1x16xi32>,
      %swap3A_189 = vector.shape_cast %swap3A_188 : vector<1x16xi32> to vector<16xi32>
      %swap3A_190 = vector.shape_cast %select_n3A_185 : vector<16xi32> to vector<1x16xi32>
      tpu.vector_store %arg7[%swap3A_186, %swap3A_187], %swap3A_190 {strides = array<i32>} : memref<160x128xi32, #tpu.memory_space<vmem>>, vector<1x16xi32>,
      %get3A_191 = arith.index_cast %scan3A_96 : i32 to index
      %get3A_192 = arith.constant 64 : index
      %get3A_193 = tpu.vector_load %arg6[%get3A_191, %get3A_192] {strides = array<i32>} : memref<160x128xi32, #tpu.memory_space<vmem>>, vector<1x16xi32>,
      %get3A_194 = vector.shape_cast %get3A_193 : vector<1x16xi32> to vector<16xi32>
      %ge3A_195 = vector.broadcast %mul3A_45 : i32 to vector<16xi32>
      %ge3A_196 = arith.cmpi sge, %get3A_194, %ge3A_195 : vector<16xi32>
      %lt3A_197 = vector.broadcast %add3A_47 : i32 to vector<16xi32>
      %lt3A_198 = arith.cmpi slt, %get3A_194, %lt3A_197 : vector<16xi32>
      %and3A_199 = arith.andi %ge3A_196, %lt3A_198 : vector<16xi1>
      %add3A_200 = arith.addi %mul3A_81, %scan3A_96 : i32
      %mul3A_201 = arith.constant 128 : i32
      %mul3A_202 = arith.muli %add3A_200, %mul3A_201 : i32
      %add3A_203 = arith.constant 100344192 : i32
      %add3A_204 = arith.addi %add3A_203, %mul3A_202 : i32
      %add3A_205 = arith.constant 64 : i32
      %add3A_206 = arith.addi %add3A_204, %add3A_205 : i32
      %iota3A_207 = tpu.iota {dimensions = array<i32: 0>} : vector<16xi32>
      %add3A_208 = vector.broadcast %add3A_206 : i32 to vector<16xi32>
      %add3A_209 = arith.addi %add3A_208, %iota3A_207 : vector<16xi32>
      %select_n3A_210 = arith.select %and3A_199, %get3A_194, %add3A_209 : vector<16xi1>, vector<16xi32>
      %swap3A_211 = arith.index_cast %scan3A_96 : i32 to index
      %swap3A_212 = arith.constant 64 : index
      %swap3A_213 = tpu.vector_load %arg7[%swap3A_211, %swap3A_212] {strides = array<i32>} : memref<160x128xi32, #tpu.memory_space<vmem>>, vector<1x16xi32>,
      %swap3A_214 = vector.shape_cast %swap3A_213 : vector<1x16xi32> to vector<16xi32>
      %swap3A_215 = vector.shape_cast %select_n3A_210 : vector<16xi32> to vector<1x16xi32>
      tpu.vector_store %arg7[%swap3A_211, %swap3A_212], %swap3A_215 {strides = array<i32>} : memref<160x128xi32, #tpu.memory_space<vmem>>, vector<1x16xi32>,
      %get3A_216 = arith.index_cast %scan3A_96 : i32 to index
      %get3A_217 = arith.constant 80 : index
      %get3A_218 = tpu.vector_load %arg6[%get3A_216, %get3A_217] {strides = array<i32>} : memref<160x128xi32, #tpu.memory_space<vmem>>, vector<1x16xi32>,
      %get3A_219 = vector.shape_cast %get3A_218 : vector<1x16xi32> to vector<16xi32>
      %ge3A_220 = vector.broadcast %mul3A_45 : i32 to vector<16xi32>
      %ge3A_221 = arith.cmpi sge, %get3A_219, %ge3A_220 : vector<16xi32>
      %lt3A_222 = vector.broadcast %add3A_47 : i32 to vector<16xi32>
      %lt3A_223 = arith.cmpi slt, %get3A_219, %lt3A_222 : vector<16xi32>
      %and3A_224 = arith.andi %ge3A_221, %lt3A_223 : vector<16xi1>
      %add3A_225 = arith.addi %mul3A_81, %scan3A_96 : i32
      %mul3A_226 = arith.constant 128 : i32
      %mul3A_227 = arith.muli %add3A_225, %mul3A_226 : i32
      %add3A_228 = arith.constant 100344192 : i32
      %add3A_229 = arith.addi %add3A_228, %mul3A_227 : i32
      %add3A_230 = arith.constant 80 : i32
      %add3A_231 = arith.addi %add3A_229, %add3A_230 : i32
      %iota3A_232 = tpu.iota {dimensions = array<i32: 0>} : vector<16xi32>
      %add3A_233 = vector.broadcast %add3A_231 : i32 to vector<16xi32>
      %add3A_234 = arith.addi %add3A_233, %iota3A_232 : vector<16xi32>
      %select_n3A_235 = arith.select %and3A_224, %get3A_219, %add3A_234 : vector<16xi1>, vector<16xi32>
      %swap3A_236 = arith.index_cast %scan3A_96 : i32 to index
      %swap3A_237 = arith.constant 80 : index
      %swap3A_238 = tpu.vector_load %arg7[%swap3A_236, %swap3A_237] {strides = array<i32>} : memref<160x128xi32, #tpu.memory_space<vmem>>, vector<1x16xi32>,
      %swap3A_239 = vector.shape_cast %swap3A_238 : vector<1x16xi32> to vector<16xi32>
      %swap3A_240 = vector.shape_cast %select_n3A_235 : vector<16xi32> to vector<1x16xi32>
      tpu.vector_store %arg7[%swap3A_236, %swap3A_237], %swap3A_240 {strides = array<i32>} : memref<160x128xi32, #tpu.memory_space<vmem>>, vector<1x16xi32>,
      %get3A_241 = arith.index_cast %scan3A_96 : i32 to index
      %get3A_242 = arith.constant 96 : index
      %get3A_243 = tpu.vector_load %arg6[%get3A_241, %get3A_242] {strides = array<i32>} : memref<160x128xi32, #tpu.memory_space<vmem>>, vector<1x16xi32>,
      %get3A_244 = vector.shape_cast %get3A_243 : vector<1x16xi32> to vector<16xi32>
      %ge3A_245 = vector.broadcast %mul3A_45 : i32 to vector<16xi32>
      %ge3A_246 = arith.cmpi sge, %get3A_244, %ge3A_245 : vector<16xi32>
      %lt3A_247 = vector.broadcast %add3A_47 : i32 to vector<16xi32>
      %lt3A_248 = arith.cmpi slt, %get3A_244, %lt3A_247 : vector<16xi32>
      %and3A_249 = arith.andi %ge3A_246, %lt3A_248 : vector<16xi1>
      %add3A_250 = arith.addi %mul3A_81, %scan3A_96 : i32
      %mul3A_251 = arith.constant 128 : i32
      %mul3A_252 = arith.muli %add3A_250, %mul3A_251 : i32
      %add3A_253 = arith.constant 100344192 : i32
      %add3A_254 = arith.addi %add3A_253, %mul3A_252 : i32
      %add3A_255 = arith.constant 96 : i32
      %add3A_256 = arith.addi %add3A_254, %add3A_255 : i32
      %iota3A_257 = tpu.iota {dimensions = array<i32: 0>} : vector<16xi32>
      %add3A_258 = vector.broadcast %add3A_256 : i32 to vector<16xi32>
      %add3A_259 = arith.addi %add3A_258, %iota3A_257 : vector<16xi32>
      %select_n3A_260 = arith.select %and3A_249, %get3A_244, %add3A_259 : vector<16xi1>, vector<16xi32>
      %swap3A_261 = arith.index_cast %scan3A_96 : i32 to index
      %swap3A_262 = arith.constant 96 : index
      %swap3A_263 = tpu.vector_load %arg7[%swap3A_261, %swap3A_262] {strides = array<i32>} : memref<160x128xi32, #tpu.memory_space<vmem>>, vector<1x16xi32>,
      %swap3A_264 = vector.shape_cast %swap3A_263 : vector<1x16xi32> to vector<16xi32>
      %swap3A_265 = vector.shape_cast %select_n3A_260 : vector<16xi32> to vector<1x16xi32>
      tpu.vector_store %arg7[%swap3A_261, %swap3A_262], %swap3A_265 {strides = array<i32>} : memref<160x128xi32, #tpu.memory_space<vmem>>, vector<1x16xi32>,
      %get3A_266 = arith.index_cast %scan3A_96 : i32 to index
      %get3A_267 = arith.constant 112 : index
      %get3A_268 = tpu.vector_load %arg6[%get3A_266, %get3A_267] {strides = array<i32>} : memref<160x128xi32, #tpu.memory_space<vmem>>, vector<1x16xi32>,
      %get3A_269 = vector.shape_cast %get3A_268 : vector<1x16xi32> to vector<16xi32>
      %ge3A_270 = vector.broadcast %mul3A_45 : i32 to vector<16xi32>
      %ge3A_271 = arith.cmpi sge, %get3A_269, %ge3A_270 : vector<16xi32>
      %lt3A_272 = vector.broadcast %add3A_47 : i32 to vector<16xi32>
      %lt3A_273 = arith.cmpi slt, %get3A_269, %lt3A_272 : vector<16xi32>
      %and3A_274 = arith.andi %ge3A_271, %lt3A_273 : vector<16xi1>
      %add3A_275 = arith.addi %mul3A_81, %scan3A_96 : i32
      %mul3A_276 = arith.constant 128 : i32
      %mul3A_277 = arith.muli %add3A_275, %mul3A_276 : i32
      %add3A_278 = arith.constant 100344192 : i32
      %add3A_279 = arith.addi %add3A_278, %mul3A_277 : i32
      %add3A_280 = arith.constant 112 : i32
      %add3A_281 = arith.addi %add3A_279, %add3A_280 : i32
      %iota3A_282 = tpu.iota {dimensions = array<i32: 0>} : vector<16xi32>
      %add3A_283 = vector.broadcast %add3A_281 : i32 to vector<16xi32>
      %add3A_284 = arith.addi %add3A_283, %iota3A_282 : vector<16xi32>
      %select_n3A_285 = arith.select %and3A_274, %get3A_269, %add3A_284 : vector<16xi1>, vector<16xi32>
      %swap3A_286 = arith.index_cast %scan3A_96 : i32 to index
      %swap3A_287 = arith.constant 112 : index
      %swap3A_288 = tpu.vector_load %arg7[%swap3A_286, %swap3A_287] {strides = array<i32>} : memref<160x128xi32, #tpu.memory_space<vmem>>, vector<1x16xi32>,
      %swap3A_289 = vector.shape_cast %swap3A_288 : vector<1x16xi32> to vector<16xi32>
      %swap3A_290 = vector.shape_cast %select_n3A_285 : vector<16xi32> to vector<1x16xi32>
      tpu.vector_store %arg7[%swap3A_286, %swap3A_287], %swap3A_290 {strides = array<i32>} : memref<160x128xi32, #tpu.memory_space<vmem>>, vector<1x16xi32>,
      %dma_start3A_291 = arith.constant 0 : i32
      %dma_start3A_292 = tpu.memref_slice %arg7[%scan3A_96, %dma_start3A_291] : memref<160x128xi32, #tpu.memory_space<vmem>> -> memref<1x128xi32, #tpu.memory_space<vmem>>
      %dma_start3A_293 = tpu.memref_squeeze %dma_start3A_292 : memref<1x128xi32, #tpu.memory_space<vmem>> -> memref<128xi32, #tpu.memory_space<vmem>>
      %dma_start3A_294 = arith.constant 0 : i32
      %dma_start3A_295 = tpu.memref_slice %arg5[%dma_start3A_294] : memref<100728832xi32, #tpu.memory_space<hbm>> -> memref<100728832xi32, #tpu.memory_space<hbm>>
      tpu.enqueue_indirect_dma source(%arg8 : memref<128xi32, #tpu.memory_space<vmem>>) target(%dma_start3A_295 : memref<100728832xi32, #tpu.memory_space<hbm>>) offsets(%dma_start3A_293 : memref<128xi32, #tpu.memory_space<vmem>>) semaphore(%arg11 : memref<!tpu.dma_semaphore, #tpu.memory_space<semaphore_mem>>)
      %scan3A_296 = arith.constant 0 : i32
      scf.yield %scan3A_296 : i32
    }
    %scan3A_88 = arith.constant 160 : i32
    %scan3A_89 = arith.constant 0 : i32
    %scan3A_90 = arith.constant 0 : i32
    %scan3A_91 = arith.constant 160 : i32
    %scan3A_92 = arith.addi %scan3A_90, %scan3A_91 : i32
    %scan3A_93 = arith.constant 1 : i32
    %scan3A_94 = scf.for %scan3A_96 = %scan3A_90 to %scan3A_92 step %scan3A_93 iter_args(%scan3A_97 = %scan3A_89) -> (i32)  : i32 {
      %dma_wait3A_98 = arith.constant 0 : i32
      %dma_wait3A_99 = tpu.memref_slice %arg7[%scan3A_96, %dma_wait3A_98] : memref<160x128xi32, #tpu.memory_space<vmem>> -> memref<1x128xi32, #tpu.memory_space<vmem>>
      %dma_wait3A_100 = tpu.memref_squeeze %dma_wait3A_99 : memref<1x128xi32, #tpu.memory_space<vmem>> -> memref<128xi32, #tpu.memory_space<vmem>>
      %dma_wait3A_101 = arith.constant 0 : i32
      %dma_wait3A_102 = tpu.memref_slice %arg5[%dma_wait3A_101] : memref<100728832xi32, #tpu.memory_space<hbm>> -> memref<100728832xi32, #tpu.memory_space<hbm>>
      tpu.wait_indirect_dma semaphore(%arg11 : memref<!tpu.dma_semaphore, #tpu.memory_space<semaphore_mem>>) src(%arg8 : memref<128xi32, #tpu.memory_space<vmem>>) dst(%dma_wait3A_102 : memref<100728832xi32, #tpu.memory_space<hbm>>)
      %scan3A_103 = arith.constant 0 : i32
      scf.yield %scan3A_103 : i32
    }
    %scan3A_95 = arith.constant 160 : i32
    "tpu.trace_stop"() : () -> ()
    return
  }
}

#map = affine_map<(d0, d1) -> (0)>
#map1 = affine_map<(d0, d1) -> (0, 0)>
module attributes {stable_mosaic.version = 14 : i64} {
  func.func @_rank_gather_body(%arg0: i32, %arg1: i32, %arg2: memref<100728832xi32, #tpu.memory_space<hbm>>, %arg3: memref<2560x128xi32, #tpu.memory_space<hbm>>, %arg4: memref<128x128xi32, #tpu.memory_space<hbm>>, %arg5: memref<2560x128xi32, #tpu.memory_space<hbm>>, %arg6: memref<2560x128xi32, #tpu.memory_space<hbm>>, %arg7: memref<128x128xi32, #tpu.memory_space<hbm>>, %arg8: memref<2560x128xi32, #tpu.memory_space<hbm>>, %arg9: memref<80x128xi32, #tpu.memory_space<vmem>>, %arg10: memref<80x128xi32, #tpu.memory_space<vmem>>, %arg11: memref<!tpu.dma_semaphore, #tpu.memory_space<semaphore_mem>>) attributes {dimension_semantics = [#tpu.dimension_semantics<core_parallel>, #tpu.dimension_semantics<subcore_parallel>], iteration_bounds = array<i64: 2, 16>, scalar_prefetch = 0 : i64, scratch_operands = 3 : i64, tpu.core_type = #tpu.core_type<sc_vector_subcore>, window_params = [{transform_indices = #map}, {transform_indices = #map1}, {transform_indices = #map1}, {transform_indices = #map1}, {transform_indices = #map1}, {transform_indices = #map1}, {transform_indices = #map1}]} {
    %mul3A = arith.constant 2 : i32
    %mul3A_0 = arith.muli %arg1, %mul3A : i32
    %add3A = arith.addi %mul3A_0, %arg0 : i32
    %mul3A_1 = arith.constant 80 : i32
    %mul3A_2 = arith.muli %add3A, %mul3A_1 : i32
    "tpu.region"() ({
      %run_scoped3A = tpu.sem_alloc : memref<!tpu.dma_semaphore, #tpu.memory_space<semaphore_mem>>
      %dma_start3A = arith.constant 0 : i32
      %dma_start3A_48 = arith.constant 0 : i32
      %dma_start3A_49 = tpu.memref_slice %arg9[%dma_start3A, %dma_start3A_48] : memref<80x128xi32, #tpu.memory_space<vmem>> -> memref<80x128xi32, #tpu.memory_space<vmem>>
      %dma_start3A_50 = arith.constant 0 : i32
      %dma_start3A_51 = tpu.memref_slice %arg3[%mul3A_2, %dma_start3A_50] : memref<2560x128xi32, #tpu.memory_space<hbm>> -> memref<80x128xi32, #tpu.memory_space<hbm>>
      %dma_start3A_52 = arith.constant 0 : i32
      %dma_start3A_53 = arith.constant 0 : i32
      %dma_start3A_54 = tpu.memref_slice %arg9[%dma_start3A_52, %dma_start3A_53] : memref<80x128xi32, #tpu.memory_space<vmem>> -> memref<80x128xi32, #tpu.memory_space<vmem>>
      %dma_start3A_55 = arith.constant 0 : i32
      %dma_start3A_56 = tpu.memref_slice %arg3[%mul3A_2, %dma_start3A_55] : memref<2560x128xi32, #tpu.memory_space<hbm>> -> memref<80x128xi32, #tpu.memory_space<hbm>>
      tpu.enqueue_dma source(%dma_start3A_56 : memref<80x128xi32, #tpu.memory_space<hbm>>) target(%dma_start3A_54 : memref<80x128xi32, #tpu.memory_space<vmem>>) target_semaphore(%run_scoped3A : memref<!tpu.dma_semaphore, #tpu.memory_space<semaphore_mem>>)
      %dma_wait3A = arith.constant 0 : i32
      %dma_wait3A_57 = arith.constant 0 : i32
      %dma_wait3A_58 = tpu.memref_slice %arg9[%dma_wait3A, %dma_wait3A_57] : memref<80x128xi32, #tpu.memory_space<vmem>> -> memref<80x128xi32, #tpu.memory_space<vmem>>
      %dma_wait3A_59 = arith.constant 0 : i32
      %dma_wait3A_60 = tpu.memref_slice %arg3[%mul3A_2, %dma_wait3A_59] : memref<2560x128xi32, #tpu.memory_space<hbm>> -> memref<80x128xi32, #tpu.memory_space<hbm>>
      %dma_wait3A_61 = arith.constant 0 : i32
      %dma_wait3A_62 = arith.constant 0 : i32
      %dma_wait3A_63 = tpu.memref_slice %arg9[%dma_wait3A_61, %dma_wait3A_62] : memref<80x128xi32, #tpu.memory_space<vmem>> -> memref<80x128xi32, #tpu.memory_space<vmem>>
      %dma_wait3A_64 = arith.constant 0 : i32
      %dma_wait3A_65 = tpu.memref_slice %arg3[%mul3A_2, %dma_wait3A_64] : memref<2560x128xi32, #tpu.memory_space<hbm>> -> memref<80x128xi32, #tpu.memory_space<hbm>>
      tpu.wait_dma2 semaphore(%run_scoped3A : memref<!tpu.dma_semaphore, #tpu.memory_space<semaphore_mem>>) src(%dma_wait3A_65 : memref<80x128xi32, #tpu.memory_space<hbm>>) dst(%dma_wait3A_63 : memref<80x128xi32, #tpu.memory_space<vmem>>)
      tpu.yield
    }) : () -> ()
    %scan3A = arith.constant 0 : i32
    %scan3A_3 = arith.constant 0 : i32
    %scan3A_4 = arith.constant 80 : i32
    %scan3A_5 = arith.addi %scan3A_3, %scan3A_4 : i32
    %scan3A_6 = arith.constant 1 : i32
    %scan3A_7 = scf.for %scan3A_48 = %scan3A_3 to %scan3A_5 step %scan3A_6 iter_args(%scan3A_49 = %scan3A) -> (i32)  : i32 {
      %dma_start3A = arith.constant 0 : i32
      %dma_start3A_50 = tpu.memref_slice %arg10[%scan3A_48, %dma_start3A] : memref<80x128xi32, #tpu.memory_space<vmem>> -> memref<1x128xi32, #tpu.memory_space<vmem>>
      %dma_start3A_51 = tpu.memref_squeeze %dma_start3A_50 : memref<1x128xi32, #tpu.memory_space<vmem>> -> memref<128xi32, #tpu.memory_space<vmem>>
      %dma_start3A_52 = arith.constant 0 : i32
      %dma_start3A_53 = tpu.memref_slice %arg9[%scan3A_48, %dma_start3A_52] : memref<80x128xi32, #tpu.memory_space<vmem>> -> memref<1x128xi32, #tpu.memory_space<vmem>>
      %dma_start3A_54 = tpu.memref_squeeze %dma_start3A_53 : memref<1x128xi32, #tpu.memory_space<vmem>> -> memref<128xi32, #tpu.memory_space<vmem>>
      %dma_start3A_55 = arith.constant 0 : i32
      %dma_start3A_56 = tpu.memref_slice %arg2[%dma_start3A_55] : memref<100728832xi32, #tpu.memory_space<hbm>> -> memref<100728832xi32, #tpu.memory_space<hbm>>
      tpu.enqueue_indirect_dma source(%dma_start3A_56 : memref<100728832xi32, #tpu.memory_space<hbm>>) target(%dma_start3A_51 : memref<128xi32, #tpu.memory_space<vmem>>) offsets(%dma_start3A_54 : memref<128xi32, #tpu.memory_space<vmem>>) semaphore(%arg11 : memref<!tpu.dma_semaphore, #tpu.memory_space<semaphore_mem>>)
      %scan3A_57 = arith.constant 0 : i32
      scf.yield %scan3A_57 : i32
    }
    %scan3A_8 = arith.constant 80 : i32
    %scan3A_9 = arith.constant 0 : i32
    %scan3A_10 = arith.constant 0 : i32
    %scan3A_11 = arith.constant 80 : i32
    %scan3A_12 = arith.addi %scan3A_10, %scan3A_11 : i32
    %scan3A_13 = arith.constant 1 : i32
    %scan3A_14 = scf.for %scan3A_48 = %scan3A_10 to %scan3A_12 step %scan3A_13 iter_args(%scan3A_49 = %scan3A_9) -> (i32)  : i32 {
      %dma_wait3A = arith.constant 0 : i32
      %dma_wait3A_50 = tpu.memref_slice %arg10[%scan3A_48, %dma_wait3A] : memref<80x128xi32, #tpu.memory_space<vmem>> -> memref<1x128xi32, #tpu.memory_space<vmem>>
      %dma_wait3A_51 = tpu.memref_squeeze %dma_wait3A_50 : memref<1x128xi32, #tpu.memory_space<vmem>> -> memref<128xi32, #tpu.memory_space<vmem>>
      %dma_wait3A_52 = arith.constant 0 : i32
      %dma_wait3A_53 = tpu.memref_slice %arg9[%scan3A_48, %dma_wait3A_52] : memref<80x128xi32, #tpu.memory_space<vmem>> -> memref<1x128xi32, #tpu.memory_space<vmem>>
      %dma_wait3A_54 = tpu.memref_squeeze %dma_wait3A_53 : memref<1x128xi32, #tpu.memory_space<vmem>> -> memref<128xi32, #tpu.memory_space<vmem>>
      %dma_wait3A_55 = arith.constant 0 : i32
      %dma_wait3A_56 = tpu.memref_slice %arg2[%dma_wait3A_55] : memref<100728832xi32, #tpu.memory_space<hbm>> -> memref<100728832xi32, #tpu.memory_space<hbm>>
      tpu.wait_indirect_dma semaphore(%arg11 : memref<!tpu.dma_semaphore, #tpu.memory_space<semaphore_mem>>) src(%dma_wait3A_56 : memref<100728832xi32, #tpu.memory_space<hbm>>) dst(%dma_wait3A_51 : memref<128xi32, #tpu.memory_space<vmem>>)
      %scan3A_57 = arith.constant 0 : i32
      scf.yield %scan3A_57 : i32
    }
    %scan3A_15 = arith.constant 80 : i32
    "tpu.region"() ({
      %run_scoped3A = tpu.sem_alloc : memref<!tpu.dma_semaphore, #tpu.memory_space<semaphore_mem>>
      %dma_start3A = arith.constant 0 : i32
      %dma_start3A_48 = arith.constant 0 : i32
      %dma_start3A_49 = tpu.memref_slice %arg10[%dma_start3A, %dma_start3A_48] : memref<80x128xi32, #tpu.memory_space<vmem>> -> memref<80x128xi32, #tpu.memory_space<vmem>>
      %dma_start3A_50 = arith.constant 0 : i32
      %dma_start3A_51 = tpu.memref_slice %arg6[%mul3A_2, %dma_start3A_50] : memref<2560x128xi32, #tpu.memory_space<hbm>> -> memref<80x128xi32, #tpu.memory_space<hbm>>
      %dma_start3A_52 = arith.constant 0 : i32
      %dma_start3A_53 = tpu.memref_slice %arg6[%mul3A_2, %dma_start3A_52] : memref<2560x128xi32, #tpu.memory_space<hbm>> -> memref<80x128xi32, #tpu.memory_space<hbm>>
      %dma_start3A_54 = arith.constant 0 : i32
      %dma_start3A_55 = arith.constant 0 : i32
      %dma_start3A_56 = tpu.memref_slice %arg10[%dma_start3A_54, %dma_start3A_55] : memref<80x128xi32, #tpu.memory_space<vmem>> -> memref<80x128xi32, #tpu.memory_space<vmem>>
      tpu.enqueue_dma source(%dma_start3A_56 : memref<80x128xi32, #tpu.memory_space<vmem>>) target(%dma_start3A_53 : memref<80x128xi32, #tpu.memory_space<hbm>>) target_semaphore(%run_scoped3A : memref<!tpu.dma_semaphore, #tpu.memory_space<semaphore_mem>>)
      %dma_wait3A = arith.constant 0 : i32
      %dma_wait3A_57 = arith.constant 0 : i32
      %dma_wait3A_58 = tpu.memref_slice %arg10[%dma_wait3A, %dma_wait3A_57] : memref<80x128xi32, #tpu.memory_space<vmem>> -> memref<80x128xi32, #tpu.memory_space<vmem>>
      %dma_wait3A_59 = arith.constant 0 : i32
      %dma_wait3A_60 = tpu.memref_slice %arg6[%mul3A_2, %dma_wait3A_59] : memref<2560x128xi32, #tpu.memory_space<hbm>> -> memref<80x128xi32, #tpu.memory_space<hbm>>
      %dma_wait3A_61 = arith.constant 0 : i32
      %dma_wait3A_62 = tpu.memref_slice %arg6[%mul3A_2, %dma_wait3A_61] : memref<2560x128xi32, #tpu.memory_space<hbm>> -> memref<80x128xi32, #tpu.memory_space<hbm>>
      %dma_wait3A_63 = arith.constant 0 : i32
      %dma_wait3A_64 = arith.constant 0 : i32
      %dma_wait3A_65 = tpu.memref_slice %arg10[%dma_wait3A_63, %dma_wait3A_64] : memref<80x128xi32, #tpu.memory_space<vmem>> -> memref<80x128xi32, #tpu.memory_space<vmem>>
      tpu.wait_dma2 semaphore(%run_scoped3A : memref<!tpu.dma_semaphore, #tpu.memory_space<semaphore_mem>>) src(%dma_wait3A_65 : memref<80x128xi32, #tpu.memory_space<vmem>>) dst(%dma_wait3A_62 : memref<80x128xi32, #tpu.memory_space<hbm>>)
      tpu.yield
    }) : () -> ()
    %mul3A_16 = arith.constant 4 : i32
    %mul3A_17 = arith.muli %add3A, %mul3A_16 : i32
    "tpu.region"() ({
      %run_scoped3A = tpu.sem_alloc : memref<!tpu.dma_semaphore, #tpu.memory_space<semaphore_mem>>
      %dma_start3A = arith.constant 0 : i32
      %dma_start3A_48 = arith.constant 0 : i32
      %dma_start3A_49 = tpu.memref_slice %arg9[%dma_start3A, %dma_start3A_48] : memref<80x128xi32, #tpu.memory_space<vmem>> -> memref<4x128xi32, #tpu.memory_space<vmem>>
      %dma_start3A_50 = arith.constant 0 : i32
      %dma_start3A_51 = tpu.memref_slice %arg4[%mul3A_17, %dma_start3A_50] : memref<128x128xi32, #tpu.memory_space<hbm>> -> memref<4x128xi32, #tpu.memory_space<hbm>>
      %dma_start3A_52 = arith.constant 0 : i32
      %dma_start3A_53 = arith.constant 0 : i32
      %dma_start3A_54 = tpu.memref_slice %arg9[%dma_start3A_52, %dma_start3A_53] : memref<80x128xi32, #tpu.memory_space<vmem>> -> memref<4x128xi32, #tpu.memory_space<vmem>>
      %dma_start3A_55 = arith.constant 0 : i32
      %dma_start3A_56 = tpu.memref_slice %arg4[%mul3A_17, %dma_start3A_55] : memref<128x128xi32, #tpu.memory_space<hbm>> -> memref<4x128xi32, #tpu.memory_space<hbm>>
      tpu.enqueue_dma source(%dma_start3A_56 : memref<4x128xi32, #tpu.memory_space<hbm>>) target(%dma_start3A_54 : memref<4x128xi32, #tpu.memory_space<vmem>>) target_semaphore(%run_scoped3A : memref<!tpu.dma_semaphore, #tpu.memory_space<semaphore_mem>>)
      %dma_wait3A = arith.constant 0 : i32
      %dma_wait3A_57 = arith.constant 0 : i32
      %dma_wait3A_58 = tpu.memref_slice %arg9[%dma_wait3A, %dma_wait3A_57] : memref<80x128xi32, #tpu.memory_space<vmem>> -> memref<4x128xi32, #tpu.memory_space<vmem>>
      %dma_wait3A_59 = arith.constant 0 : i32
      %dma_wait3A_60 = tpu.memref_slice %arg4[%mul3A_17, %dma_wait3A_59] : memref<128x128xi32, #tpu.memory_space<hbm>> -> memref<4x128xi32, #tpu.memory_space<hbm>>
      %dma_wait3A_61 = arith.constant 0 : i32
      %dma_wait3A_62 = arith.constant 0 : i32
      %dma_wait3A_63 = tpu.memref_slice %arg9[%dma_wait3A_61, %dma_wait3A_62] : memref<80x128xi32, #tpu.memory_space<vmem>> -> memref<4x128xi32, #tpu.memory_space<vmem>>
      %dma_wait3A_64 = arith.constant 0 : i32
      %dma_wait3A_65 = tpu.memref_slice %arg4[%mul3A_17, %dma_wait3A_64] : memref<128x128xi32, #tpu.memory_space<hbm>> -> memref<4x128xi32, #tpu.memory_space<hbm>>
      tpu.wait_dma2 semaphore(%run_scoped3A : memref<!tpu.dma_semaphore, #tpu.memory_space<semaphore_mem>>) src(%dma_wait3A_65 : memref<4x128xi32, #tpu.memory_space<hbm>>) dst(%dma_wait3A_63 : memref<4x128xi32, #tpu.memory_space<vmem>>)
      tpu.yield
    }) : () -> ()
    %scan3A_18 = arith.constant 0 : i32
    %scan3A_19 = arith.constant 0 : i32
    %scan3A_20 = arith.constant 4 : i32
    %scan3A_21 = arith.addi %scan3A_19, %scan3A_20 : i32
    %scan3A_22 = arith.constant 1 : i32
    %scan3A_23 = scf.for %scan3A_48 = %scan3A_19 to %scan3A_21 step %scan3A_22 iter_args(%scan3A_49 = %scan3A_18) -> (i32)  : i32 {
      %dma_start3A = arith.constant 0 : i32
      %dma_start3A_50 = tpu.memref_slice %arg10[%scan3A_48, %dma_start3A] : memref<80x128xi32, #tpu.memory_space<vmem>> -> memref<1x128xi32, #tpu.memory_space<vmem>>
      %dma_start3A_51 = tpu.memref_squeeze %dma_start3A_50 : memref<1x128xi32, #tpu.memory_space<vmem>> -> memref<128xi32, #tpu.memory_space<vmem>>
      %dma_start3A_52 = arith.constant 0 : i32
      %dma_start3A_53 = tpu.memref_slice %arg9[%scan3A_48, %dma_start3A_52] : memref<80x128xi32, #tpu.memory_space<vmem>> -> memref<1x128xi32, #tpu.memory_space<vmem>>
      %dma_start3A_54 = tpu.memref_squeeze %dma_start3A_53 : memref<1x128xi32, #tpu.memory_space<vmem>> -> memref<128xi32, #tpu.memory_space<vmem>>
      %dma_start3A_55 = arith.constant 0 : i32
      %dma_start3A_56 = tpu.memref_slice %arg2[%dma_start3A_55] : memref<100728832xi32, #tpu.memory_space<hbm>> -> memref<100728832xi32, #tpu.memory_space<hbm>>
      tpu.enqueue_indirect_dma source(%dma_start3A_56 : memref<100728832xi32, #tpu.memory_space<hbm>>) target(%dma_start3A_51 : memref<128xi32, #tpu.memory_space<vmem>>) offsets(%dma_start3A_54 : memref<128xi32, #tpu.memory_space<vmem>>) semaphore(%arg11 : memref<!tpu.dma_semaphore, #tpu.memory_space<semaphore_mem>>)
      %scan3A_57 = arith.constant 0 : i32
      scf.yield %scan3A_57 : i32
    }
    %scan3A_24 = arith.constant 4 : i32
    %scan3A_25 = arith.constant 0 : i32
    %scan3A_26 = arith.constant 0 : i32
    %scan3A_27 = arith.constant 4 : i32
    %scan3A_28 = arith.addi %scan3A_26, %scan3A_27 : i32
    %scan3A_29 = arith.constant 1 : i32
    %scan3A_30 = scf.for %scan3A_48 = %scan3A_26 to %scan3A_28 step %scan3A_29 iter_args(%scan3A_49 = %scan3A_25) -> (i32)  : i32 {
      %dma_wait3A = arith.constant 0 : i32
      %dma_wait3A_50 = tpu.memref_slice %arg10[%scan3A_48, %dma_wait3A] : memref<80x128xi32, #tpu.memory_space<vmem>> -> memref<1x128xi32, #tpu.memory_space<vmem>>
      %dma_wait3A_51 = tpu.memref_squeeze %dma_wait3A_50 : memref<1x128xi32, #tpu.memory_space<vmem>> -> memref<128xi32, #tpu.memory_space<vmem>>
      %dma_wait3A_52 = arith.constant 0 : i32
      %dma_wait3A_53 = tpu.memref_slice %arg9[%scan3A_48, %dma_wait3A_52] : memref<80x128xi32, #tpu.memory_space<vmem>> -> memref<1x128xi32, #tpu.memory_space<vmem>>
      %dma_wait3A_54 = tpu.memref_squeeze %dma_wait3A_53 : memref<1x128xi32, #tpu.memory_space<vmem>> -> memref<128xi32, #tpu.memory_space<vmem>>
      %dma_wait3A_55 = arith.constant 0 : i32
      %dma_wait3A_56 = tpu.memref_slice %arg2[%dma_wait3A_55] : memref<100728832xi32, #tpu.memory_space<hbm>> -> memref<100728832xi32, #tpu.memory_space<hbm>>
      tpu.wait_indirect_dma semaphore(%arg11 : memref<!tpu.dma_semaphore, #tpu.memory_space<semaphore_mem>>) src(%dma_wait3A_56 : memref<100728832xi32, #tpu.memory_space<hbm>>) dst(%dma_wait3A_51 : memref<128xi32, #tpu.memory_space<vmem>>)
      %scan3A_57 = arith.constant 0 : i32
      scf.yield %scan3A_57 : i32
    }
    %scan3A_31 = arith.constant 4 : i32
    "tpu.region"() ({
      %run_scoped3A = tpu.sem_alloc : memref<!tpu.dma_semaphore, #tpu.memory_space<semaphore_mem>>
      %dma_start3A = arith.constant 0 : i32
      %dma_start3A_48 = arith.constant 0 : i32
      %dma_start3A_49 = tpu.memref_slice %arg10[%dma_start3A, %dma_start3A_48] : memref<80x128xi32, #tpu.memory_space<vmem>> -> memref<4x128xi32, #tpu.memory_space<vmem>>
      %dma_start3A_50 = arith.constant 0 : i32
      %dma_start3A_51 = tpu.memref_slice %arg7[%mul3A_17, %dma_start3A_50] : memref<128x128xi32, #tpu.memory_space<hbm>> -> memref<4x128xi32, #tpu.memory_space<hbm>>
      %dma_start3A_52 = arith.constant 0 : i32
      %dma_start3A_53 = tpu.memref_slice %arg7[%mul3A_17, %dma_start3A_52] : memref<128x128xi32, #tpu.memory_space<hbm>> -> memref<4x128xi32, #tpu.memory_space<hbm>>
      %dma_start3A_54 = arith.constant 0 : i32
      %dma_start3A_55 = arith.constant 0 : i32
      %dma_start3A_56 = tpu.memref_slice %arg10[%dma_start3A_54, %dma_start3A_55] : memref<80x128xi32, #tpu.memory_space<vmem>> -> memref<4x128xi32, #tpu.memory_space<vmem>>
      tpu.enqueue_dma source(%dma_start3A_56 : memref<4x128xi32, #tpu.memory_space<vmem>>) target(%dma_start3A_53 : memref<4x128xi32, #tpu.memory_space<hbm>>) target_semaphore(%run_scoped3A : memref<!tpu.dma_semaphore, #tpu.memory_space<semaphore_mem>>)
      %dma_wait3A = arith.constant 0 : i32
      %dma_wait3A_57 = arith.constant 0 : i32
      %dma_wait3A_58 = tpu.memref_slice %arg10[%dma_wait3A, %dma_wait3A_57] : memref<80x128xi32, #tpu.memory_space<vmem>> -> memref<4x128xi32, #tpu.memory_space<vmem>>
      %dma_wait3A_59 = arith.constant 0 : i32
      %dma_wait3A_60 = tpu.memref_slice %arg7[%mul3A_17, %dma_wait3A_59] : memref<128x128xi32, #tpu.memory_space<hbm>> -> memref<4x128xi32, #tpu.memory_space<hbm>>
      %dma_wait3A_61 = arith.constant 0 : i32
      %dma_wait3A_62 = tpu.memref_slice %arg7[%mul3A_17, %dma_wait3A_61] : memref<128x128xi32, #tpu.memory_space<hbm>> -> memref<4x128xi32, #tpu.memory_space<hbm>>
      %dma_wait3A_63 = arith.constant 0 : i32
      %dma_wait3A_64 = arith.constant 0 : i32
      %dma_wait3A_65 = tpu.memref_slice %arg10[%dma_wait3A_63, %dma_wait3A_64] : memref<80x128xi32, #tpu.memory_space<vmem>> -> memref<4x128xi32, #tpu.memory_space<vmem>>
      tpu.wait_dma2 semaphore(%run_scoped3A : memref<!tpu.dma_semaphore, #tpu.memory_space<semaphore_mem>>) src(%dma_wait3A_65 : memref<4x128xi32, #tpu.memory_space<vmem>>) dst(%dma_wait3A_62 : memref<4x128xi32, #tpu.memory_space<hbm>>)
      tpu.yield
    }) : () -> ()
    %mul3A_32 = arith.constant 80 : i32
    %mul3A_33 = arith.muli %add3A, %mul3A_32 : i32
    "tpu.region"() ({
      %run_scoped3A = tpu.sem_alloc : memref<!tpu.dma_semaphore, #tpu.memory_space<semaphore_mem>>
      %dma_start3A = arith.constant 0 : i32
      %dma_start3A_48 = arith.constant 0 : i32
      %dma_start3A_49 = tpu.memref_slice %arg9[%dma_start3A, %dma_start3A_48] : memref<80x128xi32, #tpu.memory_space<vmem>> -> memref<80x128xi32, #tpu.memory_space<vmem>>
      %dma_start3A_50 = arith.constant 0 : i32
      %dma_start3A_51 = tpu.memref_slice %arg5[%mul3A_33, %dma_start3A_50] : memref<2560x128xi32, #tpu.memory_space<hbm>> -> memref<80x128xi32, #tpu.memory_space<hbm>>
      %dma_start3A_52 = arith.constant 0 : i32
      %dma_start3A_53 = arith.constant 0 : i32
      %dma_start3A_54 = tpu.memref_slice %arg9[%dma_start3A_52, %dma_start3A_53] : memref<80x128xi32, #tpu.memory_space<vmem>> -> memref<80x128xi32, #tpu.memory_space<vmem>>
      %dma_start3A_55 = arith.constant 0 : i32
      %dma_start3A_56 = tpu.memref_slice %arg5[%mul3A_33, %dma_start3A_55] : memref<2560x128xi32, #tpu.memory_space<hbm>> -> memref<80x128xi32, #tpu.memory_space<hbm>>
      tpu.enqueue_dma source(%dma_start3A_56 : memref<80x128xi32, #tpu.memory_space<hbm>>) target(%dma_start3A_54 : memref<80x128xi32, #tpu.memory_space<vmem>>) target_semaphore(%run_scoped3A : memref<!tpu.dma_semaphore, #tpu.memory_space<semaphore_mem>>)
      %dma_wait3A = arith.constant 0 : i32
      %dma_wait3A_57 = arith.constant 0 : i32
      %dma_wait3A_58 = tpu.memref_slice %arg9[%dma_wait3A, %dma_wait3A_57] : memref<80x128xi32, #tpu.memory_space<vmem>> -> memref<80x128xi32, #tpu.memory_space<vmem>>
      %dma_wait3A_59 = arith.constant 0 : i32
      %dma_wait3A_60 = tpu.memref_slice %arg5[%mul3A_33, %dma_wait3A_59] : memref<2560x128xi32, #tpu.memory_space<hbm>> -> memref<80x128xi32, #tpu.memory_space<hbm>>
      %dma_wait3A_61 = arith.constant 0 : i32
      %dma_wait3A_62 = arith.constant 0 : i32
      %dma_wait3A_63 = tpu.memref_slice %arg9[%dma_wait3A_61, %dma_wait3A_62] : memref<80x128xi32, #tpu.memory_space<vmem>> -> memref<80x128xi32, #tpu.memory_space<vmem>>
      %dma_wait3A_64 = arith.constant 0 : i32
      %dma_wait3A_65 = tpu.memref_slice %arg5[%mul3A_33, %dma_wait3A_64] : memref<2560x128xi32, #tpu.memory_space<hbm>> -> memref<80x128xi32, #tpu.memory_space<hbm>>
      tpu.wait_dma2 semaphore(%run_scoped3A : memref<!tpu.dma_semaphore, #tpu.memory_space<semaphore_mem>>) src(%dma_wait3A_65 : memref<80x128xi32, #tpu.memory_space<hbm>>) dst(%dma_wait3A_63 : memref<80x128xi32, #tpu.memory_space<vmem>>)
      tpu.yield
    }) : () -> ()
    %scan3A_34 = arith.constant 0 : i32
    %scan3A_35 = arith.constant 0 : i32
    %scan3A_36 = arith.constant 80 : i32
    %scan3A_37 = arith.addi %scan3A_35, %scan3A_36 : i32
    %scan3A_38 = arith.constant 1 : i32
    %scan3A_39 = scf.for %scan3A_48 = %scan3A_35 to %scan3A_37 step %scan3A_38 iter_args(%scan3A_49 = %scan3A_34) -> (i32)  : i32 {
      %dma_start3A = arith.constant 0 : i32
      %dma_start3A_50 = tpu.memref_slice %arg10[%scan3A_48, %dma_start3A] : memref<80x128xi32, #tpu.memory_space<vmem>> -> memref<1x128xi32, #tpu.memory_space<vmem>>
      %dma_start3A_51 = tpu.memref_squeeze %dma_start3A_50 : memref<1x128xi32, #tpu.memory_space<vmem>> -> memref<128xi32, #tpu.memory_space<vmem>>
      %dma_start3A_52 = arith.constant 0 : i32
      %dma_start3A_53 = tpu.memref_slice %arg9[%scan3A_48, %dma_start3A_52] : memref<80x128xi32, #tpu.memory_space<vmem>> -> memref<1x128xi32, #tpu.memory_space<vmem>>
      %dma_start3A_54 = tpu.memref_squeeze %dma_start3A_53 : memref<1x128xi32, #tpu.memory_space<vmem>> -> memref<128xi32, #tpu.memory_space<vmem>>
      %dma_start3A_55 = arith.constant 0 : i32
      %dma_start3A_56 = tpu.memref_slice %arg2[%dma_start3A_55] : memref<100728832xi32, #tpu.memory_space<hbm>> -> memref<100728832xi32, #tpu.memory_space<hbm>>
      tpu.enqueue_indirect_dma source(%dma_start3A_56 : memref<100728832xi32, #tpu.memory_space<hbm>>) target(%dma_start3A_51 : memref<128xi32, #tpu.memory_space<vmem>>) offsets(%dma_start3A_54 : memref<128xi32, #tpu.memory_space<vmem>>) semaphore(%arg11 : memref<!tpu.dma_semaphore, #tpu.memory_space<semaphore_mem>>)
      %scan3A_57 = arith.constant 0 : i32
      scf.yield %scan3A_57 : i32
    }
    %scan3A_40 = arith.constant 80 : i32
    %scan3A_41 = arith.constant 0 : i32
    %scan3A_42 = arith.constant 0 : i32
    %scan3A_43 = arith.constant 80 : i32
    %scan3A_44 = arith.addi %scan3A_42, %scan3A_43 : i32
    %scan3A_45 = arith.constant 1 : i32
    %scan3A_46 = scf.for %scan3A_48 = %scan3A_42 to %scan3A_44 step %scan3A_45 iter_args(%scan3A_49 = %scan3A_41) -> (i32)  : i32 {
      %dma_wait3A = arith.constant 0 : i32
      %dma_wait3A_50 = tpu.memref_slice %arg10[%scan3A_48, %dma_wait3A] : memref<80x128xi32, #tpu.memory_space<vmem>> -> memref<1x128xi32, #tpu.memory_space<vmem>>
      %dma_wait3A_51 = tpu.memref_squeeze %dma_wait3A_50 : memref<1x128xi32, #tpu.memory_space<vmem>> -> memref<128xi32, #tpu.memory_space<vmem>>
      %dma_wait3A_52 = arith.constant 0 : i32
      %dma_wait3A_53 = tpu.memref_slice %arg9[%scan3A_48, %dma_wait3A_52] : memref<80x128xi32, #tpu.memory_space<vmem>> -> memref<1x128xi32, #tpu.memory_space<vmem>>
      %dma_wait3A_54 = tpu.memref_squeeze %dma_wait3A_53 : memref<1x128xi32, #tpu.memory_space<vmem>> -> memref<128xi32, #tpu.memory_space<vmem>>
      %dma_wait3A_55 = arith.constant 0 : i32
      %dma_wait3A_56 = tpu.memref_slice %arg2[%dma_wait3A_55] : memref<100728832xi32, #tpu.memory_space<hbm>> -> memref<100728832xi32, #tpu.memory_space<hbm>>
      tpu.wait_indirect_dma semaphore(%arg11 : memref<!tpu.dma_semaphore, #tpu.memory_space<semaphore_mem>>) src(%dma_wait3A_56 : memref<100728832xi32, #tpu.memory_space<hbm>>) dst(%dma_wait3A_51 : memref<128xi32, #tpu.memory_space<vmem>>)
      %scan3A_57 = arith.constant 0 : i32
      scf.yield %scan3A_57 : i32
    }
    %scan3A_47 = arith.constant 80 : i32
    "tpu.region"() ({
      %run_scoped3A = tpu.sem_alloc : memref<!tpu.dma_semaphore, #tpu.memory_space<semaphore_mem>>
      %dma_start3A = arith.constant 0 : i32
      %dma_start3A_48 = arith.constant 0 : i32
      %dma_start3A_49 = tpu.memref_slice %arg10[%dma_start3A, %dma_start3A_48] : memref<80x128xi32, #tpu.memory_space<vmem>> -> memref<80x128xi32, #tpu.memory_space<vmem>>
      %dma_start3A_50 = arith.constant 0 : i32
      %dma_start3A_51 = tpu.memref_slice %arg8[%mul3A_33, %dma_start3A_50] : memref<2560x128xi32, #tpu.memory_space<hbm>> -> memref<80x128xi32, #tpu.memory_space<hbm>>
      %dma_start3A_52 = arith.constant 0 : i32
      %dma_start3A_53 = tpu.memref_slice %arg8[%mul3A_33, %dma_start3A_52] : memref<2560x128xi32, #tpu.memory_space<hbm>> -> memref<80x128xi32, #tpu.memory_space<hbm>>
      %dma_start3A_54 = arith.constant 0 : i32
      %dma_start3A_55 = arith.constant 0 : i32
      %dma_start3A_56 = tpu.memref_slice %arg10[%dma_start3A_54, %dma_start3A_55] : memref<80x128xi32, #tpu.memory_space<vmem>> -> memref<80x128xi32, #tpu.memory_space<vmem>>
      tpu.enqueue_dma source(%dma_start3A_56 : memref<80x128xi32, #tpu.memory_space<vmem>>) target(%dma_start3A_53 : memref<80x128xi32, #tpu.memory_space<hbm>>) target_semaphore(%run_scoped3A : memref<!tpu.dma_semaphore, #tpu.memory_space<semaphore_mem>>)
      %dma_wait3A = arith.constant 0 : i32
      %dma_wait3A_57 = arith.constant 0 : i32
      %dma_wait3A_58 = tpu.memref_slice %arg10[%dma_wait3A, %dma_wait3A_57] : memref<80x128xi32, #tpu.memory_space<vmem>> -> memref<80x128xi32, #tpu.memory_space<vmem>>
      %dma_wait3A_59 = arith.constant 0 : i32
      %dma_wait3A_60 = tpu.memref_slice %arg8[%mul3A_33, %dma_wait3A_59] : memref<2560x128xi32, #tpu.memory_space<hbm>> -> memref<80x128xi32, #tpu.memory_space<hbm>>
      %dma_wait3A_61 = arith.constant 0 : i32
      %dma_wait3A_62 = tpu.memref_slice %arg8[%mul3A_33, %dma_wait3A_61] : memref<2560x128xi32, #tpu.memory_space<hbm>> -> memref<80x128xi32, #tpu.memory_space<hbm>>
      %dma_wait3A_63 = arith.constant 0 : i32
      %dma_wait3A_64 = arith.constant 0 : i32
      %dma_wait3A_65 = tpu.memref_slice %arg10[%dma_wait3A_63, %dma_wait3A_64] : memref<80x128xi32, #tpu.memory_space<vmem>> -> memref<80x128xi32, #tpu.memory_space<vmem>>
      tpu.wait_dma2 semaphore(%run_scoped3A : memref<!tpu.dma_semaphore, #tpu.memory_space<semaphore_mem>>) src(%dma_wait3A_65 : memref<80x128xi32, #tpu.memory_space<vmem>>) dst(%dma_wait3A_62 : memref<80x128xi32, #tpu.memory_space<hbm>>)
      tpu.yield
    }) : () -> ()
    return
  }
}

module attributes {stable_mosaic.version = 14 : i64} {
  func.func @_prefix_body(%arg0: i32, %arg1: memref<512x128xi32, #tpu.memory_space<vmem>>, %arg2: memref<512x128xi32, #tpu.memory_space<vmem>>, %arg3: memref<1xf32, #tpu.memory_space<smem>>) attributes {dimension_semantics = [#tpu.dimension_semantics<arbitrary>], iteration_bounds = array<i64: 1537>, scalar_prefetch = 0 : i64, scratch_operands = 1 : i64, tpu.core_type = #tpu.core_type<tc>, window_params = [{transform_indices = @transform_0, window_bounds = array<i64: 512, 128>}, {transform_indices = @transform_1, window_bounds = array<i64: 512, 128>}]} {
    %eq3A = arith.constant 0 : i32
    %eq3A_0 = arith.cmpi eq, %arg0, %eq3A : i32
    %convert_element_type3A = arith.extui %eq3A_0 : i1 to i32
    %cond3A = arith.constant 0 : i32
    %cond3A_1 = arith.cmpi ne, %convert_element_type3A, %cond3A : i32
    scf.if %cond3A_1 {
      %swap3A_33 = arith.constant 0.000000e+00 : f32
      %swap3A_34 = arith.constant 0 : index
      %swap3A_35 = memref.load %arg3[%swap3A_34] : memref<1xf32, #tpu.memory_space<smem>>
      memref.store %swap3A_33, %arg3[%swap3A_34] : memref<1xf32, #tpu.memory_space<smem>>
    } else {
    }
    %get3A = arith.constant 0 : index
    %get3A_2 = arith.constant 0 : index
    %get3A_3 = vector.load %arg1[%get3A, %get3A_2] : memref<512x128xi32, #tpu.memory_space<vmem>>, vector<512x128xi32>
    %convert_element_type3A_4 = arith.sitofp %get3A_3 : vector<512x128xi32> to vector<512x128xf32>
    %iota3A = tpu.iota {dimensions = array<i32: 0>} : vector<128x128xi32>
    %iota3A_5 = tpu.iota {dimensions = array<i32: 1>} : vector<128x128xi32>
    %lt3A = arith.cmpi slt, %iota3A, %iota3A_5 : vector<128x128xi32>
    %convert_element_type3A_6 = arith.extui %lt3A : vector<128x128xi1> to vector<128x128xi32>
    %convert_element_type3A_7 = arith.sitofp %convert_element_type3A_6 : vector<128x128xi32> to vector<128x128xf32>
    %dot_general3A = arith.constant dense<0.000000e+00> : vector<512x128xf32>
    %dot_general3A_8 = tpu.matmul %convert_element_type3A_4, %convert_element_type3A_7, %dot_general3A {dimension_numbers = #tpu.dot_dimension_numbers<[1], [0], [0], [1], [0, 0, 1, 1], [], []>, transpose_lhs_hint = false} : vector<512x128xf32>, vector<128x128xf32>, vector<512x128xf32> -> vector<512x128xf32>
    %broadcast_in_dim3A = arith.constant 1.000000e+00 : f32
    %broadcast_in_dim3A_9 = vector.broadcast %broadcast_in_dim3A : f32 to vector<128x1xf32>
    %dot_general3A_10 = arith.constant dense<0.000000e+00> : vector<512x1xf32>
    %dot_general3A_11 = tpu.matmul %convert_element_type3A_4, %broadcast_in_dim3A_9, %dot_general3A_10 {dimension_numbers = #tpu.dot_dimension_numbers<[1], [0], [0], [1], [0, 0, 1, 1], [], []>, transpose_lhs_hint = false} : vector<512x128xf32>, vector<128x1xf32>, vector<512x1xf32> -> vector<512x1xf32>
    %iota3A_12 = tpu.iota {dimensions = array<i32: 0>} : vector<512x512xi32>
    %iota3A_13 = tpu.iota {dimensions = array<i32: 1>} : vector<512x512xi32>
    %gt3A = arith.cmpi sgt, %iota3A_12, %iota3A_13 : vector<512x512xi32>
    %convert_element_type3A_14 = arith.extui %gt3A : vector<512x512xi1> to vector<512x512xi32>
    %convert_element_type3A_15 = arith.sitofp %convert_element_type3A_14 : vector<512x512xi32> to vector<512x512xf32>
    %dot_general3A_16 = arith.constant dense<0.000000e+00> : vector<512x1xf32>
    %dot_general3A_17 = tpu.matmul %convert_element_type3A_15, %dot_general3A_11, %dot_general3A_16 {dimension_numbers = #tpu.dot_dimension_numbers<[1], [0], [0], [1], [0, 0, 1, 1], [], []>, transpose_lhs_hint = false} : vector<512x512xf32>, vector<512x1xf32>, vector<512x1xf32> -> vector<512x1xf32>
    %get3A_18 = arith.constant 0 : index
    %get3A_19 = memref.load %arg3[%get3A_18] : memref<1xf32, #tpu.memory_space<smem>>
    %add3A = vector.broadcast %dot_general3A_17 : vector<512x1xf32> to vector<512x128xf32>
    %add3A_20 = arith.addf %dot_general3A_8, %add3A : vector<512x128xf32>
    %add3A_21 = vector.broadcast %get3A_19 : f32 to vector<512x128xf32>
    %add3A_22 = arith.addf %add3A_20, %add3A_21 : vector<512x128xf32>
    %convert_element_type3A_23 = arith.fptosi %add3A_22 : vector<512x128xf32> to vector<512x128xi32>
    %swap3A = arith.constant 0 : index
    %swap3A_24 = arith.constant 0 : index
    %swap3A_25 = vector.load %arg2[%swap3A, %swap3A_24] : memref<512x128xi32, #tpu.memory_space<vmem>>, vector<512x128xi32>
    tpu.vector_store %arg2[%swap3A, %swap3A_24], %convert_element_type3A_23 {strides = array<i32>} : memref<512x128xi32, #tpu.memory_space<vmem>>, vector<512x128xi32>,
    %reduce_sum3A = vector.shape_cast %dot_general3A_11 : vector<512x1xf32> to vector<1x512x1xf32>
    %reduce_sum3A_26 = arith.constant dense<0.000000e+00> : vector<1xf32>
    %reduce_sum3A_27 = vector.multi_reduction <add>, %reduce_sum3A, %reduce_sum3A_26 [1, 2] : vector<1x512x1xf32> to vector<1xf32>
    %reduce_sum3A_28 = vector.shape_cast %reduce_sum3A_27 : vector<1xf32> to vector<1x1x1xf32>
    %reduce_sum3A_29 = vector.extract %reduce_sum3A_28[0, 0, 0] : f32 from vector<1x1x1xf32>
    %add3A_30 = arith.addf %get3A_19, %reduce_sum3A_29 : f32
    %swap3A_31 = arith.constant 0 : index
    %swap3A_32 = memref.load %arg3[%swap3A_31] : memref<1xf32, #tpu.memory_space<smem>>
    memref.store %add3A_30, %arg3[%swap3A_31] : memref<1xf32, #tpu.memory_space<smem>>
    return
  }
  func.func @transform_0(%arg0: i32) -> (i32, i32) {
    %c0_i32 = arith.constant 0 : i32
    %c0_i32_0 = arith.constant 0 : i32
    return %arg0, %c0_i32 : i32, i32
  }
  func.func @transform_1(%arg0: i32) -> (i32, i32) {
    %c0_i32 = arith.constant 0 : i32
    %c0_i32_0 = arith.constant 0 : i32
    return %arg0, %c0_i32 : i32, i32
  }
}

module attributes {stable_mosaic.version = 14 : i64} {
  func.func @_mm_body(%arg0: i32, %arg1: memref<640x128xf32, #tpu.memory_space<vmem>>, %arg2: memref<128x128xf32, #tpu.memory_space<vmem>>, %arg3: memref<640x128xf32, #tpu.memory_space<vmem>>) attributes {dimension_semantics = [#tpu.dimension_semantics<arbitrary>], iteration_bounds = array<i64: 500>, scalar_prefetch = 0 : i64, scratch_operands = 0 : i64, tpu.core_type = #tpu.core_type<tc>, window_params = [{transform_indices = @transform_0, window_bounds = array<i64: 640, 128>}, {pipeline_mode = #tpu.pipeline_mode<synchronous>, transform_indices = @transform_1, window_bounds = array<i64: 128, 128>}, {transform_indices = @transform_2, window_bounds = array<i64: 640, 128>}]} {
    %get3A = arith.constant 0 : index
    %get3A_0 = arith.constant 0 : index
    %get3A_1 = vector.load %arg1[%get3A, %get3A_0] : memref<640x128xf32, #tpu.memory_space<vmem>>, vector<640x128xf32>
    %get3A_2 = arith.constant 0 : index
    %get3A_3 = arith.constant 0 : index
    %get3A_4 = vector.load %arg2[%get3A_2, %get3A_3] : memref<128x128xf32, #tpu.memory_space<vmem>>, vector<128x128xf32>
    %dot_general3A = arith.constant dense<0.000000e+00> : vector<640x128xf32>
    %dot_general3A_5 = tpu.matmul %get3A_1, %get3A_4, %dot_general3A {dimension_numbers = #tpu.dot_dimension_numbers<[1], [1], [0], [0], [0, 0, 1, 0], [], []>, transpose_lhs_hint = false} : vector<640x128xf32>, vector<128x128xf32>, vector<640x128xf32> -> vector<640x128xf32>
    %swap3A = arith.constant 0 : index
    %swap3A_6 = arith.constant 0 : index
    %swap3A_7 = vector.load %arg3[%swap3A, %swap3A_6] : memref<640x128xf32, #tpu.memory_space<vmem>>, vector<640x128xf32>
    tpu.vector_store %arg3[%swap3A, %swap3A_6], %dot_general3A_5 {strides = array<i32>} : memref<640x128xf32, #tpu.memory_space<vmem>>, vector<640x128xf32>,
    return
  }
  func.func @transform_0(%arg0: i32) -> (i32, i32) {
    %c0_i32 = arith.constant 0 : i32
    %c0_i32_0 = arith.constant 0 : i32
    return %arg0, %c0_i32 : i32, i32
  }
  func.func @transform_1(%arg0: i32) -> (i32, i32) {
    %c0_i32 = arith.constant 0 : i32
    %c0_i32_0 = arith.constant 0 : i32
    %c0_i32_1 = arith.constant 0 : i32
    return %c0_i32, %c0_i32_0 : i32, i32
  }
  func.func @transform_2(%arg0: i32) -> (i32, i32) {
    %c0_i32 = arith.constant 0 : i32
    %c0_i32_0 = arith.constant 0 : i32
    return %arg0, %c0_i32 : i32, i32
  }
}

</mosaic_0001>

<sc_bundles>
// kernel: kernel.6.cloned.1.call-start
scs
__scs_entry_jumppad:
0x0: {  	(pc) =	sbr.rel $0x88, $3  }
0x1: {  	(tag) =	ssettag $0x0;
	lr =	simm.s32 $0x1  }
0x2: {  	[smem:$0x3F9C] =	sst lr;
	_ =	strace $0xD0000000  }
0x3: {  	_ = 	snop  }
0x4: {  	_ = 	snop  }
0x5: {  	_ = 	snop  }
0x6: {  	_ = 	snop  }
0x7: {  	_ = 	snop  }
__scs_overlays_trampoline_lowered:
0x8: {  	[smem:$0x3FAB] =	sst s0  }
0x9: {  	[smem:$0x3FAC] =	sst s1  }
0xa: {  	[smem:$0x3FAD] =	sst s2  }
0xb: {  	[smem:$0x3FAE] =	sst s3  }
0xc: {  	[smem:$0x3FAF] =	sst s4  }
0xd: {  	[smem:$0x3FB0] =	sst s5  }
0xe: {  	[smem:$0x3FB1] =	sst s6  }
0xf: {  	[smem:$0x3FB2] =	sst s7  }
0x10: {  	[smem:$0x3FB3] =	sst s8  }
0x11: {  	[smem:$0x3FB4] =	sst s9;
	s0 =	simm.s32 @!p0 $0x0  }
0x12: {  	s1 =	sld [smem:$0x3F9A];
	s0 =	simm.s32 @p0 $0x1  }
0x13: {  	[smem:$0x3FB5] =	sst s0;
	s0 =	simm.s32 @!p1 $0x0  }
0x14: {  	s2 =	sld [smem:$0x3F99];
	s0 =	simm.s32 @p1 $0x1  }
0x15: {  	[smem:$0x3FB6] =	sst s0;
	s0 =	simm.s32 @!p2 $0x0  }
0x16: {  	s3 =	sld [smem:$0x3FDB];
	s0 =	simm.s32 @p2 $0x1  }
0x17: {  	s4 =	simm.s32 $0x1BF5;
	[smem:$0x3FB8] =	sst s0  }
0x18: {  	s0 =	sld [smem:$0x3F9B];
	_ =	swait.ge [sflag:s4], $0x0  }
0x19: {  	s7 =	sld [smem:$0x3F9C]  }
0x1a: {  	s8 =	sadd.s32 $0xFFFFE003, lr  }
0x1b: {  	s9 =	sadd.s32 $0xFFFFFEF7, lr;
	s5 =	simm.s32 $0xFFFFFFFF;
	p2 =	slt.u32 s8, $0xFFFFF086  }
0x1c: {  	p1 =	slt.u32 s9, $0xF7A;
	s5 =	simm.s32 @!p2 $0x0  }
0x1d: {  	s5 =	simm.s32 @p1 $0x1;
	p0 =	seq.s32 s7, s2  }
0x1e: {  	s7 =	smul.u32 @!p0 $0xF7A, s2;
	p2 =	seq.s32 @!p0 s5, $0x0  }
0x1f: {  	s9 =	smul.u32 $0xF7A, s1;
	s8 =	simm.s32 @!p0 $0x1BF5;
	p2 =	por !p2, p0  }
0x20: {  	[sflag:s8] =	ssyncset.s32 @!p0 $0xFFFFF086;
	s6 =	sadd.s32 @!p0 s3, s7;
	s7 =	simm.s32 @!p0 $0x108  }
0x21: {  	s3 =	sadd.s32 s3, s9;
	s6 =	sadd.s32 @!p0 $0x88, s6;
	s7 =	simm.s32 @p2 $0x1082  }
0x22: {  	[simem:s7], [sflag:s8] =	dma.local @!p0 [hbm:s6], $0xF7A  }
0x23: {  	s9 =	sor.u32 $0xD0000000, s2;
	s6 =	simm.s32 $0x108;
	_ =	swait.ge @!p0 [sflag:s8], $0x0  }
0x24: {  	s3 =	sadd.s32 $0x88, s3;
	s6 =	simm.s32 @!p1 $0x1082;
	[sflag:s4] =	ssyncset.s32 $0xFFFFF086  }
0x25: {  	[simem:s6], [sflag:s4] =	dma.local [hbm:s3], $0xF7A  }
0x26: {  	[smem:$0x3F9C] =	sst s1;
	(tag) =	ssettag s2;
	_ =	strace s9  }
0x27: {  	s1 =	sld [smem:$0x3FAC]  }
0x28: {  	s2 =	sld [smem:$0x3FAD]  }
0x29: {  	s4 =	sld [smem:$0x3FAF]  }
0x2a: {  	p0 =	seq.s32 s5, $0x0;
	s5 =	sld [smem:$0x3FB0]  }
0x2b: {  	s6 =	sld [smem:$0x3FB1]  }
0x2c: {  	s7 =	sld [smem:$0x3FB2]  }
0x2d: {  	s3 =	simm.s32 $0x108;
	s8 =	sld [smem:$0x3FB3]  }
0x2e: {  	s3 =	simm.s32 @!p0 $0x1082;
	s9 =	sld [smem:$0x3FB4]  }
0x2f: {  	lr =	sadd.s32 s0, s3;
	s0 =	sld [smem:$0x3FAB]  }
0x30: {  	s3 =	sld [smem:$0x3FAE]  }
0x31: {  	[smem:$0x3FB7] =	sst s10  }
0x32: {  	s10 =	sld [smem:$0x3FB5];
	_ =	sdelay $0x3  }
0x33: {  	p0 =	seq.s32 s10, $0x1;
	s10 =	sld [smem:$0x3FB7];
	_ =	sdelay $0x3  }
0x34: {  	[smem:$0x3FB7] =	sst s10  }
0x35: {  	s10 =	sld [smem:$0x3FB6];
	_ =	sdelay $0x3  }
0x36: {  	p1 =	seq.s32 s10, $0x1;
	s10 =	sld [smem:$0x3FB7];
	_ =	sdelay $0x3  }
0x37: {  	[smem:$0x3FB7] =	sst s10  }
0x38: {  	s10 =	sld [smem:$0x3FB8]  }
0x39: {  	_ = 	snop;
	(pc) =	sbr.ind lr, $3  }
0x3a: {  	_ = 	snop  }
0x3b: {  	_ = 	snop  }
0x3c: {  	p2 =	seq.s32 s10, $0x1;
	s10 =	sld [smem:$0x3FB7]  }
0x3d: {  	_ =	shalt  }
0x3e: {  	_ =	shalt  }
0x3f: {  	_ =	shalt  }
0x40: {  	_ =	shalt  }
0x41: {  	_ =	shalt  }
0x42: {  	_ =	shalt  }
0x43: {  	_ =	shalt  }
0x44: {  	_ =	shalt  }
0x45: {  	_ =	shalt  }
0x46: {  	_ =	shalt  }
0x47: {  	_ =	shalt  }
0x48: {  	_ =	shalt  }
0x49: {  	_ =	shalt  }
0x4a: {  	_ =	shalt  }
0x4b: {  	_ =	shalt  }
0x4c: {  	_ =	shalt  }
0x4d: {  	_ =	shalt  }
0x4e: {  	_ =	shalt  }
0x4f: {  	_ =	shalt  }
0x50: {  	_ =	shalt  }
0x51: {  	_ =	shalt  }
0x52: {  	_ =	shalt  }
0x53: {  	_ =	shalt  }
0x54: {  	_ =	shalt  }
0x55: {  	_ =	shalt  }
0x56: {  	_ =	shalt  }
0x57: {  	_ =	shalt  }
0x58: {  	_ =	shalt  }
0x59: {  	_ =	shalt  }
0x5a: {  	_ =	shalt  }
0x5b: {  	_ =	shalt  }
0x5c: {  	_ =	shalt  }
0x5d: {  	_ =	shalt  }
0x5e: {  	_ =	shalt  }
0x5f: {  	_ =	shalt  }
0x60: {  	_ =	shalt  }
0x61: {  	_ =	shalt  }
0x62: {  	_ =	shalt  }
0x63: {  	_ =	shalt  }
0x64: {  	_ =	shalt  }
0x65: {  	_ =	shalt  }
0x66: {  	_ =	shalt  }
0x67: {  	_ =	shalt  }
0x68: {  	_ =	shalt  }
0x69: {  	_ =	shalt  }
0x6a: {  	_ =	shalt  }
0x6b: {  	_ =	shalt  }
0x6c: {  	_ =	shalt  }
0x6d: {  	_ =	shalt  }
0x6e: {  	_ =	shalt  }
0x6f: {  	_ =	shalt  }
0x70: {  	_ =	shalt  }
0x71: {  	_ =	shalt  }
0x72: {  	_ =	shalt  }
0x73: {  	_ =	shalt  }
0x74: {  	_ =	shalt  }
0x75: {  	_ =	shalt  }
0x76: {  	_ =	shalt  }
0x77: {  	_ =	shalt  }
0x78: {  	_ =	shalt  }
0x79: {  	_ =	shalt  }
0x7a: {  	_ =	shalt  }
0x7b: {  	_ =	shalt  }
0x7c: {  	_ =	shalt  }
0x7d: {  	_ =	shalt  }
0x7e: {  	_ =	shalt  }
0x7f: {  	_ =	shalt  }
0x80: {  	_ =	shalt  }
0x81: {  	_ =	shalt  }
0x82: {  	_ =	shalt  }
0x83: {  	_ =	shalt  }
0x84: {  	_ =	shalt  }
0x85: {  	_ =	shalt  }
0x86: {  	_ =	shalt  }
0x87: {  	_ =	shalt  }
.Lfunc_end0:
.L_simem_size_0:
called_computation.1_lowered:
.L_overlay_start_0:
0x88: {  	s2 =	sld [smem:$0x3FD9]  }
0x89: {  	s3 =	sld [smem:$0x3FFE];
	_ =	sdelay $0x1  }
0x8a: {  	s1 =	srdreg.scid  }
0x8b: {  	s0 =	sand.u32 $0x1, s1  }
0x8c: {  	s14 =	sshll.u32 s0, $0xA;
	s2 =	sadd.s32 s3, s2  }
0x8d: {  	s2 =	sadd.s32 s2, s14  }
0x8e: {  	[smem:$0x3FC3] =	sst s2  }
0x8f: {  	_ = 	snop  }
0x90: {  	s2 =	sld [smem:$0x3FD0];
	_ =	sdelay $0x2  }
0x91: {  	s15 =	simm.s32 $0xA;
	s4 =	simm.s32 $0x10  }
0x92: {  	[smem:s4], [sflag:s15] =	dma.local [hbm:s2], $0x1  }
0x93: {  	_ =	swait.eq [sflag:s15], $0x1  }
0x94: {  	[sflag:s15] =	ssyncset.done $0x0  }
0x95: {  	[sflag:s15] =	ssyncadd.s32 $0xFFFFFFFF  }
0x96: {  	s16 =	sld [smem:$0x10];
	(tm) =	ssettm $0x1  }
0x97: {  	s17 =	sld [smem:$0x3FFB];
	_ =	sdelay $0x3  }
0x98: {  	_ =	strace s17  }
0x99: {  	s3 =	sld [smem:$0x3FFC];
	_ =	sdelay $0x3  }
0x9a: {  	_ =	strace s3  }
0x9b: {  	s3 =	sld [smem:$0x3FFD];
	_ =	sdelay $0x3  }
0x9c: {  	_ =	strace s3  }
0x9d: {  	_ =	strace $0x8FFFFFFF  }
0x9e: {  	s18 =	sld [smem:$0x3FDB];
	_ =	sdelay $0x1  }
0x9f: {  	s19 =	simm.s32 $_scs_section_size  }
0xa0: {  	s5 =	simm.s32 $_size__tile_overlayer_lowered;
	s6 =	simm.s32 $_tile_overlayer_lowered  }
0xa1: {  	s22 =	simm.s32 $0x1BFF;
	s21 =	sshll.u32 s6, $0x1;
	s3 =	sadd.s32 s19, s18  }
0xa2: {  	s7 =	simm.s32 $0x0;
	s20 =	sshll.u32 s5, $0x1;
	s5 =	sadd.s32 s21, s3  }
0xa3: {  	[timem:s7], [sflag:s22] =	dma.local [hbm:s5], s20  }
0xa4: {  	_ =	swait.ge [sflag:s22], s20  }
0xa5: {  	s4 =	ssub.s32 $0x0, s20;
	[sflag:s22] =	ssyncset.done $0x0  }
0xa6: {  	[sflag:s22] =	ssyncadd.s32 s4;
	_ =	sdelay $0x1  }
0xa7: {  	s23 =	simm.s32 $0x1B8B  }
0xa8: {  	_ =	swait.ge [sflag:s23], $0x1  }
0xa9: {  	[sflag:s23] =	ssyncset.done $0x0  }
0xaa: {  	s25 =	simm.s32 $0x1B8E;
	s24 =	sld [smem:$0x3FFE];
	[sflag:s23] =	ssyncadd.s32 $0xFFFFFFFF  }
0xab: {  	s26 =	simm.s32 $execute0_lowered;
	[smem:$0x3FD2] =	sst s25  }
0xac: {  	s5 =	sshll.u32 s26, $0x1;
	_ =	strace $0x80000046;
	[dreg:$0x1] =	wrdreg $0xFFFFFFFF  }
0xad: {  	s28 =	simm.s32 $_size_execute0_lowered;
	s3 =	sadd.s32 s3, s5;
	[dreg:$0x0] =	wrdreg $0x0  }
0xae: {  	s5 =	sshll.u32 s28, $0x1;
	[dreg:$0x2] =	wrdreg s3  }
0xaf: {  	[dreg:$0x3] =	wrdreg s5  }
0xb0: {  	[dreg:$0x4] =	wrdreg $0xC0  }
0xb1: {  	_ =	task [dreg:s7], $0x5FFFF  }
0xb2: {  	[dreg:$0x1] =	wrdreg $0xFFFFFFFF  }
0xb3: {  	[dreg:$0x0] =	wrdreg $0x60  }
0xb4: {  	[dreg:$0x2] =	wrdreg s24  }
0xb5: {  	[dreg:$0x3] =	wrdreg s16  }
0xb6: {  	[dreg:$0x4] =	wrdreg $0xE0800  }
0xb7: {  	[dreg:$0x5] =	wrdreg $0x9  }
0xb8: {  	_ =	task.clear_ibuf [dreg:s7], $0x6FFFF;
	_ =	strace $0x90000046  }
0xb9: {  	s29 =	simm.s32 $0x9;
	_ =	strace $0x8000004D  }
0xba: {  	_ =	swait.ge [sflag:s29], $0x1  }
0xbb: {  	[sflag:s29] =	ssyncadd.s32 $0xFFFFFFFF  }
0xbc: {  	_ =	strace $0x9000004D  }
0xbd: {  	_ =	sfence  }
0xbe: {  	s30 =	sld [smem:$0x0];
	_ =	sdelay $0x2  }
0xbf: {  	s31 =	sshll.u32 s1, $0xD;
	s1 =	sshrl.u32 s1, $0x2  }
0xc0: {  	s3 =	sand.u32 $0x4000, s31;
	s1 =	sadd.s32 s1, s30  }
0xc1: {  	s0 =	sor.u32 s3, s0;
	s1 =	sshll.u32 s1, $0x11  }
0xc2: {  	s0 =	sor.u32 s1, s0  }
0xc3: {  	s0 =	sadd.s32 $0x8F2B, s0  }
0xc4: {  	[sflag:s0] =	ssyncadd.remote.s32 $0x1  }
0xc5: {  	_ =	sfence.sel $0xFFFF  }
0xc6: {  	[dreg:$0x0] =	wrdreg $0xFFFFFFFF;
	(pc) =	sbr.abs _section_cstart, $3  }
0xc7: {  	[dreg:$0x1] =	wrdreg $0xFFFFFFFF  }
0xc8: {  	_ =	task.clear_ibuf [dreg:s7], $0x2FFFF;
	_ =	strace $0x9FFFFFFF  }
0xc9: {  	(tm) =	ssettm $0x7FFFFFFF  }
tec
execute0_lowered:
.L_overlay_start_1:
0x0: {  	(tag) =	ssettag $0x1  }
0x1: {  	s0 =	rddreg [dreg:$0x0]  }
0x2: {  	s1 =	rddreg [dreg:$0x1];
	s11 =	stileid.u32  }
0x3: {  	s2 =	srdreg.scid;
	s12 =	rddreg [dreg:$0x2]  }
0x4: {  	s3 =	simm.s32 $0x0;
	s28 =	simm.s32 $0x1;
	s29 =	simm.s32 $0x80  }
0x5: {  	s30 =	simm.s32 $0xA000;
	s5 =	smul.u32 $0xA00, s11;
	s2 =	sand.u32 $0x1, s2  }
0x6: {  	[smem:$0x7FF] =	sst s3;
	s4 =	sshll.u32 s11, $0x7;
	s6 =	smul.u32 $0x300800, s11  }
0x7: {  	s10 =	sshll.u32 s11, $0xE;
	s7 =	smul.u32 $0x3008000, s2;
	_ =	strace $0x80000047  }
0x8: {  	s9 =	sadd.s32 s4, s0;
	s4 =	sadd.s32 $0x32200, s0;
	s22 =	ssub.s32 $0x2, s2  }
0x9: {  	s25 =	sadd.s32 s10, s12;
	s10 =	sshll.u32 s11, $0xA;
	s8 =	sadd.s32 s5, s0  }
0xa: {  	s24 =	sshrl.u32 s22, $0x1;
	[dreg:$0x4] =	wrdreg s25;
	s31 =	sadd.s32 $0x27A00, s9  }
0xb: {  	s1 =	sadd.s32 s1, s5;
	s23 =	sadd.s32 s6, s7;
	s0 =	ssub.s32 s22, s24  }
0xc: {  	s26 =	sadd.s32 $0x3008000, s7;
	s8 =	sadd.s32 $0x28200, s8;
	[dreg:$0x7] =	wrdreg s31  }
0xd: {  	[dreg:$0x8] =	wrdreg s1;
	s24 =	smul.u32 $0x5000, s11;
	s2 =	sshrl.u32 s23, $0x3  }
0xe: {  	[dreg:$0x6] =	wrdreg s8;
	s0 =	smax.u32 s0, $0x1;
	s6 =	sadd.s32 s4, s2  }
0xf: {  	v1 =	vmov s26;
	s26 =	simm.s32 $0x2;
	[dreg:$0x9] =	wrdreg s0;
	s2 =	sadd.s32 $0x60000, s6  }
0x10: {  	s13 =	sadd.s32 $0x8000, s6;
	s14 =	sadd.s32 $0x10000, s6;
	s15 =	sadd.s32 $0x18000, s6  }
0x11: {  	s16 =	sadd.s32 $0x20000, s6;
	s17 =	sadd.s32 $0x28000, s6;
	s18 =	sadd.s32 $0x30000, s6  }
0x12: {  	v2 =	vimm.s32 $0x0;
	s19 =	sadd.s32 $0x38000, s6;
	s20 =	sadd.s32 $0x40000, s6;
	s21 =	sadd.s32 $0x48000, s6  }
0x13: {  	v3 =	vimm.s32 $0x1;
	v4 =	vlaneseq.u32;
	v0 =	vmov s7;
	s22 =	sadd.s32 $0x50000, s6;
	s23 =	sadd.s32 $0x58000, s6;
	[dreg:$0x5] =	wrdreg s2  }
.LBB2_1:
0x14: {  	_ =	strace $0x80000048;
	s0 =	simm.s32 $0x40;
	s1 =	simm.s32 $0x0  }
.LBB2_2:
0x15: {  	p0 =	sne.s32 s0, $0xFFC0;
	[tilespmem:s1+$0xA080] =	vst v2;
	s1 =	smov.u32 s0;
	s0 =	sadd.s32 $0x40, s0  }
.Ltmp0:
0x16: {  	(pc) =	sbr.rel @p0 .LBB2_2-.Ltmp0, $2  }
0x17: {  	_ =	sdelay $0x2  }
0x18: {  	s1 =	sshra.s32 s1, $0x2  }
0x19: {  	[tilespmem:s1+$0xA080] =	vst v2;
	s0 =	rddreg [dreg:$0x4];
	s7 =	simm.s32 $0xA080  }
0x1a: {  	[spmem:s0] =	stream.linear.scatter [tilespmem:s7], [sflag:$0x2], $0x4000, $0x200038;
	[tilespmem:$0x12080] =	vst v63  }
0x1b: {  	_ =	swait.ge [sflag:s26], $0x4000  }
0x1c: {  	[sflag:s26] =	ssyncset.done $0x0  }
0x1d: {  	[sflag:s26] =	ssyncadd.s32 $0xFFFFC000  }
0x1e: {  	[tilespmem:$0xA000] =	vst v3  }
0x1f: {  	[tilespmem:$0xA010] =	vst v3  }
0x20: {  	[tilespmem:$0xA020] =	vst v3  }
0x21: {  	[tilespmem:$0xA030] =	vst v3  }
0x22: {  	[tilespmem:$0xA040] =	vst v3  }
0x23: {  	[tilespmem:$0xA050] =	vst v3  }
0x24: {  	[tilespmem:$0xA060] =	vst v3  }
0x25: {  	[tilespmem:$0xA070] =	vst v3  }
0x26: {  	[bflag:$0x0] =	sbarrier.arrive $0xFFFF  }
0x27: {  	_ =	strace $0x90000048  }
0x28: {  	s8 =	stileid.u32;
	_ =	strace $0x80000049  }
0x29: {  	s0 =	sshll.u32 s8, $0x6;
	s9 =	rddreg [dreg:$0x2]  }
0x2a: {  	s0 =	sor.u32 $0x1C01, s0;
	s1 =	sshrl.u32 s9, $0x3  }
0x2b: {  	[hbm:s6], [sflag:s0] =	dma.local [spmem:s1], $0x8000  }
0x2c: {  	[hbm:s13], [sflag:s0] =	dma.local [spmem:s1], $0x8000  }
0x2d: {  	[hbm:s14], [sflag:s0] =	dma.local [spmem:s1], $0x8000  }
0x2e: {  	[hbm:s15], [sflag:s0] =	dma.local [spmem:s1], $0x8000  }
0x2f: {  	[hbm:s16], [sflag:s0] =	dma.local [spmem:s1], $0x8000  }
0x30: {  	[hbm:s17], [sflag:s0] =	dma.local [spmem:s1], $0x8000  }
0x31: {  	[hbm:s18], [sflag:s0] =	dma.local [spmem:s1], $0x8000  }
0x32: {  	[hbm:s19], [sflag:s0] =	dma.local [spmem:s1], $0x8000  }
0x33: {  	[hbm:s20], [sflag:s0] =	dma.local [spmem:s1], $0x8000  }
0x34: {  	[hbm:s21], [sflag:s0] =	dma.local [spmem:s1], $0x8000  }
0x35: {  	[hbm:s22], [sflag:s0] =	dma.local [spmem:s1], $0x8000  }
0x36: {  	[hbm:s23], [sflag:s0] =	dma.local [spmem:s1], $0x8000  }
0x37: {  	s2 =	rddreg [dreg:$0x5]  }
0x38: {  	[hbm:s2], [sflag:s0] =	dma.local [spmem:s1], $0x100  }
0x39: {  	_ =	swait.ge [sflag:s28], $0x8000  }
0x3a: {  	[sflag:s28] =	ssyncset.done $0x0  }
0x3b: {  	[sflag:s28] =	ssyncadd.s32 $0xFFFF8000  }
0x3c: {  	_ =	swait.ge [sflag:s28], $0x8000  }
0x3d: {  	[sflag:s28] =	ssyncset.done $0x0  }
0x3e: {  	[sflag:s28] =	ssyncadd.s32 $0xFFFF8000  }
0x3f: {  	_ =	swait.ge [sflag:s28], $0x8000  }
0x40: {  	[sflag:s28] =	ssyncset.done $0x0  }
0x41: {  	[sflag:s28] =	ssyncadd.s32 $0xFFFF8000  }
0x42: {  	_ =	swait.ge [sflag:s28], $0x8000  }
0x43: {  	[sflag:s28] =	ssyncset.done $0x0  }
0x44: {  	[sflag:s28] =	ssyncadd.s32 $0xFFFF8000  }
0x45: {  	_ =	swait.ge [sflag:s28], $0x8000  }
0x46: {  	[sflag:s28] =	ssyncset.done $0x0  }
0x47: {  	[sflag:s28] =	ssyncadd.s32 $0xFFFF8000  }
0x48: {  	_ =	swait.ge [sflag:s28], $0x8000  }
0x49: {  	[sflag:s28] =	ssyncset.done $0x0  }
0x4a: {  	[sflag:s28] =	ssyncadd.s32 $0xFFFF8000  }
0x4b: {  	_ =	swait.ge [sflag:s28], $0x8000  }
0x4c: {  	[sflag:s28] =	ssyncset.done $0x0  }
0x4d: {  	[sflag:s28] =	ssyncadd.s32 $0xFFFF8000  }
0x4e: {  	_ =	swait.ge [sflag:s28], $0x8000  }
0x4f: {  	[sflag:s28] =	ssyncset.done $0x0  }
0x50: {  	[sflag:s28] =	ssyncadd.s32 $0xFFFF8000  }
0x51: {  	_ =	swait.ge [sflag:s28], $0x8000  }
0x52: {  	[sflag:s28] =	ssyncset.done $0x0  }
0x53: {  	[sflag:s28] =	ssyncadd.s32 $0xFFFF8000  }
0x54: {  	_ =	swait.ge [sflag:s28], $0x8000  }
0x55: {  	[sflag:s28] =	ssyncset.done $0x0  }
0x56: {  	[sflag:s28] =	ssyncadd.s32 $0xFFFF8000  }
0x57: {  	_ =	swait.ge [sflag:s28], $0x8000  }
0x58: {  	[sflag:s28] =	ssyncset.done $0x0  }
0x59: {  	[sflag:s28] =	ssyncadd.s32 $0xFFFF8000  }
0x5a: {  	_ =	swait.ge [sflag:s28], $0x8000  }
0x5b: {  	[sflag:s28] =	ssyncset.done $0x0  }
0x5c: {  	[sflag:s28] =	ssyncadd.s32 $0xFFFF8000  }
0x5d: {  	_ =	swait.ge [sflag:s28], $0x100  }
0x5e: {  	[sflag:s28] =	ssyncset.done $0x0  }
0x5f: {  	[sflag:s28] =	ssyncadd.s32 $0xFFFFFF00  }
0x60: {  	[bflag:$0x0] =	sbarrier.arrive $0xFFFF  }
0x61: {  	_ =	strace $0x90000049  }
0x62: {  	_ =	strace $0x8000004A  }
0x63: {  	s11 =	simm.s32 $0x0;
	s12 =	rddreg [dreg:$0x6]  }
0x64: {  	[tilespmem:s11], [sflag:$0x2] =	stream.linear.gather [hbm4b:s12+s11], $0x5000, $0x200038;
	[tilespmem:$0x12080] =	vst v63  }
0x65: {  	_ =	swait.ge [sflag:s26], $0x5000  }
0x66: {  	[sflag:s26] =	ssyncset.done $0x0  }
0x67: {  	s0 =	simm.s32 $0x40;
	[sflag:s26] =	ssyncadd.s32 $0xFFFFB000  }
0x68: {  	v5 =	vld [tilespmem:s0+$0xFFFFFFC0];
	_ =	sdelay $0x3  }
0x69: {  	s1 =	sadd.s32 $0x0, s24  }
0x6a: {  	s25 =	sadd.s32 $0x5F5E180, s1;
	vm0 =	vge.s32 v5, v0;
	vm1 =	vlt.s32 v5, v1  }
0x6b: {  	v6 =	vor.u32 s25, v4;
	vm0 =	vmand vm0, vm1  }
0x6c: {  	s31 =	simm.s32 $0x5000;
	v5 =	vsel vm0, v5, v6  }
0x6d: {  	[tilespmem:s31+$0x0] =	vst v5  }
0x6e: {  	v5 =	vld [tilespmem:s0+$0xFFFFFFD0];
	_ =	sdelay $0x4  }
0x6f: {  	s5 =	sadd.s32 $0x5F5E190, s1;
	vm14 =	vge.s32 v5, v0;
	vm15 =	vlt.s32 v5, v1  }
0x70: {  	v6 =	vor.u32 s5, v4;
	vm0 =	vmand vm14, vm15  }
0x71: {  	v5 =	vsel vm0, v5, v6  }
0x72: {  	[tilespmem:s31+$0x10] =	vst v5  }
0x73: {  	v5 =	vld [tilespmem:s0+$0xFFFFFFE0];
	_ =	sdelay $0x4  }
0x74: {  	s7 =	sadd.s32 $0x5F5E1A0, s1;
	vm4 =	vge.s32 v5, v0;
	vm5 =	vlt.s32 v5, v1  }
0x75: {  	v6 =	vor.u32 s7, v4;
	vm0 =	vmand vm4, vm5  }
0x76: {  	v5 =	vsel vm0, v5, v6  }
0x77: {  	[tilespmem:s31+$0x20] =	vst v5  }
0x78: {  	v5 =	vld [tilespmem:s0+$0xFFFFFFF0];
	_ =	sdelay $0x4  }
0x79: {  	s8 =	sadd.s32 $0x5F5E1B0, s1;
	vm6 =	vge.s32 v5, v0;
	vm7 =	vlt.s32 v5, v1  }
0x7a: {  	v6 =	vor.u32 s8, v4;
	vm0 =	vmand vm6, vm7  }
0x7b: {  	v5 =	vsel vm0, v5, v6  }
0x7c: {  	[tilespmem:s31+$0x30] =	vst v5  }
0x7d: {  	v5 =	vld [tilespmem:s0+$0x0];
	_ =	sdelay $0x4  }
0x7e: {  	s9 =	sadd.s32 $0x5F5E1C0, s1;
	vm8 =	vge.s32 v5, v0;
	vm9 =	vlt.s32 v5, v1  }
0x7f: {  	v6 =	vor.u32 s9, v4;
	vm0 =	vmand vm8, vm9  }
0x80: {  	v5 =	vsel vm0, v5, v6  }
0x81: {  	[tilespmem:s31+$0x40] =	vst v5  }
0x82: {  	v5 =	vld [tilespmem:s0+$0x10];
	_ =	sdelay $0x4  }
0x83: {  	s11 =	sadd.s32 $0x5F5E1D0, s1;
	vm10 =	vge.s32 v5, v0;
	vm11 =	vlt.s32 v5, v1  }
0x84: {  	v6 =	vor.u32 s11, v4;
	vm0 =	vmand vm10, vm11  }
0x85: {  	v5 =	vsel vm0, v5, v6  }
0x86: {  	[tilespmem:s31+$0x50] =	vst v5  }
0x87: {  	v5 =	vld [tilespmem:s0+$0x20];
	_ =	sdelay $0x4  }
0x88: {  	s12 =	sadd.s32 $0x5F5E1E0, s1;
	vm12 =	vge.s32 v5, v0;
	vm13 =	vlt.s32 v5, v1  }
0x89: {  	v6 =	vor.u32 s12, v4;
	vm0 =	vmand vm12, vm13  }
0x8a: {  	v5 =	vsel vm0, v5, v6  }
0x8b: {  	[tilespmem:s31+$0x60] =	vst v5  }
0x8c: {  	v5 =	vld [tilespmem:s0+$0x30];
	_ =	sdelay $0x4  }
0x8d: {  	s25 =	sadd.s32 $0x5F5E1F0, s1;
	vm14 =	vge.s32 v5, v0;
	vm15 =	vlt.s32 v5, v1  }
0x8e: {  	v6 =	vor.u32 s25, v4;
	vm0 =	vmand vm14, vm15  }
0x8f: {  	v5 =	vsel vm0, v5, v6  }
0x90: {  	s2 =	simm.s32 $0x5080;
	s1 =	simm.s32 $0x80;
	s25 =	simm.s32 $0xC0;
	[tilespmem:s31+$0x70] =	vst v5  }
.LBB2_4:
0x91: {  	[hbm4b:s4+s29] =	stream.indirect.scatter [tilespmem:s30], [sflag:$0x1], $0x1, s31, s29, $0x2000b8;
	[tilespmem:$0x12080] =	vst v63  }
0x92: {  	p0 =	sne.s32 s1, $0x4F80;
	s0 =	smov.u32 s1;
	s1 =	sadd.s32 $0x80, s1;
	v5 =	vld [tilespmem:s25+$0xFFFFFFC0]  }
0x93: {  	s31 =	smov.u32 s2;
	_ =	sdelay $0x2  }
0x94: {  	s0 =	sadd.s32 s0, s24  }
0x95: {  	s5 =	sadd.s32 $0x5F5E180, s0;
	s9 =	sadd.s32 $0x5F5E190, s0;
	vm0 =	vge.s32 v5, v0;
	vm1 =	vlt.s32 v5, v1  }
0x96: {  	s11 =	sadd.s32 $0x5F5E1A0, s0;
	s12 =	sadd.s32 $0x5F5E1B0, s0;
	v6 =	vor.u32 s5, v4;
	vm0 =	vmand vm0, vm1  }
0x97: {  	s8 =	sadd.s32 $0x5F5E1C0, s0;
	s7 =	sadd.s32 $0x5F5E1D0, s0;
	v5 =	vsel vm0, v5, v6  }
0x98: {  	s5 =	sadd.s32 $0x5F5E1E0, s0;
	s0 =	sadd.s32 $0x5F5E1F0, s0;
	[tilespmem:s2+$0x0] =	vst v5  }
0x99: {  	v5 =	vld [tilespmem:s25+$0xFFFFFFD0];
	_ =	sdelay $0x4  }
0x9a: {  	vm0 =	vge.s32 v5, v0;
	vm1 =	vlt.s32 v5, v1  }
0x9b: {  	v6 =	vor.u32 s9, v4;
	vm0 =	vmand vm0, vm1  }
0x9c: {  	v5 =	vsel vm0, v5, v6  }
0x9d: {  	[tilespmem:s2+$0x10] =	vst v5  }
0x9e: {  	v5 =	vld [tilespmem:s25+$0xFFFFFFE0];
	_ =	sdelay $0x4  }
0x9f: {  	vm0 =	vge.s32 v5, v0;
	vm1 =	vlt.s32 v5, v1  }
0xa0: {  	v6 =	vor.u32 s11, v4;
	vm0 =	vmand vm0, vm1  }
0xa1: {  	v5 =	vsel vm0, v5, v6  }
0xa2: {  	[tilespmem:s2+$0x20] =	vst v5  }
0xa3: {  	v5 =	vld [tilespmem:s25+$0xFFFFFFF0];
	_ =	sdelay $0x4  }
0xa4: {  	vm0 =	vge.s32 v5, v0;
	vm1 =	vlt.s32 v5, v1  }
0xa5: {  	v6 =	vor.u32 s12, v4;
	vm0 =	vmand vm0, vm1  }
0xa6: {  	v5 =	vsel vm0, v5, v6  }
0xa7: {  	[tilespmem:s2+$0x30] =	vst v5  }
0xa8: {  	v5 =	vld [tilespmem:s25+$0x0];
	_ =	sdelay $0x4  }
0xa9: {  	vm0 =	vge.s32 v5, v0;
	vm1 =	vlt.s32 v5, v1  }
0xaa: {  	v6 =	vor.u32 s8, v4;
	vm0 =	vmand vm0, vm1  }
0xab: {  	v5 =	vsel vm0, v5, v6  }
0xac: {  	[tilespmem:s2+$0x40] =	vst v5  }
0xad: {  	v5 =	vld [tilespmem:s25+$0x10];
	_ =	sdelay $0x4  }
0xae: {  	vm0 =	vge.s32 v5, v0;
	vm1 =	vlt.s32 v5, v1  }
0xaf: {  	v6 =	vor.u32 s7, v4;
	vm0 =	vmand vm0, vm1  }
0xb0: {  	v5 =	vsel vm0, v5, v6  }
0xb1: {  	[tilespmem:s2+$0x50] =	vst v5  }
0xb2: {  	v5 =	vld [tilespmem:s25+$0x20];
	_ =	sdelay $0x4  }
0xb3: {  	vm0 =	vge.s32 v5, v0;
	vm1 =	vlt.s32 v5, v1  }
0xb4: {  	v6 =	vor.u32 s5, v4;
	vm0 =	vmand vm0, vm1  }
0xb5: {  	v5 =	vsel vm0, v5, v6  }
0xb6: {  	[tilespmem:s2+$0x60] =	vst v5  }
0xb7: {  	v5 =	vld [tilespmem:s25+$0x30];
	_ =	sdelay $0x3  }
.Ltmp1:
0xb8: {  	(pc) =	sbr.rel @p0 .LBB2_4-.Ltmp1, $4  }
0xb9: {  	vm0 =	vge.s32 v5, v0;
	vm1 =	vlt.s32 v5, v1  }
0xba: {  	v6 =	vor.u32 s0, v4;
	vm0 =	vmand vm0, vm1  }
0xbb: {  	v5 =	vsel vm0, v5, v6  }
0xbc: {  	s2 =	sadd.s32 $0x80, s2;
	s25 =	sadd.s32 $0x80, s25;
	[tilespmem:s31+$0x70] =	vst v5  }
0xbd: {  	[hbm4b:s4+s29] =	stream.indirect.scatter [tilespmem:s30], [sflag:$0x1], $0x1, s31, s29, $0x2000b8;
	[tilespmem:$0x12080] =	vst v63  }
0xbe: {  	_ =	swait.ge [sflag:s28], $0x80  }
0xbf: {  	s0 =	simm.s32 $0x9F;
	[sflag:s28] =	ssyncset.done $0x0  }
.LBB2_6:
0xc0: {  	p0 =	sne.s32 s0, $0x1;
	s0 =	sadd.s32 $0xFFFFFFFF, s0;
	[sflag:s28] =	ssyncadd.s32 $0xFFFFFF80  }
.Ltmp2:
0xc1: {  	(pc) =	sbr.rel @p0 .LBB2_6-.Ltmp2, $3  }
0xc2: {  	_ =	sdelay $0x1  }
0xc3: {  	_ =	swait.ge [sflag:s28], $0x80  }
0xc4: {  	[sflag:s28] =	ssyncset.done $0x0  }
0xc5: {  	[sflag:s28] =	ssyncadd.s32 $0xFFFFFF80  }
0xc6: {  	_ =	strace $0x9000004A  }
0xc7: {  	_ =	strace $0x8000004B  }
0xc8: {  	s0 =	simm.s32 $0x0;
	s1 =	rddreg [dreg:$0x7]  }
0xc9: {  	[tilespmem:s0], [sflag:$0x2] =	stream.linear.gather [hbm4b:s1+s0], $0x400, $0x200038;
	[tilespmem:$0x12080] =	vst v63  }
0xca: {  	_ =	swait.ge [sflag:s26], $0x400  }
0xcb: {  	[sflag:s26] =	ssyncset.done $0x0  }
0xcc: {  	s1 =	simm.s32 $0x40;
	[sflag:s26] =	ssyncadd.s32 $0xFFFFFC00  }
0xcd: {  	v5 =	vld [tilespmem:s1+$0xFFFFFFC0];
	_ =	sdelay $0x3  }
0xce: {  	s25 =	sadd.s32 $0x0, s10  }
0xcf: {  	s2 =	sadd.s32 $0x5FAE180, s25;
	vm0 =	vge.s32 v5, v0;
	vm1 =	vlt.s32 v5, v1  }
0xd0: {  	v6 =	vor.u32 s2, v4;
	vm0 =	vmand vm0, vm1  }
0xd1: {  	s31 =	simm.s32 $0x5000;
	v5 =	vsel vm0, v5, v6  }
0xd2: {  	[tilespmem:s31+$0x0] =	vst v5  }
0xd3: {  	v5 =	vld [tilespmem:s1+$0xFFFFFFD0];
	_ =	sdelay $0x4  }
0xd4: {  	s5 =	sadd.s32 $0x5FAE190, s25;
	vm14 =	vge.s32 v5, v0;
	vm15 =	vlt.s32 v5, v1  }
0xd5: {  	v6 =	vor.u32 s5, v4;
	vm0 =	vmand vm14, vm15  }
0xd6: {  	v5 =	vsel vm0, v5, v6  }
0xd7: {  	[tilespmem:s31+$0x10] =	vst v5  }
0xd8: {  	v5 =	vld [tilespmem:s1+$0xFFFFFFE0];
	_ =	sdelay $0x4  }
0xd9: {  	s7 =	sadd.s32 $0x5FAE1A0, s25;
	vm4 =	vge.s32 v5, v0;
	vm5 =	vlt.s32 v5, v1  }
0xda: {  	v6 =	vor.u32 s7, v4;
	vm0 =	vmand vm4, vm5  }
0xdb: {  	v5 =	vsel vm0, v5, v6  }
0xdc: {  	[tilespmem:s31+$0x20] =	vst v5  }
0xdd: {  	v5 =	vld [tilespmem:s1+$0xFFFFFFF0];
	_ =	sdelay $0x4  }
0xde: {  	s8 =	sadd.s32 $0x5FAE1B0, s25;
	vm6 =	vge.s32 v5, v0;
	vm7 =	vlt.s32 v5, v1  }
0xdf: {  	v6 =	vor.u32 s8, v4;
	vm0 =	vmand vm6, vm7  }
0xe0: {  	v5 =	vsel vm0, v5, v6  }
0xe1: {  	[tilespmem:s31+$0x30] =	vst v5  }
0xe2: {  	v5 =	vld [tilespmem:s1+$0x0];
	_ =	sdelay $0x4  }
0xe3: {  	s9 =	sadd.s32 $0x5FAE1C0, s25;
	vm8 =	vge.s32 v5, v0;
	vm9 =	vlt.s32 v5, v1  }
0xe4: {  	v6 =	vor.u32 s9, v4;
	vm0 =	vmand vm8, vm9  }
0xe5: {  	v5 =	vsel vm0, v5, v6  }
0xe6: {  	[tilespmem:s31+$0x40] =	vst v5  }
0xe7: {  	v5 =	vld [tilespmem:s1+$0x10];
	_ =	sdelay $0x4  }
0xe8: {  	s11 =	sadd.s32 $0x5FAE1D0, s25;
	vm10 =	vge.s32 v5, v0;
	vm11 =	vlt.s32 v5, v1  }
0xe9: {  	v6 =	vor.u32 s11, v4;
	vm0 =	vmand vm10, vm11  }
0xea: {  	v5 =	vsel vm0, v5, v6  }
0xeb: {  	[tilespmem:s31+$0x50] =	vst v5  }
0xec: {  	v5 =	vld [tilespmem:s1+$0x20];
	_ =	sdelay $0x4  }
0xed: {  	s12 =	sadd.s32 $0x5FAE1E0, s25;
	vm12 =	vge.s32 v5, v0;
	vm13 =	vlt.s32 v5, v1  }
0xee: {  	v6 =	vor.u32 s12, v4;
	vm0 =	vmand vm12, vm13  }
0xef: {  	v5 =	vsel vm0, v5, v6  }
0xf0: {  	[tilespmem:s31+$0x60] =	vst v5  }
0xf1: {  	v5 =	vld [tilespmem:s1+$0x30];
	_ =	sdelay $0x4  }
0xf2: {  	s25 =	sadd.s32 $0x5FAE1F0, s25;
	vm14 =	vge.s32 v5, v0;
	vm15 =	vlt.s32 v5, v1  }
0xf3: {  	v6 =	vor.u32 s25, v4;
	vm0 =	vmand vm14, vm15  }
0xf4: {  	v5 =	vsel vm0, v5, v6  }
0xf5: {  	s2 =	simm.s32 $0x5080;
	s25 =	simm.s32 $0xC0;
	s1 =	simm.s32 $0x80;
	[tilespmem:s31+$0x70] =	vst v5  }
.LBB2_8:
0xf6: {  	[hbm4b:s4+s29] =	stream.indirect.scatter [tilespmem:s30], [sflag:$0x1], $0x1, s31, s29, $0x2000b8;
	[tilespmem:$0x12080] =	vst v63  }
0xf7: {  	p0 =	sne.s32 s1, $0x380;
	s0 =	smov.u32 s1;
	s1 =	sadd.s32 $0x80, s1;
	v5 =	vld [tilespmem:s25+$0xFFFFFFC0]  }
0xf8: {  	s31 =	smov.u32 s2;
	_ =	sdelay $0x2  }
0xf9: {  	s0 =	sadd.s32 s0, s10  }
0xfa: {  	s5 =	sadd.s32 $0x5FAE180, s0;
	s9 =	sadd.s32 $0x5FAE190, s0;
	vm0 =	vge.s32 v5, v0;
	vm1 =	vlt.s32 v5, v1  }
0xfb: {  	s11 =	sadd.s32 $0x5FAE1A0, s0;
	s12 =	sadd.s32 $0x5FAE1B0, s0;
	v6 =	vor.u32 s5, v4;
	vm0 =	vmand vm0, vm1  }
0xfc: {  	s8 =	sadd.s32 $0x5FAE1C0, s0;
	s7 =	sadd.s32 $0x5FAE1D0, s0;
	v5 =	vsel vm0, v5, v6  }
0xfd: {  	s5 =	sadd.s32 $0x5FAE1E0, s0;
	s0 =	sadd.s32 $0x5FAE1F0, s0;
	[tilespmem:s2+$0x0] =	vst v5  }
0xfe: {  	v5 =	vld [tilespmem:s25+$0xFFFFFFD0];
	_ =	sdelay $0x4  }
0xff: {  	vm0 =	vge.s32 v5, v0;
	vm1 =	vlt.s32 v5, v1  }
0x100: {  	v6 =	vor.u32 s9, v4;
	vm0 =	vmand vm0, vm1  }
0x101: {  	v5 =	vsel vm0, v5, v6  }
0x102: {  	[tilespmem:s2+$0x10] =	vst v5  }
0x103: {  	v5 =	vld [tilespmem:s25+$0xFFFFFFE0];
	_ =	sdelay $0x4  }
0x104: {  	vm0 =	vge.s32 v5, v0;
	vm1 =	vlt.s32 v5, v1  }
0x105: {  	v6 =	vor.u32 s11, v4;
	vm0 =	vmand vm0, vm1  }
0x106: {  	v5 =	vsel vm0, v5, v6  }
0x107: {  	[tilespmem:s2+$0x20] =	vst v5  }
0x108: {  	v5 =	vld [tilespmem:s25+$0xFFFFFFF0];
	_ =	sdelay $0x4  }
0x109: {  	vm0 =	vge.s32 v5, v0;
	vm1 =	vlt.s32 v5, v1  }
0x10a: {  	v6 =	vor.u32 s12, v4;
	vm0 =	vmand vm0, vm1  }
0x10b: {  	v5 =	vsel vm0, v5, v6  }
0x10c: {  	[tilespmem:s2+$0x30] =	vst v5  }
0x10d: {  	v5 =	vld [tilespmem:s25+$0x0];
	_ =	sdelay $0x4  }
0x10e: {  	vm0 =	vge.s32 v5, v0;
	vm1 =	vlt.s32 v5, v1  }
0x10f: {  	v6 =	vor.u32 s8, v4;
	vm0 =	vmand vm0, vm1  }
0x110: {  	v5 =	vsel vm0, v5, v6  }
0x111: {  	[tilespmem:s2+$0x40] =	vst v5  }
0x112: {  	v5 =	vld [tilespmem:s25+$0x10];
	_ =	sdelay $0x4  }
0x113: {  	vm0 =	vge.s32 v5, v0;
	vm1 =	vlt.s32 v5, v1  }
0x114: {  	v6 =	vor.u32 s7, v4;
	vm0 =	vmand vm0, vm1  }
0x115: {  	v5 =	vsel vm0, v5, v6  }
0x116: {  	[tilespmem:s2+$0x50] =	vst v5  }
0x117: {  	v5 =	vld [tilespmem:s25+$0x20];
	_ =	sdelay $0x4  }
0x118: {  	vm0 =	vge.s32 v5, v0;
	vm1 =	vlt.s32 v5, v1  }
0x119: {  	v6 =	vor.u32 s5, v4;
	vm0 =	vmand vm0, vm1  }
0x11a: {  	v5 =	vsel vm0, v5, v6  }
0x11b: {  	[tilespmem:s2+$0x60] =	vst v5  }
0x11c: {  	v5 =	vld [tilespmem:s25+$0x30];
	_ =	sdelay $0x3  }
.Ltmp3:
0x11d: {  	(pc) =	sbr.rel @p0 .LBB2_8-.Ltmp3, $4  }
0x11e: {  	vm0 =	vge.s32 v5, v0;
	vm1 =	vlt.s32 v5, v1  }
0x11f: {  	v6 =	vor.u32 s0, v4;
	vm0 =	vmand vm0, vm1  }
0x120: {  	v5 =	vsel vm0, v5, v6  }
0x121: {  	s2 =	sadd.s32 $0x80, s2;
	s25 =	sadd.s32 $0x80, s25;
	[tilespmem:s31+$0x70] =	vst v5  }
0x122: {  	[hbm4b:s4+s29] =	stream.indirect.scatter [tilespmem:s30], [sflag:$0x1], $0x1, s31, s29, $0x2000b8;
	[tilespmem:$0x12080] =	vst v63  }
0x123: {  	_ =	swait.ge [sflag:s28], $0x80  }
0x124: {  	[sflag:s28] =	ssyncset.done $0x0  }
0x125: {  	[sflag:s28] =	ssyncadd.s32 $0xFFFFFF80  }
0x126: {  	_ =	swait.ge [sflag:s28], $0x80  }
0x127: {  	[sflag:s28] =	ssyncset.done $0x0  }
0x128: {  	[sflag:s28] =	ssyncadd.s32 $0xFFFFFF80  }
0x129: {  	_ =	swait.ge [sflag:s28], $0x80  }
0x12a: {  	[sflag:s28] =	ssyncset.done $0x0  }
0x12b: {  	[sflag:s28] =	ssyncadd.s32 $0xFFFFFF80  }
0x12c: {  	_ =	swait.ge [sflag:s28], $0x80  }
0x12d: {  	[sflag:s28] =	ssyncset.done $0x0  }
0x12e: {  	[sflag:s28] =	ssyncadd.s32 $0xFFFFFF80  }
0x12f: {  	_ =	swait.ge [sflag:s28], $0x80  }
0x130: {  	[sflag:s28] =	ssyncset.done $0x0  }
0x131: {  	[sflag:s28] =	ssyncadd.s32 $0xFFFFFF80  }
0x132: {  	_ =	swait.ge [sflag:s28], $0x80  }
0x133: {  	[sflag:s28] =	ssyncset.done $0x0  }
0x134: {  	[sflag:s28] =	ssyncadd.s32 $0xFFFFFF80  }
0x135: {  	_ =	swait.ge [sflag:s28], $0x80  }
0x136: {  	[sflag:s28] =	ssyncset.done $0x0  }
0x137: {  	[sflag:s28] =	ssyncadd.s32 $0xFFFFFF80  }
0x138: {  	_ =	swait.ge [sflag:s28], $0x80  }
0x139: {  	[sflag:s28] =	ssyncset.done $0x0  }
0x13a: {  	[sflag:s28] =	ssyncadd.s32 $0xFFFFFF80  }
0x13b: {  	_ =	strace $0x9000004B  }
0x13c: {  	_ =	strace $0x8000004C  }
0x13d: {  	s0 =	simm.s32 $0x0;
	s1 =	rddreg [dreg:$0x8]  }
0x13e: {  	[tilespmem:s0], [sflag:$0x2] =	stream.linear.gather [hbm4b:s1+s0], $0x5000, $0x200038;
	[tilespmem:$0x12080] =	vst v63  }
0x13f: {  	_ =	swait.ge [sflag:s26], $0x5000  }
0x140: {  	[sflag:s26] =	ssyncset.done $0x0  }
0x141: {  	s1 =	simm.s32 $0x40;
	[sflag:s26] =	ssyncadd.s32 $0xFFFFB000  }
0x142: {  	v5 =	vld [tilespmem:s1+$0xFFFFFFC0];
	_ =	sdelay $0x3  }
0x143: {  	s25 =	sadd.s32 $0x0, s24  }
0x144: {  	s2 =	sadd.s32 $0x5FB2180, s25;
	vm0 =	vge.s32 v5, v0;
	vm1 =	vlt.s32 v5, v1  }
0x145: {  	v6 =	vor.u32 s2, v4;
	vm0 =	vmand vm0, vm1  }
0x146: {  	s31 =	simm.s32 $0x5000;
	v5 =	vsel vm0, v5, v6  }
0x147: {  	[tilespmem:s31+$0x0] =	vst v5  }
0x148: {  	v5 =	vld [tilespmem:s1+$0xFFFFFFD0];
	_ =	sdelay $0x4  }
0x149: {  	s5 =	sadd.s32 $0x5FB2190, s25;
	vm14 =	vge.s32 v5, v0;
	vm15 =	vlt.s32 v5, v1  }
0x14a: {  	v6 =	vor.u32 s5, v4;
	vm0 =	vmand vm14, vm15  }
0x14b: {  	v5 =	vsel vm0, v5, v6  }
0x14c: {  	[tilespmem:s31+$0x10] =	vst v5  }
0x14d: {  	v5 =	vld [tilespmem:s1+$0xFFFFFFE0];
	_ =	sdelay $0x4  }
0x14e: {  	s7 =	sadd.s32 $0x5FB21A0, s25;
	vm4 =	vge.s32 v5, v0;
	vm5 =	vlt.s32 v5, v1  }
0x14f: {  	v6 =	vor.u32 s7, v4;
	vm0 =	vmand vm4, vm5  }
0x150: {  	v5 =	vsel vm0, v5, v6  }
0x151: {  	[tilespmem:s31+$0x20] =	vst v5  }
0x152: {  	v5 =	vld [tilespmem:s1+$0xFFFFFFF0];
	_ =	sdelay $0x4  }
0x153: {  	s8 =	sadd.s32 $0x5FB21B0, s25;
	vm6 =	vge.s32 v5, v0;
	vm7 =	vlt.s32 v5, v1  }
0x154: {  	v6 =	vor.u32 s8, v4;
	vm0 =	vmand vm6, vm7  }
0x155: {  	v5 =	vsel vm0, v5, v6  }
0x156: {  	[tilespmem:s31+$0x30] =	vst v5  }
0x157: {  	v5 =	vld [tilespmem:s1+$0x0];
	_ =	sdelay $0x4  }
0x158: {  	s9 =	sadd.s32 $0x5FB21C0, s25;
	vm8 =	vge.s32 v5, v0;
	vm9 =	vlt.s32 v5, v1  }
0x159: {  	v6 =	vor.u32 s9, v4;
	vm0 =	vmand vm8, vm9  }
0x15a: {  	v5 =	vsel vm0, v5, v6  }
0x15b: {  	[tilespmem:s31+$0x40] =	vst v5  }
0x15c: {  	v5 =	vld [tilespmem:s1+$0x10];
	_ =	sdelay $0x4  }
0x15d: {  	s11 =	sadd.s32 $0x5FB21D0, s25;
	vm10 =	vge.s32 v5, v0;
	vm11 =	vlt.s32 v5, v1  }
0x15e: {  	v6 =	vor.u32 s11, v4;
	vm0 =	vmand vm10, vm11  }
0x15f: {  	v5 =	vsel vm0, v5, v6  }
0x160: {  	[tilespmem:s31+$0x50] =	vst v5  }
0x161: {  	v5 =	vld [tilespmem:s1+$0x20];
	_ =	sdelay $0x4  }
0x162: {  	s12 =	sadd.s32 $0x5FB21E0, s25;
	vm12 =	vge.s32 v5, v0;
	vm13 =	vlt.s32 v5, v1  }
0x163: {  	v6 =	vor.u32 s12, v4;
	vm0 =	vmand vm12, vm13  }
0x164: {  	v5 =	vsel vm0, v5, v6  }
0x165: {  	[tilespmem:s31+$0x60] =	vst v5  }
0x166: {  	v5 =	vld [tilespmem:s1+$0x30];
	_ =	sdelay $0x4  }
0x167: {  	s25 =	sadd.s32 $0x5FB21F0, s25;
	vm14 =	vge.s32 v5, v0;
	vm15 =	vlt.s32 v5, v1  }
0x168: {  	v6 =	vor.u32 s25, v4;
	vm0 =	vmand vm14, vm15  }
0x169: {  	v5 =	vsel vm0, v5, v6  }
0x16a: {  	s2 =	simm.s32 $0x5080;
	s25 =	simm.s32 $0xC0;
	s1 =	simm.s32 $0x80;
	[tilespmem:s31+$0x70] =	vst v5  }
.LBB2_10:
0x16b: {  	[hbm4b:s4+s29] =	stream.indirect.scatter [tilespmem:s30], [sflag:$0x1], $0x1, s31, s29, $0x2000b8;
	[tilespmem:$0x12080] =	vst v63  }
0x16c: {  	p0 =	sne.s32 s1, $0x4F80;
	s0 =	smov.u32 s1;
	s1 =	sadd.s32 $0x80, s1;
	v5 =	vld [tilespmem:s25+$0xFFFFFFC0]  }
0x16d: {  	s31 =	smov.u32 s2;
	_ =	sdelay $0x2  }
0x16e: {  	s0 =	sadd.s32 s0, s24  }
0x16f: {  	s5 =	sadd.s32 $0x5FB2180, s0;
	s9 =	sadd.s32 $0x5FB2190, s0;
	vm0 =	vge.s32 v5, v0;
	vm1 =	vlt.s32 v5, v1  }
0x170: {  	s11 =	sadd.s32 $0x5FB21A0, s0;
	s12 =	sadd.s32 $0x5FB21B0, s0;
	v6 =	vor.u32 s5, v4;
	vm0 =	vmand vm0, vm1  }
0x171: {  	s8 =	sadd.s32 $0x5FB21C0, s0;
	s7 =	sadd.s32 $0x5FB21D0, s0;
	v5 =	vsel vm0, v5, v6  }
0x172: {  	s5 =	sadd.s32 $0x5FB21E0, s0;
	s0 =	sadd.s32 $0x5FB21F0, s0;
	[tilespmem:s2+$0x0] =	vst v5  }
0x173: {  	v5 =	vld [tilespmem:s25+$0xFFFFFFD0];
	_ =	sdelay $0x4  }
0x174: {  	vm0 =	vge.s32 v5, v0;
	vm1 =	vlt.s32 v5, v1  }
0x175: {  	v6 =	vor.u32 s9, v4;
	vm0 =	vmand vm0, vm1  }
0x176: {  	v5 =	vsel vm0, v5, v6  }
0x177: {  	[tilespmem:s2+$0x10] =	vst v5  }
0x178: {  	v5 =	vld [tilespmem:s25+$0xFFFFFFE0];
	_ =	sdelay $0x4  }
0x179: {  	vm0 =	vge.s32 v5, v0;
	vm1 =	vlt.s32 v5, v1  }
0x17a: {  	v6 =	vor.u32 s11, v4;
	vm0 =	vmand vm0, vm1  }
0x17b: {  	v5 =	vsel vm0, v5, v6  }
0x17c: {  	[tilespmem:s2+$0x20] =	vst v5  }
0x17d: {  	v5 =	vld [tilespmem:s25+$0xFFFFFFF0];
	_ =	sdelay $0x4  }
0x17e: {  	vm0 =	vge.s32 v5, v0;
	vm1 =	vlt.s32 v5, v1  }
0x17f: {  	v6 =	vor.u32 s12, v4;
	vm0 =	vmand vm0, vm1  }
0x180: {  	v5 =	vsel vm0, v5, v6  }
0x181: {  	[tilespmem:s2+$0x30] =	vst v5  }
0x182: {  	v5 =	vld [tilespmem:s25+$0x0];
	_ =	sdelay $0x4  }
0x183: {  	vm0 =	vge.s32 v5, v0;
	vm1 =	vlt.s32 v5, v1  }
0x184: {  	v6 =	vor.u32 s8, v4;
	vm0 =	vmand vm0, vm1  }
0x185: {  	v5 =	vsel vm0, v5, v6  }
0x186: {  	[tilespmem:s2+$0x40] =	vst v5  }
0x187: {  	v5 =	vld [tilespmem:s25+$0x10];
	_ =	sdelay $0x4  }
0x188: {  	vm0 =	vge.s32 v5, v0;
	vm1 =	vlt.s32 v5, v1  }
0x189: {  	v6 =	vor.u32 s7, v4;
	vm0 =	vmand vm0, vm1  }
0x18a: {  	v5 =	vsel vm0, v5, v6  }
0x18b: {  	[tilespmem:s2+$0x50] =	vst v5  }
0x18c: {  	v5 =	vld [tilespmem:s25+$0x20];
	_ =	sdelay $0x4  }
0x18d: {  	vm0 =	vge.s32 v5, v0;
	vm1 =	vlt.s32 v5, v1  }
0x18e: {  	v6 =	vor.u32 s5, v4;
	vm0 =	vmand vm0, vm1  }
0x18f: {  	v5 =	vsel vm0, v5, v6  }
0x190: {  	[tilespmem:s2+$0x60] =	vst v5  }
0x191: {  	v5 =	vld [tilespmem:s25+$0x30];
	_ =	sdelay $0x3  }
.Ltmp4:
0x192: {  	(pc) =	sbr.rel @p0 .LBB2_10-.Ltmp4, $4  }
0x193: {  	vm0 =	vge.s32 v5, v0;
	vm1 =	vlt.s32 v5, v1  }
0x194: {  	v6 =	vor.u32 s0, v4;
	vm0 =	vmand vm0, vm1  }
0x195: {  	v5 =	vsel vm0, v5, v6  }
0x196: {  	s2 =	sadd.s32 $0x80, s2;
	s25 =	sadd.s32 $0x80, s25;
	[tilespmem:s31+$0x70] =	vst v5  }
0x197: {  	[hbm4b:s4+s29] =	stream.indirect.scatter [tilespmem:s30], [sflag:$0x1], $0x1, s31, s29, $0x2000b8;
	[tilespmem:$0x12080] =	vst v63  }
0x198: {  	_ =	swait.ge [sflag:s28], $0x80  }
0x199: {  	s0 =	simm.s32 $0x9F;
	[sflag:s28] =	ssyncset.done $0x0  }
.LBB2_12:
0x19a: {  	p0 =	sne.s32 s0, $0x1;
	s0 =	sadd.s32 $0xFFFFFFFF, s0;
	[sflag:s28] =	ssyncadd.s32 $0xFFFFFF80  }
.Ltmp5:
0x19b: {  	(pc) =	sbr.rel @p0 .LBB2_12-.Ltmp5, $3  }
0x19c: {  	_ =	sdelay $0x1  }
0x19d: {  	_ =	swait.ge [sflag:s28], $0x80  }
0x19e: {  	[sflag:s28] =	ssyncset.done $0x0  }
0x19f: {  	s3 =	sadd.s32 $0x1, s3;
	s0 =	rddreg [dreg:$0x9]  }
0x1a0: {  	p0 =	sne.s32 s3, s0  }
.Ltmp6:
0x1a1: {  	_ = 	snop;
	(pc) =	sbr.rel @p0 .LBB2_1-.Ltmp6, $3  }
0x1a2: {  	_ =	sdelay $0x1  }
0x1a3: {  	[sflag:s28] =	ssyncadd.s32 $0xFFFFFF80  }
0x1a4: {  	_ =	strace $0x9000004C  }
0x1a5: {  	_ =	sfence.sel $0x180000  }
0x1a6: {  	[bflag:$0x0] =	sbarrier.arrive $0xFFFF  }
0x1a7: {  	_ =	strace $0x90000047  }
0x1a8: {  	s0 =	stileid.u32;
	[bflag:$0x2] =	sbarrier.arrive $0xFFFF  }
0x1a9: {  	p0 =	sne.s32 s0, $0x0;
	s0 =	rddreg [dreg:$0x3]  }
0x1aa: {  	s0 =	sadd.s32 @!p0 $0x100000, s0  }
0x1ab: {  	[sflag:s0] =	ssyncadd.tile.s32 @!p0 $0x1;
	_ =	shalt  }
.Lfunc_end2:
_tile_overlayer_lowered:
.L_overlay_start_2:
0x1ac: {  	(tag) =	ssettag $0x2  }
0x1ad: {  	s0 =	rddreg [dreg:$0x0];
	s2 =	stileid.u32  }
0x1ae: {  	s1 =	rddreg [dreg:$0x1];
	p0 =	sne.s32 s2, $0x0  }
0x1af: {  	s3 =	rddreg [dreg:$0x2];
	[bflag:$0x3] =	sbarrier.arrive $0xFFFF;
	s2 =	simm.s32 @!p0 $0x1C02  }
0x1b0: {  	[timem:s3], [sflag:s2] =	dma.local @!p0 [hbm:s0], s1  }
0x1b1: {  	s0 =	simm.s32 @!p0 $0x2  }
0x1b2: {  	_ =	swait.ge @!p0 [sflag:s0], s1  }
0x1b3: {  	s1 =	ssub.s32 @!p0 $0x0, s1;
	[sflag:s0] =	ssyncset.done @!p0 $0x0  }
0x1b4: {  	[sflag:s0] =	ssyncadd.s32 @!p0 s1  }
0x1b5: {  	[bflag:$0x3] =	sbarrier.arrive $0xFFFF  }
0x1b6: {  	_ =	shalt  }

// kernel: kernel.9.cloned.1.call-start
scs
__scs_entry_jumppad:
0x0: {  	(pc) =	sbr.rel $0x88, $3  }
0x1: {  	(tag) =	ssettag $0x0;
	lr =	simm.s32 $0x1  }
0x2: {  	[smem:$0x3F9C] =	sst lr;
	_ =	strace $0xD0000000  }
0x3: {  	_ = 	snop  }
0x4: {  	_ = 	snop  }
0x5: {  	_ = 	snop  }
0x6: {  	_ = 	snop  }
0x7: {  	_ = 	snop  }
__scs_overlays_trampoline_lowered:
0x8: {  	[smem:$0x3FAB] =	sst s0  }
0x9: {  	[smem:$0x3FAC] =	sst s1  }
0xa: {  	[smem:$0x3FAD] =	sst s2  }
0xb: {  	[smem:$0x3FAE] =	sst s3  }
0xc: {  	[smem:$0x3FAF] =	sst s4  }
0xd: {  	[smem:$0x3FB0] =	sst s5  }
0xe: {  	[smem:$0x3FB1] =	sst s6  }
0xf: {  	[smem:$0x3FB2] =	sst s7  }
0x10: {  	[smem:$0x3FB3] =	sst s8  }
0x11: {  	[smem:$0x3FB4] =	sst s9;
	s0 =	simm.s32 @!p0 $0x0  }
0x12: {  	s1 =	sld [smem:$0x3F9A];
	s0 =	simm.s32 @p0 $0x1  }
0x13: {  	[smem:$0x3FB5] =	sst s0;
	s0 =	simm.s32 @!p1 $0x0  }
0x14: {  	s2 =	sld [smem:$0x3F99];
	s0 =	simm.s32 @p1 $0x1  }
0x15: {  	[smem:$0x3FB6] =	sst s0;
	s0 =	simm.s32 @!p2 $0x0  }
0x16: {  	s3 =	sld [smem:$0x3FDB];
	s0 =	simm.s32 @p2 $0x1  }
0x17: {  	s4 =	simm.s32 $0x1BF5;
	[smem:$0x3FB8] =	sst s0  }
0x18: {  	s0 =	sld [smem:$0x3F9B];
	_ =	swait.ge [sflag:s4], $0x0  }
0x19: {  	s7 =	sld [smem:$0x3F9C]  }
0x1a: {  	s8 =	sadd.s32 $0xFFFFE003, lr  }
0x1b: {  	s9 =	sadd.s32 $0xFFFFFEF7, lr;
	s5 =	simm.s32 $0xFFFFFFFF;
	p2 =	slt.u32 s8, $0xFFFFF086  }
0x1c: {  	p1 =	slt.u32 s9, $0xF7A;
	s5 =	simm.s32 @!p2 $0x0  }
0x1d: {  	s5 =	simm.s32 @p1 $0x1;
	p0 =	seq.s32 s7, s2  }
0x1e: {  	s7 =	smul.u32 @!p0 $0xF7A, s2;
	p2 =	seq.s32 @!p0 s5, $0x0  }
0x1f: {  	s9 =	smul.u32 $0xF7A, s1;
	s8 =	simm.s32 @!p0 $0x1BF5;
	p2 =	por !p2, p0  }
0x20: {  	[sflag:s8] =	ssyncset.s32 @!p0 $0xFFFFF086;
	s6 =	sadd.s32 @!p0 s3, s7;
	s7 =	simm.s32 @!p0 $0x108  }
0x21: {  	s3 =	sadd.s32 s3, s9;
	s6 =	sadd.s32 @!p0 $0x88, s6;
	s7 =	simm.s32 @p2 $0x1082  }
0x22: {  	[simem:s7], [sflag:s8] =	dma.local @!p0 [hbm:s6], $0xF7A  }
0x23: {  	s9 =	sor.u32 $0xD0000000, s2;
	s6 =	simm.s32 $0x108;
	_ =	swait.ge @!p0 [sflag:s8], $0x0  }
0x24: {  	s3 =	sadd.s32 $0x88, s3;
	s6 =	simm.s32 @!p1 $0x1082;
	[sflag:s4] =	ssyncset.s32 $0xFFFFF086  }
0x25: {  	[simem:s6], [sflag:s4] =	dma.local [hbm:s3], $0xF7A  }
0x26: {  	[smem:$0x3F9C] =	sst s1;
	(tag) =	ssettag s2;
	_ =	strace s9  }
0x27: {  	s1 =	sld [smem:$0x3FAC]  }
0x28: {  	s2 =	sld [smem:$0x3FAD]  }
0x29: {  	s4 =	sld [smem:$0x3FAF]  }
0x2a: {  	p0 =	seq.s32 s5, $0x0;
	s5 =	sld [smem:$0x3FB0]  }
0x2b: {  	s6 =	sld [smem:$0x3FB1]  }
0x2c: {  	s7 =	sld [smem:$0x3FB2]  }
0x2d: {  	s3 =	simm.s32 $0x108;
	s8 =	sld [smem:$0x3FB3]  }
0x2e: {  	s3 =	simm.s32 @!p0 $0x1082;
	s9 =	sld [smem:$0x3FB4]  }
0x2f: {  	lr =	sadd.s32 s0, s3;
	s0 =	sld [smem:$0x3FAB]  }
0x30: {  	s3 =	sld [smem:$0x3FAE]  }
0x31: {  	[smem:$0x3FB7] =	sst s10  }
0x32: {  	s10 =	sld [smem:$0x3FB5];
	_ =	sdelay $0x3  }
0x33: {  	p0 =	seq.s32 s10, $0x1;
	s10 =	sld [smem:$0x3FB7];
	_ =	sdelay $0x3  }
0x34: {  	[smem:$0x3FB7] =	sst s10  }
0x35: {  	s10 =	sld [smem:$0x3FB6];
	_ =	sdelay $0x3  }
0x36: {  	p1 =	seq.s32 s10, $0x1;
	s10 =	sld [smem:$0x3FB7];
	_ =	sdelay $0x3  }
0x37: {  	[smem:$0x3FB7] =	sst s10  }
0x38: {  	s10 =	sld [smem:$0x3FB8]  }
0x39: {  	_ = 	snop;
	(pc) =	sbr.ind lr, $3  }
0x3a: {  	_ = 	snop  }
0x3b: {  	_ = 	snop  }
0x3c: {  	p2 =	seq.s32 s10, $0x1;
	s10 =	sld [smem:$0x3FB7]  }
0x3d: {  	_ =	shalt  }
0x3e: {  	_ =	shalt  }
0x3f: {  	_ =	shalt  }
0x40: {  	_ =	shalt  }
0x41: {  	_ =	shalt  }
0x42: {  	_ =	shalt  }
0x43: {  	_ =	shalt  }
0x44: {  	_ =	shalt  }
0x45: {  	_ =	shalt  }
0x46: {  	_ =	shalt  }
0x47: {  	_ =	shalt  }
0x48: {  	_ =	shalt  }
0x49: {  	_ =	shalt  }
0x4a: {  	_ =	shalt  }
0x4b: {  	_ =	shalt  }
0x4c: {  	_ =	shalt  }
0x4d: {  	_ =	shalt  }
0x4e: {  	_ =	shalt  }
0x4f: {  	_ =	shalt  }
0x50: {  	_ =	shalt  }
0x51: {  	_ =	shalt  }
0x52: {  	_ =	shalt  }
0x53: {  	_ =	shalt  }
0x54: {  	_ =	shalt  }
0x55: {  	_ =	shalt  }
0x56: {  	_ =	shalt  }
0x57: {  	_ =	shalt  }
0x58: {  	_ =	shalt  }
0x59: {  	_ =	shalt  }
0x5a: {  	_ =	shalt  }
0x5b: {  	_ =	shalt  }
0x5c: {  	_ =	shalt  }
0x5d: {  	_ =	shalt  }
0x5e: {  	_ =	shalt  }
0x5f: {  	_ =	shalt  }
0x60: {  	_ =	shalt  }
0x61: {  	_ =	shalt  }
0x62: {  	_ =	shalt  }
0x63: {  	_ =	shalt  }
0x64: {  	_ =	shalt  }
0x65: {  	_ =	shalt  }
0x66: {  	_ =	shalt  }
0x67: {  	_ =	shalt  }
0x68: {  	_ =	shalt  }
0x69: {  	_ =	shalt  }
0x6a: {  	_ =	shalt  }
0x6b: {  	_ =	shalt  }
0x6c: {  	_ =	shalt  }
0x6d: {  	_ =	shalt  }
0x6e: {  	_ =	shalt  }
0x6f: {  	_ =	shalt  }
0x70: {  	_ =	shalt  }
0x71: {  	_ =	shalt  }
0x72: {  	_ =	shalt  }
0x73: {  	_ =	shalt  }
0x74: {  	_ =	shalt  }
0x75: {  	_ =	shalt  }
0x76: {  	_ =	shalt  }
0x77: {  	_ =	shalt  }
0x78: {  	_ =	shalt  }
0x79: {  	_ =	shalt  }
0x7a: {  	_ =	shalt  }
0x7b: {  	_ =	shalt  }
0x7c: {  	_ =	shalt  }
0x7d: {  	_ =	shalt  }
0x7e: {  	_ =	shalt  }
0x7f: {  	_ =	shalt  }
0x80: {  	_ =	shalt  }
0x81: {  	_ =	shalt  }
0x82: {  	_ =	shalt  }
0x83: {  	_ =	shalt  }
0x84: {  	_ =	shalt  }
0x85: {  	_ =	shalt  }
0x86: {  	_ =	shalt  }
0x87: {  	_ =	shalt  }
.Lfunc_end0:
.L_simem_size_0:
called_computation.2_lowered:
.L_overlay_start_0:
0x88: {  	s2 =	sld [smem:$0x3FD9]  }
0x89: {  	s3 =	sld [smem:$0x3FFE];
	_ =	sdelay $0x1  }
0x8a: {  	s1 =	srdreg.scid  }
0x8b: {  	s0 =	sand.u32 $0x1, s1  }
0x8c: {  	s14 =	sshll.u32 s0, $0xA;
	s2 =	sadd.s32 s3, s2  }
0x8d: {  	s2 =	sadd.s32 s2, s14  }
0x8e: {  	[smem:$0x3FC3] =	sst s2  }
0x8f: {  	_ = 	snop  }
0x90: {  	s2 =	sld [smem:$0x3FD0];
	_ =	sdelay $0x2  }
0x91: {  	s15 =	simm.s32 $0xA;
	s4 =	simm.s32 $0x10  }
0x92: {  	[smem:s4], [sflag:s15] =	dma.local [hbm:s2], $0x1  }
0x93: {  	_ =	swait.eq [sflag:s15], $0x1  }
0x94: {  	[sflag:s15] =	ssyncset.done $0x0  }
0x95: {  	[sflag:s15] =	ssyncadd.s32 $0xFFFFFFFF  }
0x96: {  	s16 =	sld [smem:$0x10];
	(tm) =	ssettm $0x1  }
0x97: {  	s17 =	sld [smem:$0x3FFB];
	_ =	sdelay $0x3  }
0x98: {  	_ =	strace s17  }
0x99: {  	s3 =	sld [smem:$0x3FFC];
	_ =	sdelay $0x3  }
0x9a: {  	_ =	strace s3  }
0x9b: {  	s3 =	sld [smem:$0x3FFD];
	_ =	sdelay $0x3  }
0x9c: {  	_ =	strace s3  }
0x9d: {  	_ =	strace $0x8FFFFFFF  }
0x9e: {  	s18 =	sld [smem:$0x3FDB];
	_ =	sdelay $0x1  }
0x9f: {  	s19 =	simm.s32 $_scs_section_size  }
0xa0: {  	s5 =	simm.s32 $_size__tile_overlayer_lowered;
	s6 =	simm.s32 $_tile_overlayer_lowered  }
0xa1: {  	s22 =	simm.s32 $0x1BFF;
	s21 =	sshll.u32 s6, $0x1;
	s3 =	sadd.s32 s19, s18  }
0xa2: {  	s7 =	simm.s32 $0x0;
	s20 =	sshll.u32 s5, $0x1;
	s5 =	sadd.s32 s21, s3  }
0xa3: {  	[timem:s7], [sflag:s22] =	dma.local [hbm:s5], s20  }
0xa4: {  	_ =	swait.ge [sflag:s22], s20  }
0xa5: {  	s4 =	ssub.s32 $0x0, s20;
	[sflag:s22] =	ssyncset.done $0x0  }
0xa6: {  	[sflag:s22] =	ssyncadd.s32 s4;
	_ =	sdelay $0x1  }
0xa7: {  	s23 =	simm.s32 $0x1B8B  }
0xa8: {  	_ =	swait.ge [sflag:s23], $0x1  }
0xa9: {  	[sflag:s23] =	ssyncset.done $0x0  }
0xaa: {  	s25 =	simm.s32 $0x1B8E;
	s24 =	sld [smem:$0x3FFE];
	[sflag:s23] =	ssyncadd.s32 $0xFFFFFFFF  }
0xab: {  	s26 =	simm.s32 $execute0_lowered;
	[smem:$0x3FD2] =	sst s25  }
0xac: {  	s5 =	sshll.u32 s26, $0x1;
	_ =	strace $0x8000004E;
	[dreg:$0x1] =	wrdreg $0xFFFFFFFF  }
0xad: {  	s28 =	simm.s32 $_size_execute0_lowered;
	s3 =	sadd.s32 s3, s5;
	[dreg:$0x0] =	wrdreg $0x0  }
0xae: {  	s5 =	sshll.u32 s28, $0x1;
	[dreg:$0x2] =	wrdreg s3  }
0xaf: {  	[dreg:$0x3] =	wrdreg s5  }
0xb0: {  	[dreg:$0x4] =	wrdreg $0xC0  }
0xb1: {  	_ =	task [dreg:s7], $0x5FFFF  }
0xb2: {  	[dreg:$0x1] =	wrdreg $0xFFFFFFFF  }
0xb3: {  	[dreg:$0x0] =	wrdreg $0x60  }
0xb4: {  	[dreg:$0x2] =	wrdreg s24  }
0xb5: {  	[dreg:$0x3] =	wrdreg s16  }
0xb6: {  	[dreg:$0x4] =	wrdreg $0x9  }
0xb7: {  	_ =	task.clear_ibuf [dreg:s7], $0x5FFFF;
	_ =	strace $0x9000004E  }
0xb8: {  	s29 =	simm.s32 $0x9;
	_ =	strace $0x80000050  }
0xb9: {  	_ =	swait.ge [sflag:s29], $0x1  }
0xba: {  	[sflag:s29] =	ssyncadd.s32 $0xFFFFFFFF  }
0xbb: {  	_ =	strace $0x90000050  }
0xbc: {  	_ =	sfence  }
0xbd: {  	s30 =	sld [smem:$0x0];
	_ =	sdelay $0x2  }
0xbe: {  	s31 =	sshll.u32 s1, $0xD;
	s1 =	sshrl.u32 s1, $0x2  }
0xbf: {  	s3 =	sand.u32 $0x4000, s31;
	s1 =	sadd.s32 s1, s30  }
0xc0: {  	s0 =	sor.u32 s3, s0;
	s1 =	sshll.u32 s1, $0x11  }
0xc1: {  	s0 =	sor.u32 s1, s0  }
0xc2: {  	s0 =	sadd.s32 $0x8F2B, s0  }
0xc3: {  	[sflag:s0] =	ssyncadd.remote.s32 $0x1  }
0xc4: {  	_ =	sfence.sel $0xFFFF  }
0xc5: {  	[dreg:$0x0] =	wrdreg $0xFFFFFFFF;
	(pc) =	sbr.abs _section_cstart, $3  }
0xc6: {  	[dreg:$0x1] =	wrdreg $0xFFFFFFFF  }
0xc7: {  	_ =	task.clear_ibuf [dreg:s7], $0x2FFFF;
	_ =	strace $0x9FFFFFFF  }
0xc8: {  	(tm) =	ssettm $0x7FFFFFFF  }
0xc9: {  	_ =	shalt  }
tec
execute0_lowered:
.L_overlay_start_1:
0x0: {  	(tag) =	ssettag $0x1  }
0x1: {  	s4 =	rddreg [dreg:$0x0]  }
0x2: {  	s8 =	rddreg [dreg:$0x1]  }
0x3: {  	s0 =	rddreg [dreg:$0x2];
	s2 =	simm.s32 $0x0;
	s3 =	srdreg.scid  }
0x4: {  	s1 =	stileid.u32;
	s12 =	simm.s32 $0x80;
	s13 =	simm.s32 $0x1  }
0x5: {  	s14 =	simm.s32 $0x2800;
	s15 =	simm.s32 $0x2880;
	s16 =	simm.s32 $0x100  }
0x6: {  	s17 =	simm.s32 $0x2900;
	s18 =	simm.s32 $0x180;
	s19 =	simm.s32 $0x2980  }
0x7: {  	s20 =	simm.s32 $0x0;
	[smem:$0x7FF] =	sst s2;
	s5 =	sand.u32 $0x1, s3  }
0x8: {  	s30 =	sshll.u32 s1, $0x1;
	s6 =	sshll.u32 s1, $0x7;
	_ =	strace $0x8000004F  }
0x9: {  	s3 =	sor.u32 s5, s30;
	s7 =	sshll.u32 s5, $0x6;
	s5 =	ssub.s32 $0x2, s5  }
0xa: {  	s9 =	smul.u32 $0x500, s3;
	s6 =	sor.u32 s7, s6;
	s31 =	sshrl.u32 s5, $0x1  }
0xb: {  	s3 =	sadd.s32 $0xC34200, s4;
	s7 =	sadd.s32 s6, s4;
	s11 =	ssub.s32 s5, s31  }
0xc: {  	s10 =	sadd.s32 s9, s4;
	s6 =	sadd.s32 $0x27A00, s7;
	s7 =	sadd.s32 $0x3C200, s7  }
0xd: {  	s8 =	sadd.s32 s8, s9;
	s4 =	sadd.s32 $0x28200, s10;
	s5 =	sadd.s32 $0x32200, s10  }
0xe: {  	s9 =	sadd.s32 $0x3CA00, s10;
	s10 =	smax.u32 s11, $0x1;
	s11 =	simm.s32 $0x2  }
.LBB2_1:
0xf: {  	[tilespmem:s2], [sflag:$0x2] =	stream.linear.gather [hbm4b:s4+s2], $0x2800, $0x38;
	[tilespmem:$0x5000] =	vst v63  }
0x10: {  	_ =	swait.ge [sflag:s11], $0x2800  }
0x11: {  	[sflag:s11] =	ssyncset.done $0x0  }
0x12: {  	s21 =	simm.s32 $0x0;
	[sflag:s11] =	ssyncadd.s32 $0xFFFFD800  }
.LBB2_2:
0x13: {  	p0 =	sne.s32 s21, $0x9E00  }
.Ltmp0:
0x14: {  	_ = 	snop;
	(pc) =	sbr.rel @p0 .LBB2_2-.Ltmp0, $4  }
0x15: {  	_ = 	snop  }
0x16: {  	s22 =	sshra.s32 s21, $0x2  }
0x17: {  	s21 =	sadd.s32 $0x200, s21;
	s23 =	sadd.s32 $0x2800, s22  }
0x18: {  	[tilespmem:s23], [sflag:$0x1] =	stream.indirect.gather [hbm4b:s3+s12], $0x1, s22, s12, $0xb8;
	[tilespmem:$0x5000] =	vst v63  }
0x19: {  	_ =	swait.ge [sflag:s13], $0x80  }
0x1a: {  	s21 =	simm.s32 $0x4F;
	[sflag:s13] =	ssyncset.done $0x0  }
.LBB2_4:
0x1b: {  	p0 =	sne.s32 s21, $0x1;
	s21 =	sadd.s32 $0xFFFFFFFF, s21;
	[sflag:s13] =	ssyncadd.s32 $0xFFFFFF80  }
.Ltmp1:
0x1c: {  	(pc) =	sbr.rel @p0 .LBB2_4-.Ltmp1, $3  }
0x1d: {  	_ =	sdelay $0x1  }
0x1e: {  	_ =	swait.ge [sflag:s13], $0x80  }
0x1f: {  	[sflag:s13] =	ssyncset.done $0x0  }
0x20: {  	[sflag:s13] =	ssyncadd.s32 $0xFFFFFF80;
	s21 =	simm.s32 $0x0  }
0x21: {  	[hbm4b:s5+s21] =	stream.linear.scatter [tilespmem:s14], [sflag:$0x2], $0x2800, $0x38;
	[tilespmem:$0x5000] =	vst v63  }
0x22: {  	_ =	swait.ge [sflag:s11], $0x2800  }
0x23: {  	[sflag:s11] =	ssyncset.done $0x0  }
0x24: {  	[sflag:s11] =	ssyncadd.s32 $0xFFFFD800  }
0x25: {  	[tilespmem:s21], [sflag:$0x2] =	stream.linear.gather [hbm4b:s6+s21], $0x200, $0x38;
	[tilespmem:$0x5000] =	vst v63  }
0x26: {  	_ =	swait.ge [sflag:s11], $0x200  }
0x27: {  	[sflag:s11] =	ssyncset.done $0x0  }
0x28: {  	[sflag:s11] =	ssyncadd.s32 $0xFFFFFE00  }
0x29: {  	[tilespmem:s14], [sflag:$0x1] =	stream.indirect.gather [hbm4b:s3+s12], $0x1, s21, s12, $0xb8;
	[tilespmem:$0x5000] =	vst v63  }
0x2a: {  	_ = 	snop  }
0x2b: {  	[tilespmem:s15], [sflag:$0x1] =	stream.indirect.gather [hbm4b:s3+s12], $0x1, s12, s12, $0xb8;
	[tilespmem:$0x5000] =	vst v63  }
0x2c: {  	_ = 	snop  }
0x2d: {  	[tilespmem:s17], [sflag:$0x1] =	stream.indirect.gather [hbm4b:s3+s12], $0x1, s16, s12, $0xb8;
	[tilespmem:$0x5000] =	vst v63  }
0x2e: {  	_ = 	snop  }
0x2f: {  	[tilespmem:s19], [sflag:$0x1] =	stream.indirect.gather [hbm4b:s3+s12], $0x1, s18, s12, $0xb8;
	[tilespmem:$0x5000] =	vst v63  }
0x30: {  	_ =	swait.ge [sflag:s13], $0x80  }
0x31: {  	[sflag:s13] =	ssyncset.done $0x0  }
0x32: {  	[sflag:s13] =	ssyncadd.s32 $0xFFFFFF80  }
0x33: {  	_ =	swait.ge [sflag:s13], $0x80  }
0x34: {  	[sflag:s13] =	ssyncset.done $0x0  }
0x35: {  	[sflag:s13] =	ssyncadd.s32 $0xFFFFFF80  }
0x36: {  	_ =	swait.ge [sflag:s13], $0x80  }
0x37: {  	[sflag:s13] =	ssyncset.done $0x0  }
0x38: {  	[sflag:s13] =	ssyncadd.s32 $0xFFFFFF80  }
0x39: {  	_ =	swait.ge [sflag:s13], $0x80  }
0x3a: {  	[sflag:s13] =	ssyncset.done $0x0  }
0x3b: {  	[sflag:s13] =	ssyncadd.s32 $0xFFFFFF80  }
0x3c: {  	[hbm4b:s7+s21] =	stream.linear.scatter [tilespmem:s14], [sflag:$0x2], $0x200, $0x38;
	[tilespmem:$0x5000] =	vst v63  }
0x3d: {  	_ =	swait.ge [sflag:s11], $0x200  }
0x3e: {  	[sflag:s11] =	ssyncset.done $0x0  }
0x3f: {  	[sflag:s11] =	ssyncadd.s32 $0xFFFFFE00  }
0x40: {  	[tilespmem:s21], [sflag:$0x2] =	stream.linear.gather [hbm4b:s8+s21], $0x2800, $0x38;
	[tilespmem:$0x5000] =	vst v63  }
0x41: {  	_ =	swait.ge [sflag:s11], $0x2800  }
0x42: {  	[sflag:s11] =	ssyncset.done $0x0  }
0x43: {  	[sflag:s11] =	ssyncadd.s32 $0xFFFFD800  }
.LBB2_6:
0x44: {  	p0 =	sne.s32 s21, $0x9E00  }
.Ltmp2:
0x45: {  	_ = 	snop;
	(pc) =	sbr.rel @p0 .LBB2_6-.Ltmp2, $4  }
0x46: {  	_ = 	snop  }
0x47: {  	s22 =	sshra.s32 s21, $0x2  }
0x48: {  	s21 =	sadd.s32 $0x200, s21;
	s23 =	sadd.s32 $0x2800, s22  }
0x49: {  	[tilespmem:s23], [sflag:$0x1] =	stream.indirect.gather [hbm4b:s3+s12], $0x1, s22, s12, $0xb8;
	[tilespmem:$0x5000] =	vst v63  }
0x4a: {  	_ =	swait.ge [sflag:s13], $0x80  }
0x4b: {  	s21 =	simm.s32 $0x4F;
	[sflag:s13] =	ssyncset.done $0x0  }
.LBB2_8:
0x4c: {  	p0 =	sne.s32 s21, $0x1;
	s21 =	sadd.s32 $0xFFFFFFFF, s21;
	[sflag:s13] =	ssyncadd.s32 $0xFFFFFF80  }
.Ltmp3:
0x4d: {  	(pc) =	sbr.rel @p0 .LBB2_8-.Ltmp3, $3  }
0x4e: {  	_ =	sdelay $0x1  }
0x4f: {  	_ =	swait.ge [sflag:s13], $0x80  }
0x50: {  	[sflag:s13] =	ssyncset.done $0x0  }
0x51: {  	s20 =	sadd.s32 $0x1, s20  }
0x52: {  	p0 =	sne.s32 s20, s10  }
.Ltmp4:
0x53: {  	[sflag:s13] =	ssyncadd.s32 $0xFFFFFF80;
	(pc) =	sbr.rel @p0 .LBB2_1-.Ltmp4, $4  }
0x54: {  	[hbm4b:s9+s2] =	stream.linear.scatter [tilespmem:s14], [sflag:$0x2], $0x2800, $0x38;
	[tilespmem:$0x5000] =	vst v63  }
0x55: {  	_ =	swait.ge [sflag:s11], $0x2800  }
0x56: {  	[sflag:s11] =	ssyncset.done $0x0  }
0x57: {  	[sflag:s11] =	ssyncadd.s32 $0xFFFFD800  }
0x58: {  	_ =	sfence.sel $0x180000  }
0x59: {  	[bflag:$0x0] =	sbarrier.arrive $0xFFFF  }
0x5a: {  	p0 =	sne.s32 s1, $0x0;
	_ =	strace $0x9000004F  }
0x5b: {  	s0 =	sadd.s32 @!p0 $0x100000, s0;
	[bflag:$0x2] =	sbarrier.arrive $0xFFFF  }
0x5c: {  	[sflag:s0] =	ssyncadd.tile.s32 @!p0 $0x1;
	_ =	shalt  }
.Lfunc_end2:
_tile_overlayer_lowered:
.L_overlay_start_2:
0x5d: {  	(tag) =	ssettag $0x2  }
0x5e: {  	s0 =	rddreg [dreg:$0x0];
	s2 =	stileid.u32  }
0x5f: {  	s1 =	rddreg [dreg:$0x1];
	p0 =	sne.s32 s2, $0x0  }
0x60: {  	s3 =	rddreg [dreg:$0x2];
	[bflag:$0x3] =	sbarrier.arrive $0xFFFF;
	s2 =	simm.s32 @!p0 $0x1C02  }
0x61: {  	[timem:s3], [sflag:s2] =	dma.local @!p0 [hbm:s0], s1  }
0x62: {  	s0 =	simm.s32 @!p0 $0x2  }
0x63: {  	_ =	swait.ge @!p0 [sflag:s0], s1  }
0x64: {  	s1 =	ssub.s32 @!p0 $0x0, s1;
	[sflag:s0] =	ssyncset.done @!p0 $0x0  }
0x65: {  	[sflag:s0] =	ssyncadd.s32 @!p0 s1  }
0x66: {  	[bflag:$0x3] =	sbarrier.arrive $0xFFFF  }
0x67: {  	_ =	shalt  }

// kernel: scatter_offload_async_start
scs
__scs_entry_jumppad:
0x0: {  	(pc) =	sbr.rel $0x88, $3  }
0x1: {  	(tag) =	ssettag $0x0;
	lr =	simm.s32 $0x1  }
0x2: {  	[smem:$0x3F9C] =	sst lr;
	_ =	strace $0xD0000000  }
0x3: {  	_ = 	snop  }
0x4: {  	_ = 	snop  }
0x5: {  	_ = 	snop  }
0x6: {  	_ = 	snop  }
0x7: {  	_ = 	snop  }
__scs_overlays_trampoline_lowered:
0x8: {  	[smem:$0x3FAB] =	sst s0  }
0x9: {  	[smem:$0x3FAC] =	sst s1  }
0xa: {  	[smem:$0x3FAD] =	sst s2  }
0xb: {  	[smem:$0x3FAE] =	sst s3  }
0xc: {  	[smem:$0x3FAF] =	sst s4  }
0xd: {  	[smem:$0x3FB0] =	sst s5  }
0xe: {  	[smem:$0x3FB1] =	sst s6  }
0xf: {  	[smem:$0x3FB2] =	sst s7  }
0x10: {  	[smem:$0x3FB3] =	sst s8  }
0x11: {  	[smem:$0x3FB4] =	sst s9;
	s0 =	simm.s32 @!p0 $0x0  }
0x12: {  	s1 =	sld [smem:$0x3F9A];
	s0 =	simm.s32 @p0 $0x1  }
0x13: {  	[smem:$0x3FB5] =	sst s0;
	s0 =	simm.s32 @!p1 $0x0  }
0x14: {  	s2 =	sld [smem:$0x3F99];
	s0 =	simm.s32 @p1 $0x1  }
0x15: {  	[smem:$0x3FB6] =	sst s0;
	s0 =	simm.s32 @!p2 $0x0  }
0x16: {  	s3 =	sld [smem:$0x3FDB];
	s0 =	simm.s32 @p2 $0x1  }
0x17: {  	s4 =	simm.s32 $0x1BF5;
	[smem:$0x3FB8] =	sst s0  }
0x18: {  	s0 =	sld [smem:$0x3F9B];
	_ =	swait.ge [sflag:s4], $0x0  }
0x19: {  	s7 =	sld [smem:$0x3F9C]  }
0x1a: {  	s8 =	sadd.s32 $0xFFFFE003, lr  }
0x1b: {  	s9 =	sadd.s32 $0xFFFFFEF7, lr;
	s5 =	simm.s32 $0xFFFFFFFF;
	p2 =	slt.u32 s8, $0xFFFFF086  }
0x1c: {  	p1 =	slt.u32 s9, $0xF7A;
	s5 =	simm.s32 @!p2 $0x0  }
0x1d: {  	s5 =	simm.s32 @p1 $0x1;
	p0 =	seq.s32 s7, s2  }
0x1e: {  	s7 =	smul.u32 @!p0 $0xF7A, s2;
	p2 =	seq.s32 @!p0 s5, $0x0  }
0x1f: {  	s9 =	smul.u32 $0xF7A, s1;
	s8 =	simm.s32 @!p0 $0x1BF5;
	p2 =	por !p2, p0  }
0x20: {  	[sflag:s8] =	ssyncset.s32 @!p0 $0xFFFFF086;
	s6 =	sadd.s32 @!p0 s3, s7;
	s7 =	simm.s32 @!p0 $0x108  }
0x21: {  	s3 =	sadd.s32 s3, s9;
	s6 =	sadd.s32 @!p0 $0x88, s6;
	s7 =	simm.s32 @p2 $0x1082  }
0x22: {  	[simem:s7], [sflag:s8] =	dma.local @!p0 [hbm:s6], $0xF7A  }
0x23: {  	s9 =	sor.u32 $0xD0000000, s2;
	s6 =	simm.s32 $0x108;
	_ =	swait.ge @!p0 [sflag:s8], $0x0  }
0x24: {  	s3 =	sadd.s32 $0x88, s3;
	s6 =	simm.s32 @!p1 $0x1082;
	[sflag:s4] =	ssyncset.s32 $0xFFFFF086  }
0x25: {  	[simem:s6], [sflag:s4] =	dma.local [hbm:s3], $0xF7A  }
0x26: {  	[smem:$0x3F9C] =	sst s1;
	(tag) =	ssettag s2;
	_ =	strace s9  }
0x27: {  	s1 =	sld [smem:$0x3FAC]  }
0x28: {  	s2 =	sld [smem:$0x3FAD]  }
0x29: {  	s4 =	sld [smem:$0x3FAF]  }
0x2a: {  	p0 =	seq.s32 s5, $0x0;
	s5 =	sld [smem:$0x3FB0]  }
0x2b: {  	s6 =	sld [smem:$0x3FB1]  }
0x2c: {  	s7 =	sld [smem:$0x3FB2]  }
0x2d: {  	s3 =	simm.s32 $0x108;
	s8 =	sld [smem:$0x3FB3]  }
0x2e: {  	s3 =	simm.s32 @!p0 $0x1082;
	s9 =	sld [smem:$0x3FB4]  }
0x2f: {  	lr =	sadd.s32 s0, s3;
	s0 =	sld [smem:$0x3FAB]  }
0x30: {  	s3 =	sld [smem:$0x3FAE]  }
0x31: {  	[smem:$0x3FB7] =	sst s10  }
0x32: {  	s10 =	sld [smem:$0x3FB5];
	_ =	sdelay $0x3  }
0x33: {  	p0 =	seq.s32 s10, $0x1;
	s10 =	sld [smem:$0x3FB7];
	_ =	sdelay $0x3  }
0x34: {  	[smem:$0x3FB7] =	sst s10  }
0x35: {  	s10 =	sld [smem:$0x3FB6];
	_ =	sdelay $0x3  }
0x36: {  	p1 =	seq.s32 s10, $0x1;
	s10 =	sld [smem:$0x3FB7];
	_ =	sdelay $0x3  }
0x37: {  	[smem:$0x3FB7] =	sst s10  }
0x38: {  	s10 =	sld [smem:$0x3FB8]  }
0x39: {  	_ = 	snop;
	(pc) =	sbr.ind lr, $3  }
0x3a: {  	_ = 	snop  }
0x3b: {  	_ = 	snop  }
0x3c: {  	p2 =	seq.s32 s10, $0x1;
	s10 =	sld [smem:$0x3FB7]  }
0x3d: {  	_ =	shalt  }
0x3e: {  	_ =	shalt  }
0x3f: {  	_ =	shalt  }
0x40: {  	_ =	shalt  }
0x41: {  	_ =	shalt  }
0x42: {  	_ =	shalt  }
0x43: {  	_ =	shalt  }
0x44: {  	_ =	shalt  }
0x45: {  	_ =	shalt  }
0x46: {  	_ =	shalt  }
0x47: {  	_ =	shalt  }
0x48: {  	_ =	shalt  }
0x49: {  	_ =	shalt  }
0x4a: {  	_ =	shalt  }
0x4b: {  	_ =	shalt  }
0x4c: {  	_ =	shalt  }
0x4d: {  	_ =	shalt  }
0x4e: {  	_ =	shalt  }
0x4f: {  	_ =	shalt  }
0x50: {  	_ =	shalt  }
0x51: {  	_ =	shalt  }
0x52: {  	_ =	shalt  }
0x53: {  	_ =	shalt  }
0x54: {  	_ =	shalt  }
0x55: {  	_ =	shalt  }
0x56: {  	_ =	shalt  }
0x57: {  	_ =	shalt  }
0x58: {  	_ =	shalt  }
0x59: {  	_ =	shalt  }
0x5a: {  	_ =	shalt  }
0x5b: {  	_ =	shalt  }
0x5c: {  	_ =	shalt  }
0x5d: {  	_ =	shalt  }
0x5e: {  	_ =	shalt  }
0x5f: {  	_ =	shalt  }
0x60: {  	_ =	shalt  }
0x61: {  	_ =	shalt  }
0x62: {  	_ =	shalt  }
0x63: {  	_ =	shalt  }
0x64: {  	_ =	shalt  }
0x65: {  	_ =	shalt  }
0x66: {  	_ =	shalt  }
0x67: {  	_ =	shalt  }
0x68: {  	_ =	shalt  }
0x69: {  	_ =	shalt  }
0x6a: {  	_ =	shalt  }
0x6b: {  	_ =	shalt  }
0x6c: {  	_ =	shalt  }
0x6d: {  	_ =	shalt  }
0x6e: {  	_ =	shalt  }
0x6f: {  	_ =	shalt  }
0x70: {  	_ =	shalt  }
0x71: {  	_ =	shalt  }
0x72: {  	_ =	shalt  }
0x73: {  	_ =	shalt  }
0x74: {  	_ =	shalt  }
0x75: {  	_ =	shalt  }
0x76: {  	_ =	shalt  }
0x77: {  	_ =	shalt  }
0x78: {  	_ =	shalt  }
0x79: {  	_ =	shalt  }
0x7a: {  	_ =	shalt  }
0x7b: {  	_ =	shalt  }
0x7c: {  	_ =	shalt  }
0x7d: {  	_ =	shalt  }
0x7e: {  	_ =	shalt  }
0x7f: {  	_ =	shalt  }
0x80: {  	_ =	shalt  }
0x81: {  	_ =	shalt  }
0x82: {  	_ =	shalt  }
0x83: {  	_ =	shalt  }
0x84: {  	_ =	shalt  }
0x85: {  	_ =	shalt  }
0x86: {  	_ =	shalt  }
0x87: {  	_ =	shalt  }
.Lfunc_end0:
.L_simem_size_0:
called_computation_lowered:
.L_overlay_start_0:
0x88: {  	s0 =	sld [smem:$0x3FD9]  }
0x89: {  	s1 =	sld [smem:$0x3FFE];
	_ =	sdelay $0x3  }
0x8a: {  	s0 =	sadd.s32 s1, s0  }
0x8b: {  	[smem:$0x3FC3] =	sst s0  }
0x8c: {  	_ = 	snop  }
0x8d: {  	s0 =	sld [smem:$0x3FD0];
	_ =	sdelay $0x2  }
0x8e: {  	s13 =	simm.s32 $0xA;
	s2 =	simm.s32 $0x10  }
0x8f: {  	[smem:s2], [sflag:s13] =	dma.local [hbm:s0], $0x1  }
0x90: {  	_ =	swait.eq [sflag:s13], $0x1  }
0x91: {  	[sflag:s13] =	ssyncset.done $0x0  }
0x92: {  	[sflag:s13] =	ssyncadd.s32 $0xFFFFFFFF  }
0x93: {  	s14 =	sld [smem:$0x11];
	(tm) =	ssettm $0x1  }
0x94: {  	s15 =	sld [smem:$0x3FFB];
	_ =	sdelay $0x3  }
0x95: {  	_ =	strace s15  }
0x96: {  	s1 =	sld [smem:$0x3FFC];
	_ =	sdelay $0x3  }
0x97: {  	_ =	strace s1  }
0x98: {  	s1 =	sld [smem:$0x3FFD];
	_ =	sdelay $0x3  }
0x99: {  	_ =	strace s1  }
0x9a: {  	_ =	strace $0x8FFFFFFF  }
0x9b: {  	s16 =	sld [smem:$0x3FDB];
	_ =	sdelay $0x1  }
0x9c: {  	s17 =	simm.s32 $_scs_section_size  }
0x9d: {  	s3 =	simm.s32 $_size__tile_overlayer_lowered;
	s4 =	simm.s32 $_tile_overlayer_lowered  }
0x9e: {  	s20 =	simm.s32 $0x1BFF;
	s19 =	sshll.u32 s4, $0x1;
	s1 =	sadd.s32 s17, s16  }
0x9f: {  	s5 =	simm.s32 $0x0;
	s18 =	sshll.u32 s3, $0x1;
	s3 =	sadd.s32 s19, s1  }
0xa0: {  	[timem:s5], [sflag:s20] =	dma.local [hbm:s3], s18  }
0xa1: {  	_ =	swait.ge [sflag:s20], s18  }
0xa2: {  	s2 =	ssub.s32 $0x0, s18;
	[sflag:s20] =	ssyncset.done $0x0  }
0xa3: {  	[sflag:s20] =	ssyncadd.s32 s2;
	_ =	sdelay $0x1  }
0xa4: {  	s21 =	simm.s32 $0x1B8B  }
0xa5: {  	_ =	swait.ge [sflag:s21], $0x1  }
0xa6: {  	[sflag:s21] =	ssyncset.done $0x0  }
0xa7: {  	s23 =	simm.s32 $0x1B8E;
	s22 =	sld [smem:$0x3FFE];
	[sflag:s21] =	ssyncadd.s32 $0xFFFFFFFF  }
0xa8: {  	s24 =	simm.s32 $execute0_lowered;
	[smem:$0x3FD2] =	sst s23  }
0xa9: {  	s3 =	sshll.u32 s24, $0x1;
	_ =	strace $0x80000051;
	[dreg:$0x1] =	wrdreg $0xFFFFFFFF  }
0xaa: {  	s25 =	simm.s32 $_size_execute0_lowered;
	s1 =	sadd.s32 s1, s3;
	[dreg:$0x0] =	wrdreg $0x0  }
0xab: {  	s3 =	sshll.u32 s25, $0x1;
	[dreg:$0x2] =	wrdreg s1  }
0xac: {  	[dreg:$0x3] =	wrdreg s3  }
0xad: {  	[dreg:$0x4] =	wrdreg $0xC0  }
0xae: {  	_ =	task [dreg:s5], $0x5FFFF  }
0xaf: {  	[dreg:$0x1] =	wrdreg $0xFFFFFFFF  }
0xb0: {  	[dreg:$0x0] =	wrdreg $0x60  }
0xb1: {  	[dreg:$0x2] =	wrdreg s22  }
0xb2: {  	[dreg:$0x3] =	wrdreg s14  }
0xb3: {  	[dreg:$0x4] =	wrdreg $0x9  }
0xb4: {  	_ =	task.clear_ibuf [dreg:s5], $0x5FFFF;
	_ =	strace $0x90000051  }
0xb5: {  	s26 =	simm.s32 $0x9;
	_ =	strace $0x80000053  }
0xb6: {  	_ =	swait.ge [sflag:s26], $0x1  }
0xb7: {  	[sflag:s26] =	ssyncadd.s32 $0xFFFFFFFF  }
0xb8: {  	_ =	strace $0x90000053  }
0xb9: {  	_ =	sfence  }
0xba: {  	s28 =	sld [smem:$0x0];
	_ =	sdelay $0x1  }
0xbb: {  	s29 =	srdreg.scid  }
0xbc: {  	s30 =	sshll.u32 s29, $0xD;
	s31 =	sshrl.u32 s29, $0x2  }
0xbd: {  	s2 =	sand.u32 $0x4000, s30;
	s1 =	sand.u32 $0x1, s29;
	s0 =	sadd.s32 s31, s28  }
0xbe: {  	s1 =	sor.u32 s2, s1;
	s0 =	sshll.u32 s0, $0x11  }
0xbf: {  	s0 =	sor.u32 s0, s1  }
0xc0: {  	s0 =	sadd.s32 $0x8F2B, s0  }
0xc1: {  	[sflag:s0] =	ssyncadd.remote.s32 $0x1  }
0xc2: {  	_ =	sfence.sel $0xFFFF  }
0xc3: {  	[dreg:$0x0] =	wrdreg $0xFFFFFFFF;
	(pc) =	sbr.abs _section_cstart, $3  }
0xc4: {  	[dreg:$0x1] =	wrdreg $0xFFFFFFFF  }
0xc5: {  	_ =	task.clear_ibuf [dreg:s5], $0x2FFFF;
	_ =	strace $0x9FFFFFFF  }
0xc6: {  	(tm) =	ssettm $0x7FFFFFFF  }
0xc7: {  	_ =	shalt  }
tec
execute0_lowered:
.L_overlay_start_1:
0x0: {  	(tag) =	ssettag $0x1  }
0x1: {  	s0 =	rddreg [dreg:$0x0]  }
0x2: {  	s29 =	rddreg [dreg:$0x1];
	_ =	strace $0x80000052;
	s1 =	simm.s32 $0x1  }
0x3: {  	s8 =	simm.s32 $0x108;
	v0 =	vimm.s32 $0x0;
	[sflag:s1] =	ssyncpa.u1 $0x0  }
0x4: {  	[tilespmem:s8+$0x70] =	vst v0  }
0x5: {  	[tilespmem:s8+$0x60] =	vst v0  }
0x6: {  	[tilespmem:s8+$0x50] =	vst v0  }
0x7: {  	[tilespmem:s8+$0x40] =	vst v0  }
0x8: {  	[tilespmem:s8+$0x30] =	vst v0  }
0x9: {  	s2 =	simm.s32 $0x40;
	[tilespmem:s8+$0x20] =	vst v0  }
0xa: {  	s1 =	sadd.s32 $0x59A00, s0;
	s4 =	sadd.s32 $0x31E00, s0;
	s5 =	sadd.s32 $0x45C00, s0;
	[tilespmem:s8+$0x10] =	vst v0  }
.LBB2_1:
0xb: {  	s2 =	sadd.s32 $0x40, s2;
	[tilespmem:s8+$0x0] =	vst v0;
	s8 =	sadd.s32 $0x80, s8  }
0xc: {  	p0 =	slt.u32 s2, $0x3C40;
	[tilespmem:s8+$0x70] =	vst v0  }
0xd: {  	[tilespmem:s8+$0x60] =	vst v0  }
.Ltmp0:
0xe: {  	[tilespmem:s8+$0x50] =	vst v0;
	(pc) =	sbr.rel @p0 .LBB2_1-.Ltmp0, $4  }
0xf: {  	[tilespmem:s8+$0x40] =	vst v0  }
0x10: {  	[tilespmem:s8+$0x30] =	vst v0  }
0x11: {  	[tilespmem:s8+$0x20] =	vst v0  }
0x12: {  	[tilespmem:s8+$0x10] =	vst v0  }
0x13: {  	s3 =	stileid.u32  }
0x14: {  	s0 =	smul.u32 $0xA9, s3  }
0x15: {  	s2 =	smin.u32 s3, $0x5  }
0x16: {  	s0 =	sadd.s32 s2, s0  }
0x17: {  	p0 =	slt.u32 s3, $0x5;
	s6 =	smul.u32 $0xF0, s0;
	s0 =	simm.s32 $0x9F60  }
0x18: {  	s0 =	simm.s32 @!p0 $0x9E70  }
0x19: {  	s0 =	sadd.s32 s0, s6  }
0x1a: {  	s7 =	smin.u32 s0, $0x9EB10  }
0x1b: {  	s0 =	ssub.s32 s7, s6  }
0x1c: {  	p0 =	sgt.s32 s0, $0x0  }
0x1d: {  	s0 =	simm.s32 @!p0 $0x0  }
0x1e: {  	s31 =	smulhi.u32 $0x88888889, s0  }
0x1f: {  	s30 =	simm.s32 $0x2;
	s9 =	simm.s32 $0x7;
	s10 =	simm.s32 $0x8  }
0x20: {  	s19 =	simm.s32 $0x0;
	s15 =	simm.s32 $0xA;
	s2 =	sshrl.u32 s31, $0x7  }
0x21: {  	s17 =	simm.s32 $0x0;
	s18 =	simm.s32 $0x0;
	s11 =	smul.u32 $0xF0, s2  }
.Ltmp1:
0x22: {  	[tilespmem:s8+$0x0] =	vst v0;
	v0 =	vimm.s32 $0xFFFFFFFF;
	[sflag:s30] =	ssyncpa.u1 $0x0;
	s13 =	sshll.u32 s3, $0x8;
	(pc) =	sbr.rel .LBB2_3-.Ltmp1, $4  }
0x23: {  	[tilespmem:$0xF208] =	vst v0;
	[sflag:s9] =	ssyncpa.u1 $0x0;
	p0 =	sne.s32 s0, s11;
	s0 =	simm.s32 $0x1  }
0x24: {  	[sflag:s10] =	ssyncpa.u1 $0x0;
	s10 =	simm.s32 $0x9;
	s0 =	simm.s32 @!p0 $0x0  }
0x25: {  	[sflag:s10] =	ssyncpa.u1 $0x0;
	s16 =	smov.u32 s6;
	s12 =	sadd.s32 s0, s2  }
0x26: {  	v0 =	vlaneseq.u32;
	s11 =	simm.s32 $0x1;
	p0 =	por $0x0, $0x0;
	s14 =	sadd.s32 $0x1, s12  }
.LBB2_18:
0x27: {  	s0 =	sshrl.u32 s28, $0x2  }
.LBB2_20:
0x28: {  	_ =	swait.ge [sflag:s15], s0  }
0x29: {  	s31 =	ssub.s32 $0x0, s0;
	v1 =	vmov s21;
	vm0 =	veq.s32 v0, $0x0;
	[sflag:s15] =	ssyncset.done $0x0  }
0x2a: {  	vm15 =	veq.s32 v0, $0x2;
	v1 =	vsel vm0, s26, v1;
	[sflag:s15] =	ssyncadd.s32 s31  }
0x2b: {  	v1 =	vsel vm15, s19, v1;
	[sflag:s15] =	ssyncpa.u1 $0x1  }
0x2c: {  	[tilespmem:$0xF208] =	vst v1  }
.LBB2_21:
0x2d: {  	s0 =	sadd.s32 $0xF0, s16  }
0x2e: {  	s2 =	smov.u32 s6;
	p1 =	slt.s32 s0, s7  }
0x2f: {  	s2 =	smov.u32 @p1 s0;
	p1 =	sne.s32 s18, s14  }
.Ltmp2:
0x30: {  	_ = 	snop;
	(pc) =	sbr.rel @!p1 .LBB2_22-.Ltmp2, $3  }
0x31: {  	_ =	sdelay $0x1  }
0x32: {  	s19 =	smov.u32 s17;
	s31 =	sadd.s32 $0x1, s18;
	s17 =	smov.u32 s16  }
0x33: {  	p0 =	por !p0, !p0;
	s18 =	smov.u32 s31;
	s16 =	smov.u32 s2  }
.LBB2_3:
0x34: {  	p1 =	sge.u32 s18, s12  }
0x35: {  	s0 =	smulhi.u32 @!p1 $0xAAAAAAAB, s18  }
0x36: {  	s2 =	smov.u32 s16;
	p2 =	sgt.s32 @!p1 s16, $0x9EA20  }
0x37: {  	s20 =	sshra.s32 @!p1 s16, $0x1F;
	p2 =	por !p2, p1;
	s0 =	sshrl.u32 @!p1 s0, $0x1  }
0x38: {  	s20 =	sand.u32 @!p1 s20, s16;
	s2 =	simm.s32 @p2 $0x9EA20;
	s0 =	smul.u32 @!p1 $0x3, s0  }
0x39: {  	s2 =	ssub.s32 @!p1 s2, s20  }
0x3a: {  	s2 =	sadd.s32 @!p1 $0xFFF615E0, s2;
	s0 =	ssub.s32 @!p1 s18, s0  }
0x3b: {  	s20 =	sshll.u32 @!p1 s2, $0x2;
	p2 =	sgt.s32 @!p1 s2, $0xEF;
	s0 =	smul.u32 @!p1 $0x3C0, s0  }
0x3c: {  	s21 =	sand.u32 @!p1 $0x7, s16;
	s2 =	ssub.s32 @!p1 $0x3C0, s20;
	p2 =	por !p2, p1  }
0x3d: {  	s20 =	sshrl.u32 @!p1 s16, $0x3;
	s2 =	sshrl.u32 @!p1 s2, $0x2;
	s0 =	sshrl.u32 @!p1 s0, $0x2  }
0x3e: {  	s20 =	sadd.s32 @!p1 s5, s20;
	s2 =	simm.s32 @!p2 $0x0;
	s0 =	sadd.s32 @!p1 $0x10238, s0  }
0x3f: {  	[tilespmem:s0], [sflag:$0x8] =	stream.linear.gather @!p1 [hbm4b:s20+s21], s2, $0x38;
	[tilespmem:$0x1F6E8] =	vst v63  }
0x40: {  	s0 =	sadd.s32 $0xFFFFFFFF, s18  }
0x41: {  	p1 =	sge.u32 s0, s12  }
0x42: {  	p2 =	sgt.s32 @!p1 s17, $0x9EA20  }
0x43: {  	s2 =	smov.u32 s17;
	s20 =	sshra.s32 @!p1 s17, $0x1F;
	p2 =	por !p2, p1  }
0x44: {  	s20 =	sand.u32 @!p1 s20, s17;
	s2 =	simm.s32 @p2 $0x9EA20  }
0x45: {  	s2 =	ssub.s32 @!p1 s2, s20  }
0x46: {  	s2 =	sadd.s32 @!p1 $0xFFF615E0, s2  }
0x47: {  	s21 =	sand.u32 @!p1 $0x1, s0;
	s20 =	sshll.u32 @!p1 s2, $0x2  }
0x48: {  	p2 =	sgt.s32 @!p1 s2, $0xEF;
	s2 =	ssub.s32 @!p1 $0x3C0, s20;
	s20 =	smulhi.u32 @!p1 $0xAAAAAAAB, s0  }
0x49: {  	s23 =	smul.u32 @!p1 $0x3C0, s21;
	p2 =	por !p2, p1;
	s2 =	sshrl.u32 @!p1 s2, $0x2  }
0x4a: {  	s22 =	simm.s32 @!p1 $0x8;
	s2 =	simm.s32 @!p2 $0x0;
	s20 =	sshrl.u32 @!p1 s20, $0x1  }
0x4b: {  	s23 =	sshrl.u32 @!p1 s23, $0x2;
	_ =	swait.ge @!p1 [sflag:s22], s2;
	s20 =	smul.u32 @!p1 $0x3, s20  }
0x4c: {  	s23 =	sor.u32 @!p1 $0x10508, s23;
	s24 =	ssub.s32 @!p1 $0x0, s2;
	[sflag:s22] =	ssyncset.done @!p1 $0x0  }
0x4d: {  	[sflag:s22] =	ssyncadd.s32 @!p1 s24;
	s22 =	sshrl.u32 @!p1 s17, $0x3;
	s0 =	ssub.s32 @!p1 s0, s20  }
0x4e: {  	s24 =	sand.u32 @!p1 $0x7, s17;
	s22 =	sadd.s32 @!p1 s4, s22;
	s0 =	smul.u32 @!p1 $0x3C0, s0  }
0x4f: {  	[tilespmem:s23], [sflag:$0x9] =	stream.linear.gather @!p1 [hbm4b:s22+s24], s2, $0x38;
	[tilespmem:$0x1F6E8] =	vst v63  }
0x50: {  	s20 =	ssub.s32 @!p1 $0x9EB10, s17;
	s2 =	smul.u32 @!p1 $0x1E000, s21  }
0x51: {  	p2 =	slt.s32 @!p1 s20, $0xF0  }
0x52: {  	p2 =	por !p2, p1;
	s0 =	sshrl.u32 @!p1 s0, $0x2;
	s2 =	sshrl.u32 @!p1 s2, $0x2  }
0x53: {  	s20 =	simm.s32 @p2 $0xF0;
	s0 =	sadd.s32 @!p1 $0x10238, s0;
	s2 =	sor.u32 @!p1 $0x106E8, s2  }
0x54: {  	[tilespmem:s2], [sflag:$0x7] =	stream.indirect.gather @!p1 [hbm4b:s29+s20], $0x80, s0, s20, $0xb8;
	[tilespmem:$0x1F6E8] =	vst v63  }
0x55: {  	p1 =	slt.u32 s18, $0x2  }
.Ltmp3:
0x56: {  	_ = 	snop;
	(pc) =	sbr.rel @p1 .LBB2_21-.Ltmp3, $1  }
0x57: {  	_ =	sdelay $0x3  }
0x58: {  	p1 =	sgt.s32 s19, $0x9EA20;
	s0 =	smov.u32 s19  }
0x59: {  	s2 =	sshra.s32 s19, $0x1F;
	s20 =	ssub.s32 $0x9EB10, s19;
	s0 =	simm.s32 @!p1 $0x9EA20  }
0x5a: {  	s2 =	sand.u32 s2, s19;
	p1 =	slt.s32 s20, $0xF0;
	s21 =	smov.u32 s20  }
0x5b: {  	s0 =	ssub.s32 s0, s2;
	s21 =	simm.s32 @!p1 $0xF0  }
0x5c: {  	s0 =	sadd.s32 $0xFFF615E0, s0;
	s26 =	sshll.u32 s21, $0x7  }
0x5d: {  	s28 =	sshll.u32 s0, $0x2;
	s2 =	sand.u32 $0x3FFFFF80, s26  }
0x5e: {  	p1 =	sgt.s32 s0, $0xEF;
	s30 =	ssub.s32 $0x3C0, s28;
	_ =	swait.ge [sflag:s9], s2  }
0x5f: {  	s2 =	ssub.s32 $0x0, s2;
	[sflag:s9] =	ssyncset.done $0x0;
	s0 =	sshrl.u32 s30, $0x2  }
0x60: {  	[sflag:s9] =	ssyncadd.s32 s2;
	s0 =	simm.s32 @p1 $0x0  }
0x61: {  	_ =	swait.ge [sflag:s10], s0  }
0x62: {  	s0 =	ssub.s32 $0x0, s0;
	[sflag:s10] =	ssyncset.done $0x0  }
0x63: {  	[sflag:s10] =	ssyncadd.s32 s0  }
0x64: {  	v1 =	vld [tilespmem:$0xF208];
	_ =	sdelay $0x4  }
0x65: {  	(v2sf) =	vpush v1, $0x0  }
0x66: {  	(v2sf) =	vpush v1, $0x1  }
0x67: {  	(v2sf) =	vpush v1, $0x2;
	_ =	sdelay $0x3  }
0x68: {  	s0 =	sadd.s32 $0xF0, s19  }
0x69: {  	p1 =	slt.s32 s7, s0  }
0x6a: {  	s0 =	smov.u32 @p1 s7;
	p1 =	sgt.s32 s20, $0x0  }
0x6b: {  	s23 =	ssub.s32 s0, s19;
	s20 =	simm.s32 @!p1 $0x0  }
0x6c: {  	p1 =	slt.s32 s20, s23  }
0x6d: {  	s23 =	smov.u32 @p1 s20  }
0x6e: {  	s22 =	simm.s32 $0x1;
	p1 =	slt.s32 s23, $0x1  }
.Ltmp4:
0x6f: {  	s22 =	simm.s32 @!p0 $0x0;
	(pc) =	sbr.rel @p1 .LBB2_8-.Ltmp4, $4  }
0x70: {  	s31 =	smul.u32 $0x3C0, s22  }
0x71: {  	s24 =	spop (v2sf)  }
0x72: {  	s0 =	sshrl.u32 s31, $0x2;
	s26 =	spop (v2sf)  }
0x73: {  	s20 =	sor.u32 $0x10508, s0;
	s19 =	spop (v2sf)  }
0x74: {  	s0 =	smin.u32 s23, $0x10  }
0x75: {  	v1 =	vmov s0  }
0x76: {  	p2 =	sgt.s32 s23, $0x10;
	vm1 =	vgt.u32 v1, v0  }
.Ltmp5:
0x77: {  	_ = 	snop;
	(pc) =	sbr.rel @!p2 .LBB2_7-.Ltmp5, $2  }
0x78: {  	_ =	sdelay $0x2  }
0x79: {  	s25 =	simm.s32 $0x10;
	s28 =	sadd.s32 $0xFFFFFFF0, s23;
	s21 =	smov.u32 s20;
	vm0 =	vmmov vm1  }
.LBB2_6:
0x7a: {  	s0 =	smin.u32 s28, $0x10;
	s25 =	sadd.s32 $0x10, s25;
	v1 =	vld.msk [tilespmem:s21+$0x0 ss:$0x1], vm1  }
0x7b: {  	v2 =	vmov s0;
	p2 =	slt.s32 s25, s23  }
0x7c: {  	vm1 =	vgt.u32 v2, v0  }
.Ltmp6:
0x7d: {  	(pc) =	sbr.rel @p2 .LBB2_6-.Ltmp6, $3  }
0x7e: {  	_ =	sdelay $0x1  }
0x7f: {  	v1 =	vshll.u32 v1, $0x4  }
0x80: {  	s28 =	sadd.s32 $0xFFFFFFF0, s28;
	[tilespmem:s21+$0x0] =	vst.msk vm0, v1;
	s21 =	sadd.s32 $0x10, s21;
	vm0 =	vmmov vm1  }
.LBB2_7:
0x81: {  	_ =	sdelay $0x4  }
0x82: {  	v1 =	vld.msk [tilespmem:s21+$0x0 ss:$0x1], vm1;
	_ =	sdelay $0x4  }
0x83: {  	v1 =	vshll.u32 v1, $0x4  }
0x84: {  	[tilespmem:s21+$0x0] =	vst.msk vm0, v1  }
.LBB2_8:
0x85: {  	s0 =	sand.u32 $0x1, s18  }
0x86: {  	s0 =	smul.u32 $0xF0, s0  }
0x87: {  	p2 =	sne.s32 s26, $0xFFFFFFFF  }
0x88: {  	v1 =	vld.msk @!p2 [tilespmem:s0+$0x10508], $0x1;
	_ =	sdelay $0x4  }
0x89: {  	(v2sf) =	vpush @!p2 v1, $0x0;
	_ =	sdelay $0xc  }
.Ltmp7:
0x8a: {  	_ = 	snop;
	(pc) =	sbr.rel @p1 .LBB2_19-.Ltmp7, $4  }
0x8b: {  	_ = 	snop  }
0x8c: {  	s25 =	spop @!p2 (v2sf)  }
0x8d: {  	s19 =	simm.s32 @!p2 $0x0;
	s21 =	smov.u32 s25  }
0x8e: {  	[sflag:s15] =	ssyncpa.u1 $0x0;
	s25 =	smov.u32 @p2 s24;
	s21 =	smov.u32 @p2 s26  }
0x8f: {  	v1 =	vld.msk [tilespmem:s20+$0x0], $0x1;
	_ =	sdelay $0x4  }
0x90: {  	(v2sf) =	vpush v1, $0x0;
	_ =	sdelay $0xe  }
0x91: {  	s8 =	smov.u32 s29;
	s0 =	smul.u32 $0x1E000, s22;
	s29 =	spop (v2sf)  }
0x92: {  	s23 =	ssub.s32 $0x0, s23;
	p1 =	seq.s32 s25, s29  }
0x93: {  	s26 =	sadd.s32 $0x1, s23;
	s0 =	sshrl.u32 s0, $0x2;
	p2 =	sgt.s32 @!p1 s25, $0x0  }
0x94: {  	s22 =	sor.u32 $0x10728, s0;
	s0 =	smov.u32 s25;
	p2 =	por !p2, p1  }
0x95: {  	s0 =	simm.s32 @p2 $0x0;
	p2 =	seq.s32 s26, $0x0  }
.Ltmp8:
0x96: {  	_ = 	snop;
	(pc) =	sbr.rel @p2 .LBB2_11-.Ltmp8, $4  }
0x97: {  	_ = 	snop  }
0x98: {  	s24 =	simm.s32 $0x0;
	s28 =	sadd.s32 $0x1, s20;
	s0 =	smin.u32 @!p1 s0, $0x9EBFF0  }
0x99: {  	s30 =	simm.s32 @!p1 $0x1;
	s31 =	simm.s32 @!p1 $0x7988;
	s2 =	sand.u32 @!p1 $0xFFFFF8, s0  }
0x9a: {  	s30 =	smov.u32 @p1 s24;
	s0 =	sand.u32 @!p1 $0x7, s0;
	s2 =	sadd.s32 @!p1 s1, s2  }
.LBB2_10:
0x9b: {  	s3 =	smov.u32 s30  }
0x9c: {  	[tilespmem:s31], [sflag:$0x2] =	stream.linear.gather @!p1 [hbm4b:s2+s0], $0x80, $0x38;
	[tilespmem:$0x1F6E8] =	vst v63  }
0x9d: {  	s26 =	sadd.s32 $0x1, s26;
	s0 =	smov.u32 s29;
	v1 =	vld.msk [tilespmem:s28+$0x0], $0x1  }
0x9e: {  	p2 =	seq.s32 s26, $0x0;
	_ =	sdelay $0x3  }
0x9f: {  	(v2sf) =	vpush v1, $0x0;
	_ =	sdelay $0xe  }
0xa0: {  	s29 =	spop (v2sf)  }
0xa1: {  	p1 =	seq.s32 s0, s29  }
0xa2: {  	p3 =	sgt.s32 @!p1 s0, $0x0;
	s2 =	sshll.u32 @!p1 s30, $0x9;
	s30 =	sadd.s32 @!p1 $0x1, s30  }
.Ltmp9:
0xa3: {  	p3 =	por !p3, p1;
	s2 =	sshra.s32 @!p1 s2, $0x2;
	(pc) =	sbr.rel @!p2 .LBB2_10-.Ltmp9, $4  }
0xa4: {  	s30 =	smov.u32 @p1 s3;
	s0 =	simm.s32 @p3 $0x0;
	s31 =	sadd.s32 @!p1 $0x7988, s2  }
0xa5: {  	s0 =	smin.u32 @!p1 s0, $0x9EBFF0  }
0xa6: {  	s2 =	sand.u32 @!p1 $0xFFFFF8, s0;
	s0 =	sand.u32 @!p1 $0x7, s0  }
0xa7: {  	s28 =	sadd.s32 $0x1, s28;
	s2 =	sadd.s32 @!p1 s1, s2  }
.LBB2_11:
0xa8: {  	[tilespmem:s31], [sflag:$0x2] =	stream.linear.gather @!p1 [hbm4b:s2+s0], $0x80, $0x38;
	[tilespmem:$0x1F6E8] =	vst v63  }
.Ltmp10:
0xa9: {  	s30 =	sshll.u32 s30, $0x7;
	(pc) =	sbr.rel .LBB2_12-.Ltmp10, $4  }
0xaa: {  	s31 =	simm.s32 $0x2;
	s0 =	sand.u32 $0x3FFFFF80, s30  }
0xab: {  	_ =	swait.ge [sflag:s31], s0  }
0xac: {  	s0 =	ssub.s32 $0x0, s0;
	[sflag:s31] =	ssyncset.done $0x0  }
0xad: {  	s28 =	simm.s32 $0x0;
	s29 =	smov.u32 s8;
	[sflag:s31] =	ssyncadd.s32 s0  }
.LBB2_13:
0xae: {  	v1 =	vld [tilespmem:s22+$0xFFFFFFC0];
	_ =	sdelay $0x3  }
0xaf: {  	s0 =	sshra.s32 s0, $0x2  }
0xb0: {  	[tilespmem:s0+$0x108] =	vst.add.f32.msk $0xffff, v1  }
0xb1: {  	v1 =	vld [tilespmem:s22+$0xFFFFFFD0];
	_ =	sdelay $0x4  }
0xb2: {  	[tilespmem:s0+$0x118] =	vst.add.f32.msk $0xffff, v1  }
0xb3: {  	v1 =	vld [tilespmem:s22+$0xFFFFFFE0];
	_ =	sdelay $0x4  }
0xb4: {  	[tilespmem:s0+$0x128] =	vst.add.f32.msk $0xffff, v1  }
0xb5: {  	v1 =	vld [tilespmem:s22+$0xFFFFFFF0];
	_ =	sdelay $0x4  }
0xb6: {  	[tilespmem:s0+$0x138] =	vst.add.f32.msk $0xffff, v1  }
0xb7: {  	v1 =	vld [tilespmem:s22+$0x0];
	_ =	sdelay $0x4  }
0xb8: {  	[tilespmem:s0+$0x148] =	vst.add.f32.msk $0xffff, v1  }
0xb9: {  	v1 =	vld [tilespmem:s22+$0x10];
	_ =	sdelay $0x4  }
0xba: {  	[tilespmem:s0+$0x158] =	vst.add.f32.msk $0xffff, v1  }
0xbb: {  	v1 =	vld [tilespmem:s22+$0x20];
	_ =	sdelay $0x4  }
0xbc: {  	[tilespmem:s0+$0x168] =	vst.add.f32.msk $0xffff, v1  }
0xbd: {  	v1 =	vld [tilespmem:s22+$0x30];
	_ =	sdelay $0x4  }
0xbe: {  	[tilespmem:s0+$0x178] =	vst.add.f32.msk $0xffff, v1  }
.LBB2_17:
0xbf: {  	s23 =	sadd.s32 $0x1, s23  }
0xc0: {  	p1 =	seq.s32 s23, $0x0  }
.Ltmp11:
0xc1: {  	_ = 	snop;
	(pc) =	sbr.rel @p1 .LBB2_18-.Ltmp11, $2  }
0xc2: {  	_ =	sdelay $0x2  }
0xc3: {  	s20 =	sadd.s32 $0x1, s20;
	s22 =	sadd.s32 $0x80, s22;
	s25 =	smov.u32 s26  }
.LBB2_12:
0xc4: {  	v1 =	vld.msk [tilespmem:s20+$0x0], $0x1;
	_ =	sdelay $0x4  }
0xc5: {  	(v2sf) =	vpush v1, $0x0;
	_ =	sdelay $0xe  }
0xc6: {  	s26 =	spop (v2sf)  }
0xc7: {  	p1 =	sne.s32 s25, s26  }
.Ltmp12:
0xc8: {  	_ = 	snop;
	(pc) =	sbr.rel @!p1 .LBB2_13-.Ltmp12, $2  }
0xc9: {  	_ =	sdelay $0x2  }
0xca: {  	s0 =	sshll.u32 s19, $0x9  }
0xcb: {  	p1 =	seq.s32 s25, s21  }
.Ltmp13:
0xcc: {  	_ = 	snop;
	(pc) =	sbr.rel @!p1 .LBB2_15-.Ltmp13, $1  }
0xcd: {  	_ =	sdelay $0x3  }
0xce: {  	s0 =	sshra.s32 s0, $0x2  }
.Ltmp14:
0xcf: {  	s0 =	sadd.s32 $0x108, s0;
	(pc) =	sbr.rel .LBB2_16-.Ltmp14, $4  }
0xd0: {  	[spmem:s13] =	stream.linear.scatter [tilespmem:s0], [sflag:$0x1], $0x80, $0x38;
	[tilespmem:$0x1F6E8] =	vst v63  }
0xd1: {  	_ =	swait.ge [sflag:s11], $0x80  }
0xd2: {  	[sflag:s11] =	ssyncset.done $0x0  }
0xd3: {  	[sflag:s11] =	ssyncadd.s32 $0xFFFFFF80  }
.LBB2_15:
0xd4: {  	s2 =	sshll.u32 s24, $0x9  }
0xd5: {  	s2 =	sshra.s32 s2, $0x2  }
0xd6: {  	v1 =	vld [tilespmem:s2+$0x7988];
	_ =	sdelay $0x3  }
0xd7: {  	s0 =	sshra.s32 s0, $0x2  }
0xd8: {  	[tilespmem:s0+$0x108] =	vst.add.f32.msk $0xffff, v1  }
0xd9: {  	v1 =	vld [tilespmem:s2+$0x7998];
	_ =	sdelay $0x4  }
0xda: {  	[tilespmem:s0+$0x118] =	vst.add.f32.msk $0xffff, v1  }
0xdb: {  	v1 =	vld [tilespmem:s2+$0x79A8];
	_ =	sdelay $0x4  }
0xdc: {  	[tilespmem:s0+$0x128] =	vst.add.f32.msk $0xffff, v1  }
0xdd: {  	v1 =	vld [tilespmem:s2+$0x79B8];
	_ =	sdelay $0x4  }
0xde: {  	[tilespmem:s0+$0x138] =	vst.add.f32.msk $0xffff, v1  }
0xdf: {  	v1 =	vld [tilespmem:s2+$0x79C8];
	_ =	sdelay $0x4  }
0xe0: {  	[tilespmem:s0+$0x148] =	vst.add.f32.msk $0xffff, v1  }
0xe1: {  	v1 =	vld [tilespmem:s2+$0x79D8];
	_ =	sdelay $0x4  }
0xe2: {  	[tilespmem:s0+$0x158] =	vst.add.f32.msk $0xffff, v1  }
0xe3: {  	v1 =	vld [tilespmem:s2+$0x79E8];
	_ =	sdelay $0x4  }
0xe4: {  	[tilespmem:s0+$0x168] =	vst.add.f32.msk $0xffff, v1  }
0xe5: {  	v1 =	vld [tilespmem:s2+$0x79F8];
	_ =	sdelay $0x2  }
0xe6: {  	p1 =	sgt.u32 s25, $0x9EBFF0  }
0xe7: {  	s2 =	sand.u32 @!p1 $0xFFFFF8, s25  }
0xe8: {  	s3 =	sadd.s32 $0x108, s0;
	[tilespmem:s0+$0x178] =	vst.add.f32.msk $0xffff, v1;
	s0 =	sadd.s32 @!p1 s1, s2;
	s2 =	sand.u32 @!p1 $0x7, s25  }
0xe9: {  	[hbm4b:s0+s2] =	stream.linear.scatter @!p1 [tilespmem:s3], [sflag:$0xA], $0x80, $0x38;
	[tilespmem:$0x1F6E8] =	vst v63  }
0xea: {  	s0 =	simm.s32 $0x0  }
0xeb: {  	s0 =	simm.s32 @!p1 $0x200  }
0xec: {  	s28 =	sadd.s32 s0, s28  }
.LBB2_16:
0xed: {  	s0 =	sadd.s32 $0x1, s19  }
0xee: {  	s2 =	smulhi.u32 $0x88888889, s0;
	_ =	sdelay $0x1  }
0xef: {  	v1 =	vld [tilespmem:s22+$0xFFFFFFC0];
	s2 =	sshrl.u32 s2, $0x7  }
0xf0: {  	s2 =	smul.u32 $0xF0, s2;
	_ =	sdelay $0x1  }
0xf1: {  	s19 =	ssub.s32 s0, s2  }
0xf2: {  	s0 =	sshll.u32 s19, $0x7  }
0xf3: {  	[tilespmem:s0+$0x108] =	vst v1  }
0xf4: {  	v1 =	vld [tilespmem:s22+$0xFFFFFFD0];
	_ =	sdelay $0x4  }
0xf5: {  	[tilespmem:s0+$0x118] =	vst v1  }
0xf6: {  	v1 =	vld [tilespmem:s22+$0xFFFFFFE0];
	_ =	sdelay $0x4  }
0xf7: {  	[tilespmem:s0+$0x128] =	vst v1  }
0xf8: {  	v1 =	vld [tilespmem:s22+$0xFFFFFFF0];
	_ =	sdelay $0x4  }
0xf9: {  	[tilespmem:s0+$0x138] =	vst v1  }
0xfa: {  	v1 =	vld [tilespmem:s22+$0x0];
	_ =	sdelay $0x4  }
0xfb: {  	[tilespmem:s0+$0x148] =	vst v1  }
0xfc: {  	v1 =	vld [tilespmem:s22+$0x10];
	_ =	sdelay $0x4  }
0xfd: {  	[tilespmem:s0+$0x158] =	vst v1  }
0xfe: {  	v1 =	vld [tilespmem:s22+$0x20];
	_ =	sdelay $0x4  }
0xff: {  	[tilespmem:s0+$0x168] =	vst v1  }
0x100: {  	v1 =	vld [tilespmem:s22+$0x30]  }
.Ltmp15:
0x101: {  	_ = 	snop;
	(pc) =	sbr.rel .LBB2_17-.Ltmp15, $2  }
0x102: {  	_ =	sdelay $0x2  }
0x103: {  	s24 =	sadd.s32 $0x1, s24;
	[tilespmem:s0+$0x178] =	vst v1  }
.LBB2_19:
.Ltmp16:
0x104: {  	(pc) =	sbr.rel .LBB2_20-.Ltmp16, $4  }
0x105: {  	_ = 	snop  }
0x106: {  	s0 =	simm.s32 $0x2  }
0x107: {  	_ =	swait.ge [sflag:s0], $0x0  }
0x108: {  	s26 =	smov.u32 s25;
	[sflag:s0] =	ssyncset.done $0x0;
	s0 =	simm.s32 $0x0  }
.LBB2_22:
0x109: {  	_ =	sfence.sel $0x180000  }
0x10a: {  	s0 =	simm.s32 $0x7;
	[bflag:$0x0] =	sbarrier.arrive $0xFFFF  }
0x10b: {  	s25 =	simm.s32 $0x8;
	[sflag:s0] =	ssyncpa.u1 $0x1  }
0x10c: {  	s26 =	simm.s32 $0x9;
	[sflag:s25] =	ssyncpa.u1 $0x1  }
0x10d: {  	s28 =	simm.s32 $0x2;
	[sflag:s26] =	ssyncpa.u1 $0x1  }
0x10e: {  	[sflag:s28] =	ssyncpa.u1 $0x1  }
0x10f: {  	v0 =	vld [tilespmem:$0xF208];
	_ =	sdelay $0x4  }
0x110: {  	(v2sf) =	vpush v0, $0x0  }
0x111: {  	(v2sf) =	vpush v0, $0x1;
	_ =	sdelay $0x1  }
0x112: {  	(v2sf) =	vpush v0, $0x2;
	_ =	sdelay $0xb  }
0x113: {  	s0 =	spop (v2sf)  }
0x114: {  	s2 =	spop (v2sf)  }
0x115: {  	s3 =	smov.u32 s0;
	p0 =	sne.s32 s0, s2  }
0x116: {  	s4 =	spop (v2sf);
	s3 =	simm.s32 @!p0 $0xFFFFFFFF  }
0x117: {  	v2 =	vimm.s32 $0x1;
	v3 =	vlaneseq.u32;
	p0 =	seq.s32 s4, $0xFFFFFFFF;
	v1 =	vmov s3  }
0x118: {  	s7 =	stileid.u32;
	v0 =	vperm.xlane v0, v2;
	p1 =	sne.s32 @!p0 s0, s2;
	v1 =	vperm.xlane v1, v3  }
0x119: {  	vm0 =	vcmask $0x3F04;
	s6 =	simm.s32 $0xF208;
	s0 =	simm.s32 @!p0 $0x1;
	p1 =	por !p1, p0  }
0x11a: {  	s3 =	sshll.u32 s7, $0x1;
	s2 =	sshll.u32 @!p0 s4, $0x9;
	s0 =	simm.s32 @p1 $0x0;
	v0 =	vsel vm0, v1, v0  }
0x11b: {  	s5 =	sor.u32 $0x1000, s3;
	s2 =	sshra.s32 @!p0 s2, $0x2;
	s0 =	sor.u32 @!p0 s0, s3;
	[tilespmem:$0xF208] =	vst v0  }
0x11c: {  	[spmem:s5] =	stream.linear.scatter [tilespmem:s6], [sflag:$0x1], $0x2, $0x38;
	[tilespmem:$0x1F6E8] =	vst v63  }
0x11d: {  	s2 =	sadd.s32 @!p0 $0x108, s2;
	s0 =	sshll.u32 @!p0 s0, $0x7  }
0x11e: {  	[spmem:s0] =	stream.linear.scatter @!p0 [tilespmem:s2], [sflag:$0x1], $0x80, $0x38;
	[tilespmem:$0x1F6E8] =	vst v63  }
0x11f: {  	s0 =	simm.s32 @!p0 $0x82  }
0x120: {  	s3 =	simm.s32 $0x1;
	s0 =	simm.s32 @p0 $0x2  }
0x121: {  	_ =	swait.ge [sflag:s3], s0  }
0x122: {  	s0 =	ssub.s32 $0x0, s0;
	[sflag:s3] =	ssyncset.done $0x0  }
0x123: {  	[sflag:s3] =	ssyncadd.s32 s0  }
0x124: {  	_ =	sfence.stream.spmem  }
0x125: {  	s29 =	simm.s32 $0x3;
	[bflag:$0x0] =	sbarrier.arrive $0xFFFF  }
0x126: {  	s30 =	simm.s32 $0x4;
	[sflag:s29] =	ssyncpa.u1 $0x1  }
0x127: {  	s31 =	simm.s32 $0x3C;
	[sflag:s30] =	ssyncpa.u1 $0x1  }
0x128: {  	p0 =	sne.s32 s7, $0x0;
	[sflag:s31] =	ssyncpa.u1 $0x1  }
0x129: {  	_ =	sfence @p0  }
0x12a: {  	[sflag:s3] =	ssyncpa.u1 @p0 $0x1  }
0x12b: {  	_ =	strace @p0 $0x90000052  }
0x12c: {  	[bflag:$0x2] =	sbarrier.arrive @p0 $0xFFFF  }
0x12d: {  	_ =	shalt @p0  }
.LBB2_23:
0x12e: {  	_ =	sfence.stream.spmem;
	s0 =	simm.s32 $0x5  }
0x12f: {  	s2 =	simm.s32 $0x1000;
	s3 =	simm.s32 $0xF218;
	[sflag:s0] =	ssyncpa.u1 $0x0  }
0x130: {  	[tilespmem:s3], [sflag:$0x5] =	stream.linear.gather [spmem:s2], $0x20, $0x38;
	[tilespmem:$0x1F6E8] =	vst v63  }
0x131: {  	s30 =	simm.s32 $0xF238;
	s2 =	simm.s32 $0x0  }
0x132: {  	[tilespmem:s30], [sflag:$0x5] =	stream.linear.gather [spmem:s2], $0x1000, $0x38;
	[tilespmem:$0x1F6E8] =	vst v63  }
.Ltmp17:
0x133: {  	_ = 	snop;
	(pc) =	sbr.rel .LBB2_24-.Ltmp17, $4  }
0x134: {  	_ =	swait.ge [sflag:s0], $0x1020  }
0x135: {  	[sflag:s0] =	ssyncset.done $0x0  }
0x136: {  	s31 =	simm.s32 $0x6;
	[sflag:s0] =	ssyncadd.s32 $0xFFFFEFE0  }
0x137: {  	s3 =	simm.s32 $0x0;
	[sflag:s31] =	ssyncpa.u1 $0x0  }
.LBB2_30:
0x138: {  	p0 =	slt.u32 s4, $0x9EBFF1  }
0x139: {  	s0 =	sand.u32 @p0 $0xFFFFF8, s4  }
0x13a: {  	s4 =	sand.u32 @p0 $0x7, s4;
	s5 =	simm.s32 @p0 $0xF188;
	s0 =	sadd.s32 @p0 s1, s0  }
0x13b: {  	[tilespmem:s5], [sflag:$0x6] =	stream.linear.gather @p0 [hbm4b:s0+s4], $0x80, $0x38;
	[tilespmem:$0x1F6E8] =	vst v63  }
0x13c: {  	s0 =	simm.s32 @p0 $0x6  }
0x13d: {  	_ =	swait.ge @p0 [sflag:s0], $0x80  }
0x13e: {  	[sflag:s0] =	ssyncset.done @p0 $0x0  }
0x13f: {  	[sflag:s0] =	ssyncadd.s32 @p0 $0xFFFFFF80  }
0x140: {  	v1 =	vld @p0 [tilespmem:$0xF188];
	_ =	sdelay $0x2  }
0x141: {  	s0 =	sshll.u32 @p0 s3, $0x9  }
0x142: {  	s4 =	sshrl.u32 @p0 s0, $0x2  }
0x143: {  	[tilespmem:s4+$0xF238] =	vst.add.f32.msk @p0 $0xffff, v1  }
0x144: {  	v1 =	vld @p0 [tilespmem:$0xF198];
	_ =	sdelay $0x4  }
0x145: {  	[tilespmem:s4+$0xF248] =	vst.add.f32.msk @p0 $0xffff, v1  }
0x146: {  	v1 =	vld @p0 [tilespmem:$0xF1A8];
	_ =	sdelay $0x4  }
0x147: {  	[tilespmem:s4+$0xF258] =	vst.add.f32.msk @p0 $0xffff, v1  }
0x148: {  	v1 =	vld @p0 [tilespmem:$0xF1B8];
	_ =	sdelay $0x4  }
0x149: {  	[tilespmem:s4+$0xF268] =	vst.add.f32.msk @p0 $0xffff, v1  }
0x14a: {  	v1 =	vld @p0 [tilespmem:$0xF1C8];
	_ =	sdelay $0x4  }
0x14b: {  	[tilespmem:s4+$0xF278] =	vst.add.f32.msk @p0 $0xffff, v1  }
0x14c: {  	v1 =	vld @p0 [tilespmem:$0xF1D8];
	_ =	sdelay $0x4  }
0x14d: {  	[tilespmem:s4+$0xF288] =	vst.add.f32.msk @p0 $0xffff, v1  }
0x14e: {  	v1 =	vld @p0 [tilespmem:$0xF1E8];
	_ =	sdelay $0x4  }
0x14f: {  	[tilespmem:s4+$0xF298] =	vst.add.f32.msk @p0 $0xffff, v1  }
0x150: {  	v1 =	vld @p0 [tilespmem:$0xF1F8];
	_ =	sdelay $0x3  }
0x151: {  	s5 =	sshll.u32 @!p0 s3, $0x9  }
0x152: {  	s5 =	smov.u32 @p0 s0;
	[tilespmem:s4+$0xF2A8] =	vst.add.f32.msk @p0 $0xffff, v1  }
0x153: {  	s0 =	sshrl.u32 s5, $0x2;
	[tilespmem:s2+$0xF218] =	vst.msk $0x1, v0  }
0x154: {  	v0 =	vld [tilespmem:s0+$0xF238];
	_ =	sdelay $0x2  }
0x155: {  	s31 =	sshll.u32 s2, $0x9  }
0x156: {  	s4 =	sshra.s32 s31, $0x2  }
0x157: {  	[tilespmem:s4+$0xF238] =	vst v0  }
0x158: {  	v0 =	vld [tilespmem:s0+$0xF248];
	_ =	sdelay $0x4  }
0x159: {  	[tilespmem:s4+$0xF248] =	vst v0  }
0x15a: {  	v0 =	vld [tilespmem:s0+$0xF258];
	_ =	sdelay $0x4  }
0x15b: {  	[tilespmem:s4+$0xF258] =	vst v0  }
0x15c: {  	v0 =	vld [tilespmem:s0+$0xF268];
	_ =	sdelay $0x4  }
0x15d: {  	[tilespmem:s4+$0xF268] =	vst v0  }
0x15e: {  	v0 =	vld [tilespmem:s0+$0xF278];
	_ =	sdelay $0x4  }
0x15f: {  	[tilespmem:s4+$0xF278] =	vst v0  }
0x160: {  	v0 =	vld [tilespmem:s0+$0xF288];
	_ =	sdelay $0x4  }
0x161: {  	[tilespmem:s4+$0xF288] =	vst v0  }
0x162: {  	v0 =	vld [tilespmem:s0+$0xF298];
	_ =	sdelay $0x4  }
0x163: {  	[tilespmem:s4+$0xF298] =	vst v0  }
0x164: {  	v0 =	vld [tilespmem:s0+$0xF2A8];
	_ =	sdelay $0x4  }
0x165: {  	s2 =	sadd.s32 $0x1, s2;
	[tilespmem:s4+$0xF2A8] =	vst v0  }
.LBB2_31:
0x166: {  	s3 =	sadd.s32 $0x1, s3  }
0x167: {  	p0 =	sne.s32 s3, $0x20  }
.Ltmp18:
0x168: {  	_ = 	snop;
	(pc) =	sbr.rel @!p0 .LBB2_32-.Ltmp18, $1  }
0x169: {  	_ =	sdelay $0x3  }
.LBB2_24:
0x16a: {  	v0 =	vld.msk [tilespmem:s3+$0xF218], $0x1;
	_ =	sdelay $0x4  }
0x16b: {  	(v2sf) =	vpush v0, $0x0;
	_ =	sdelay $0xe  }
0x16c: {  	s4 =	spop (v2sf)  }
0x16d: {  	p0 =	seq.s32 s4, $0xFFFFFFFF  }
.Ltmp19:
0x16e: {  	_ = 	snop;
	(pc) =	sbr.rel @p0 .LBB2_31-.Ltmp19, $1  }
0x16f: {  	_ =	sdelay $0x3  }
0x170: {  	p0 =	slt.s32 s2, $0x1  }
.Ltmp20:
0x171: {  	_ = 	snop;
	(pc) =	sbr.rel @p0 .LBB2_30-.Ltmp20, $1  }
0x172: {  	_ =	sdelay $0x3  }
0x173: {  	s5 =	simm.s32 $0xF218;
	p0 =	por $0x0, $0x0  }
0x174: {  	v1 =	vld.msk @!p0 [tilespmem:s5+$0x0], $0x1;
	_ =	sdelay $0x4  }
0x175: {  	(v2sf) =	vpush @!p0 v1, $0x0;
	_ =	sdelay $0xd  }
0x176: {  	p2 =	sne.s32 s2, $0x1  }
.Ltmp21:
0x177: {  	s0 =	spop @!p0 (v2sf);
	(pc) =	sbr.rel @!p2 .LBB2_28-.Ltmp21, $4  }
0x178: {  	p1 =	seq.s32 @!p0 s4, s0  }
0x179: {  	s6 =	simm.s32 $0x0;
	p1 =	por !p1, p0  }
0x17a: {  	s0 =	simm.s32 $0xFFFFFFFF;
	s6 =	simm.s32 @p1 $0xFFFFFFFF  }
0x17b: {  	s7 =	simm.s32 $0x1;
	s6 =	smov.u32 @p0 s0  }
.LBB2_27:
0x17c: {  	s0 =	smov.u32 s6;
	p0 =	sne.s32 s6, $0xFFFFFFFF  }
0x17d: {  	s5 =	sadd.s32 $0x1, s5;
	s6 =	smov.u32 s7;
	s7 =	sadd.s32 $0x1, s7  }
0x17e: {  	p1 =	sne.s32 s2, s7;
	v1 =	vld.msk @!p0 [tilespmem:s5+$0x0], $0x1;
	_ =	sdelay $0x4  }
0x17f: {  	(v2sf) =	vpush @!p0 v1, $0x0;
	_ =	sdelay $0xe  }
.Ltmp22:
0x180: {  	s8 =	spop @!p0 (v2sf);
	(pc) =	sbr.rel @p1 .LBB2_27-.Ltmp22, $4  }
0x181: {  	p2 =	seq.s32 @!p0 s4, s8  }
0x182: {  	p2 =	por !p2, p0  }
0x183: {  	s6 =	simm.s32 @p2 $0xFFFFFFFF  }
0x184: {  	s6 =	smov.u32 @p0 s0  }
.LBB2_28:
0x185: {  	p0 =	seq.s32 s6, $0xFFFFFFFF  }
.Ltmp23:
0x186: {  	_ = 	snop;
	(pc) =	sbr.rel @p0 .LBB2_30-.Ltmp23, $1  }
0x187: {  	_ =	sdelay $0x3  }
0x188: {  	s0 =	sshll.u32 s3, $0x7  }
0x189: {  	s0 =	sand.u32 $0x3FFFFF80, s0  }
0x18a: {  	v0 =	vld [tilespmem:s0+$0xF238];
	_ =	sdelay $0x2  }
0x18b: {  	s4 =	sshll.u32 s6, $0x9  }
0x18c: {  	s4 =	sshra.s32 s4, $0x2  }
0x18d: {  	[tilespmem:s4+$0xF238] =	vst.add.f32.msk $0xffff, v0  }
0x18e: {  	v0 =	vld [tilespmem:s0+$0xF248];
	_ =	sdelay $0x4  }
0x18f: {  	[tilespmem:s4+$0xF248] =	vst.add.f32.msk $0xffff, v0  }
0x190: {  	v0 =	vld [tilespmem:s0+$0xF258];
	_ =	sdelay $0x4  }
0x191: {  	[tilespmem:s4+$0xF258] =	vst.add.f32.msk $0xffff, v0  }
0x192: {  	v0 =	vld [tilespmem:s0+$0xF268];
	_ =	sdelay $0x4  }
0x193: {  	[tilespmem:s4+$0xF268] =	vst.add.f32.msk $0xffff, v0  }
0x194: {  	v0 =	vld [tilespmem:s0+$0xF278];
	_ =	sdelay $0x4  }
0x195: {  	[tilespmem:s4+$0xF278] =	vst.add.f32.msk $0xffff, v0  }
0x196: {  	v0 =	vld [tilespmem:s0+$0xF288];
	_ =	sdelay $0x4  }
0x197: {  	[tilespmem:s4+$0xF288] =	vst.add.f32.msk $0xffff, v0  }
0x198: {  	v0 =	vld [tilespmem:s0+$0xF298];
	_ =	sdelay $0x4  }
0x199: {  	[tilespmem:s4+$0xF298] =	vst.add.f32.msk $0xffff, v0  }
0x19a: {  	v0 =	vld [tilespmem:s0+$0xF2A8]  }
.Ltmp24:
0x19b: {  	_ = 	snop;
	(pc) =	sbr.rel .LBB2_31-.Ltmp24, $2  }
0x19c: {  	_ =	sdelay $0x2  }
0x19d: {  	[tilespmem:s4+$0xF2A8] =	vst.add.f32.msk $0xffff, v0  }
.LBB2_32:
0x19e: {  	p0 =	slt.s32 s2, $0x1  }
.Ltmp25:
0x19f: {  	_ = 	snop;
	(pc) =	sbr.rel @p0 .LBB2_36-.Ltmp25, $3  }
0x1a0: {  	_ =	sdelay $0x1  }
0x1a1: {  	s0 =	simm.s32 $0x6  }
0x1a2: {  	s3 =	simm.s32 $0x0;
	[sflag:s0] =	ssyncpa.u1 $0x1  }
0x1a3: {  	s0 =	simm.s32 $0xF218  }
0x1a4: {  	v0 =	vld.msk [tilespmem:s0+$0x0], $0x1;
	_ =	sdelay $0x4  }
0x1a5: {  	(v2sf) =	vpush v0, $0x0;
	_ =	sdelay $0xd  }
0x1a6: {  	s2 =	sadd.s32 $0xFFFFFFFF, s2  }
0x1a7: {  	p1 =	sne.s32 s2, $0x0;
	s0 =	spop (v2sf)  }
.Ltmp26:
0x1a8: {  	p0 =	sgt.u32 s0, $0x9EBFF0;
	(pc) =	sbr.rel @!p1 .LBB2_35-.Ltmp26, $4  }
0x1a9: {  	s4 =	simm.s32 $0xF238;
	s5 =	sand.u32 @!p0 $0xFFFFF8, s0  }
0x1aa: {  	s6 =	simm.s32 $0x0;
	s0 =	sand.u32 @!p0 $0x7, s0;
	s5 =	sadd.s32 @!p0 s1, s5  }
0x1ab: {  	[hbm4b:s5+s0] =	stream.linear.scatter @!p0 [tilespmem:s4], [sflag:$0x5], $0x80, $0x38;
	[tilespmem:$0x1F6E8] =	vst v63  }
0x1ac: {  	s6 =	simm.s32 @!p0 $0x200;
	s5 =	simm.s32 $0xF219  }
.LBB2_34:
0x1ad: {  	v0 =	vld.msk [tilespmem:s5+$0x0], $0x1;
	s2 =	sadd.s32 $0xFFFFFFFF, s2;
	s3 =	sadd.s32 s3, s6  }
0x1ae: {  	p0 =	sne.s32 s2, $0x0;
	_ =	sdelay $0x3  }
0x1af: {  	(v2sf) =	vpush v0, $0x0;
	_ =	sdelay $0xe  }
.Ltmp27:
0x1b0: {  	s0 =	spop (v2sf);
	(pc) =	sbr.rel @p0 .LBB2_34-.Ltmp27, $4  }
0x1b1: {  	s6 =	simm.s32 $0x0;
	p1 =	sgt.u32 s0, $0x9EBFF0  }
0x1b2: {  	s4 =	sadd.s32 $0x80, s4;
	s6 =	simm.s32 @!p1 $0x200;
	s7 =	sand.u32 @!p1 $0xFFFFF8, s0  }
0x1b3: {  	s5 =	sadd.s32 $0x1, s5;
	s0 =	sand.u32 @!p1 $0x7, s0;
	s7 =	sadd.s32 @!p1 s1, s7  }
0x1b4: {  	[hbm4b:s7+s0] =	stream.linear.scatter @!p1 [tilespmem:s4], [sflag:$0x5], $0x80, $0x38;
	[tilespmem:$0x1F6E8] =	vst v63  }
.LBB2_35:
0x1b5: {  	s0 =	sadd.s32 s3, s6  }
0x1b6: {  	s3 =	sshrl.u32 s0, $0x2  }
.LBB2_36:
0x1b7: {  	s0 =	simm.s32 $0x5  }
0x1b8: {  	_ =	swait.ge [sflag:s0], s3  }
0x1b9: {  	s1 =	ssub.s32 $0x0, s3;
	[sflag:s0] =	ssyncset.done $0x0  }
0x1ba: {  	[sflag:s0] =	ssyncadd.s32 s1  }
0x1bb: {  	[sflag:s0] =	ssyncpa.u1 $0x1  }
0x1bc: {  	s30 =	simm.s32 $0x1;
	_ =	sfence  }
0x1bd: {  	[sflag:s30] =	ssyncpa.u1 $0x1  }
0x1be: {  	_ =	strace $0x90000052  }
0x1bf: {  	[bflag:$0x2] =	sbarrier.arrive $0xFFFF  }
0x1c0: {  	s31 =	rddreg [dreg:$0x2]  }
0x1c1: {  	s0 =	sadd.s32 $0x100000, s31  }
0x1c2: {  	[sflag:s0] =	ssyncadd.tile.s32 $0x1;
	_ =	shalt  }
.Lfunc_end2:
_tile_overlayer_lowered:
.L_overlay_start_2:
0x1c3: {  	(tag) =	ssettag $0x2  }
0x1c4: {  	s0 =	rddreg [dreg:$0x0];
	s2 =	stileid.u32  }
0x1c5: {  	s1 =	rddreg [dreg:$0x1];
	p0 =	sne.s32 s2, $0x0  }
0x1c6: {  	s3 =	rddreg [dreg:$0x2];
	[bflag:$0x3] =	sbarrier.arrive $0xFFFF;
	s2 =	simm.s32 @!p0 $0x1C01  }
0x1c7: {  	[timem:s3], [sflag:s2] =	dma.local @!p0 [hbm:s0], s1  }
0x1c8: {  	s0 =	simm.s32 @!p0 $0x1  }
0x1c9: {  	_ =	swait.ge @!p0 [sflag:s0], s1  }
0x1ca: {  	s1 =	ssub.s32 @!p0 $0x0, s1;
	[sflag:s0] =	ssyncset.done @!p0 $0x0  }
0x1cb: {  	[sflag:s0] =	ssyncadd.s32 @!p0 s1  }
0x1cc: {  	[bflag:$0x3] =	sbarrier.arrive $0xFFFF  }
0x1cd: {  	_ =	shalt  }

</sc_bundles>
